<compile_context>
chip_gen: v7x
topology: tpu7x:2x2x1
jax: 0.10.2.dev20260603
libtpu: 0.0.44.dev20260713+nightly
codegen_flags: <defaults>
</compile_context>

<pallas_src>
import jax
import jax.numpy as jnp
from jax import lax
from jax.experimental import pallas as pl
from jax.experimental.pallas import tpu as pltpu
from jax.experimental.pallas import tpu_sc as plsc

_D = 128
_L = 200
_B = 1024
_N = _B * _L
_EPS = 1e-12

_NC = 2
_NS = 16
_NW = _NC * _NS
_CHUNK = 128
_PER_W = _N // _NW
_NCHUNK = _PER_W // _CHUNK

_ROWS_TC = 6400


_NBUF = 6
_LA = 3


def _sc_gather_body(ids_hbm, tok_hbm, out_hbm, idx_v, *scr):
    rows = list(scr[:_NBUF])
    gsem = list(scr[_NBUF:2 * _NBUF])
    wsem = list(scr[2 * _NBUF:3 * _NBUF])
    wid = lax.axis_index("s") * _NC + lax.axis_index("c")
    base = wid * _PER_W

    pltpu.sync_copy(ids_hbm.at[pl.ds(base, _PER_W)], idx_v)

    for i in range(_NCHUNK + _LA):
        if i < _NCHUNK:
            b = i % _NBUF
            if i >= _NBUF:
                pltpu.make_async_copy(
                    rows[b], out_hbm.at[pl.ds(base + (i - _NBUF) * _CHUNK, _CHUNK)],
                    wsem[b]).wait()
            pltpu.async_copy(
                tok_hbm.at[idx_v.at[pl.ds(i * _CHUNK, _CHUNK)]], rows[b], gsem[b])
        j = i - _LA
        if j >= 0:
            bj = j % _NBUF
            pltpu.make_async_copy(
                tok_hbm.at[idx_v.at[pl.ds(j * _CHUNK, _CHUNK)]], rows[bj],
                gsem[bj]).wait()
            pltpu.async_copy(
                rows[bj], out_hbm.at[pl.ds(base + j * _CHUNK, _CHUNK)], wsem[bj])
    for j in range(_NCHUNK - _NBUF, _NCHUNK):
        bj = j % _NBUF
        pltpu.make_async_copy(
            rows[bj], out_hbm.at[pl.ds(base + j * _CHUNK, _CHUNK)], wsem[bj]).wait()


def _tc_ln_body(tok_ref, pos_ref, sid_ref, seg_ref, gam_ref, bet_ref, o_ref):
    x = tok_ref[...]
    sidf = sid_ref[...][..., None]
    seg0 = seg_ref[0, :][None, None, :]
    seg1 = seg_ref[1, :][None, None, :]
    x = x + pos_ref[...] + seg0 + sidf * (seg1 - seg0)
    mean = jnp.mean(x, axis=-1, keepdims=True)
    xc = x - mean
    var = jnp.mean(xc * xc, axis=-1, keepdims=True)
    xn = xc * lax.rsqrt(var + _EPS)
    o_ref[...] = xn * gam_ref[...][None] + bet_ref[...][None]


def kernel(input_ids, segment_ids, token_emb, pos_emb, segment_emb, gamma, beta):
    Lcur = input_ids.shape[1]
    ids_flat = input_ids.reshape(-1).astype(jnp.int32)
    sidf = segment_ids.astype(jnp.float32)
    pos = pos_emb[:Lcur]

    gathered = pl.kernel(
        _sc_gather_body,
        out_type=jax.ShapeDtypeStruct((_N, _D), jnp.float32),
        mesh=plsc.VectorSubcoreMesh(core_axis_name="c", subcore_axis_name="s"),
        scratch_types=(
            [pltpu.VMEM((_PER_W,), jnp.int32)]
            + [pltpu.VMEM((_CHUNK, _D), jnp.float32)] * _NBUF
            + [pltpu.SemaphoreType.DMA] * (2 * _NBUF)
        ),
    )(ids_flat, token_emb)

    _BB = _ROWS_TC // _L
    out = pl.pallas_call(
        _tc_ln_body,
        grid=(_B // _BB,),
        in_specs=[
            pl.BlockSpec((_BB, _L, _D), lambda i: (i, 0, 0)),
            pl.BlockSpec((1, _L, _D), lambda i: (0, 0, 0)),
            pl.BlockSpec((_BB, _L), lambda i: (i, 0)),
            pl.BlockSpec((2, _D), lambda i: (0, 0)),
            pl.BlockSpec((1, _D), lambda i: (0, 0)),
            pl.BlockSpec((1, _D), lambda i: (0, 0)),
        ],
        out_specs=pl.BlockSpec((_BB, _L, _D), lambda i: (i, 0, 0)),
        out_shape=jax.ShapeDtypeStruct((_B, Lcur, _D), jnp.float32),
    )(gathered.reshape(_B, Lcur, _D), pos[None], sidf, segment_emb,
      gamma.reshape(1, _D), beta.reshape(1, _D))

    return out

# --- scband reference (transcript-rebuilt; emitter-appended) ---
"""Pipeline reference for scband-bertembedding-22033182228519 (READ-ONLY COPY).

The authoritative reference and input builder live on the scoring server;
editing this copy changes nothing except your own understanding.
"""

import jax, jax.numpy as jnp
import numpy as np

VOCAB = 100000
D = 128
MAX_LEN = 512
B = 1024
L = 200
PAD_ID = 0
EPS = 1e-12


def setup_inputs(seed: int = 0) -> dict:
    key = jax.random.key(seed)
    k1, k2, k3, k4, k5 = jax.random.split(key, 5)
    input_ids = jax.random.randint(k1, (B, L), 0, VOCAB, dtype=jnp.int64) if jax.config.jax_enable_x64 else jax.random.randint(k1, (B, L), 0, VOCAB, dtype=jnp.int32)
    segment_ids = jax.random.randint(k2, (B, L), 0, 2, dtype=jnp.int32)
    token_emb = jax.random.normal(k3, (VOCAB, D), dtype=jnp.float32) * 0.02
    token_emb = token_emb.at[PAD_ID].set(0.0)  # padding_idx row is zeros
    pos_emb = jax.random.normal(k4, (MAX_LEN, D), dtype=jnp.float32) * 0.02
    segment_emb = jax.random.normal(k5, (2, D), dtype=jnp.float32) * 0.02
    gamma = jnp.ones((D,), dtype=jnp.float32)
    beta = jnp.zeros((D,), dtype=jnp.float32)
    return {
        "input_ids": input_ids,
        "segment_ids": segment_ids,
        "token_emb": token_emb,
        "pos_emb": pos_emb,
        "segment_emb": segment_emb,
        "gamma": gamma,
        "beta": beta,
    }


def reference(input_ids, segment_ids, token_emb, pos_emb, segment_emb, gamma, beta):
    # padding_idx semantics: row PAD_ID of the token table contributes zeros
    tok_table = token_emb.at[PAD_ID].set(0.0)
    Lcur = input_ids.shape[1]
    tok = jnp.take(tok_table, input_ids, axis=0)            # (B, L, D) gather
    pos = pos_emb[:Lcur][None, :, :]                        # (1, L, D)
    seg = jnp.take(segment_emb, segment_ids, axis=0)        # (B, L, D) gather
    x = tok + pos + seg
    mean = jnp.mean(x, axis=-1, keepdims=True)
    var = jnp.mean((x - mean) ** 2, axis=-1, keepdims=True)
    xn = (x - mean) / jnp.sqrt(var + EPS)
    out = xn * gamma + beta
    # dropout p=0.0 -> identity
    return out

if __name__ == "__main__":
    import jax
    _d = setup_inputs()
    print(jax.jit(kernel)(*tuple(_d.values())))

</pallas_src>

<mosaic_0001>
#map = affine_map<(d0, d1) -> (0)>
#map1 = affine_map<(d0, d1) -> (0, 0)>
module attributes {stable_mosaic.version = 14 : i64} {
  func.func @_sc_gather_body(%arg0: i32, %arg1: i32, %arg2: memref<204800xi32, #tpu.memory_space<hbm>>, %arg3: memref<100000x128xf32, #tpu.memory_space<hbm>>, %arg4: memref<204800x128xf32, #tpu.memory_space<hbm>>, %arg5: memref<6400xi32, #tpu.memory_space<vmem>>, %arg6: memref<128x128xf32, #tpu.memory_space<vmem>>, %arg7: memref<128x128xf32, #tpu.memory_space<vmem>>, %arg8: memref<128x128xf32, #tpu.memory_space<vmem>>, %arg9: memref<128x128xf32, #tpu.memory_space<vmem>>, %arg10: memref<128x128xf32, #tpu.memory_space<vmem>>, %arg11: memref<128x128xf32, #tpu.memory_space<vmem>>, %arg12: memref<!tpu.dma_semaphore, #tpu.memory_space<semaphore_mem>>, %arg13: memref<!tpu.dma_semaphore, #tpu.memory_space<semaphore_mem>>, %arg14: memref<!tpu.dma_semaphore, #tpu.memory_space<semaphore_mem>>, %arg15: memref<!tpu.dma_semaphore, #tpu.memory_space<semaphore_mem>>, %arg16: memref<!tpu.dma_semaphore, #tpu.memory_space<semaphore_mem>>, %arg17: memref<!tpu.dma_semaphore, #tpu.memory_space<semaphore_mem>>, %arg18: memref<!tpu.dma_semaphore, #tpu.memory_space<semaphore_mem>>, %arg19: memref<!tpu.dma_semaphore, #tpu.memory_space<semaphore_mem>>, %arg20: memref<!tpu.dma_semaphore, #tpu.memory_space<semaphore_mem>>, %arg21: memref<!tpu.dma_semaphore, #tpu.memory_space<semaphore_mem>>, %arg22: memref<!tpu.dma_semaphore, #tpu.memory_space<semaphore_mem>>, %arg23: memref<!tpu.dma_semaphore, #tpu.memory_space<semaphore_mem>>) attributes {dimension_semantics = [#tpu.dimension_semantics<core_parallel>, #tpu.dimension_semantics<subcore_parallel>], iteration_bounds = array<i64: 2, 16>, scalar_prefetch = 0 : i64, scratch_operands = 19 : i64, tpu.core_type = #tpu.core_type<sc_vector_subcore>, window_params = [{transform_indices = #map}, {transform_indices = #map1}, {transform_indices = #map1}]} {
    %mul3A = arith.constant 2 : i32
    %mul3A_0 = arith.muli %arg1, %mul3A : i32
    %add3A = arith.addi %mul3A_0, %arg0 : i32
    %mul3A_1 = arith.constant 6400 : i32
    %mul3A_2 = arith.muli %add3A, %mul3A_1 : i32
    "tpu.region"() ({
      %run_scoped3A = tpu.sem_alloc : memref<!tpu.dma_semaphore, #tpu.memory_space<semaphore_mem>>
      %dma_start3A_1101 = tpu.memref_slice %arg2[%mul3A_2] : memref<204800xi32, #tpu.memory_space<hbm>> -> memref<6400xi32, #tpu.memory_space<hbm>>
      %dma_start3A_1102 = tpu.memref_slice %arg2[%mul3A_2] : memref<204800xi32, #tpu.memory_space<hbm>> -> memref<6400xi32, #tpu.memory_space<hbm>>
      tpu.enqueue_dma source(%dma_start3A_1102 : memref<6400xi32, #tpu.memory_space<hbm>>) target(%arg5 : memref<6400xi32, #tpu.memory_space<vmem>>) target_semaphore(%run_scoped3A : memref<!tpu.dma_semaphore, #tpu.memory_space<semaphore_mem>>)
      %dma_wait3A_1103 = tpu.memref_slice %arg2[%mul3A_2] : memref<204800xi32, #tpu.memory_space<hbm>> -> memref<6400xi32, #tpu.memory_space<hbm>>
      %dma_wait3A_1104 = tpu.memref_slice %arg2[%mul3A_2] : memref<204800xi32, #tpu.memory_space<hbm>> -> memref<6400xi32, #tpu.memory_space<hbm>>
      tpu.wait_dma2 semaphore(%run_scoped3A : memref<!tpu.dma_semaphore, #tpu.memory_space<semaphore_mem>>) src(%dma_wait3A_1104 : memref<6400xi32, #tpu.memory_space<hbm>>) dst(%arg5 : memref<6400xi32, #tpu.memory_space<vmem>>)
      tpu.yield
    }) : () -> ()
    %dma_start3A = arith.constant 0 : i32
    %dma_start3A_3 = tpu.memref_slice %arg5[%dma_start3A] : memref<6400xi32, #tpu.memory_space<vmem>> -> memref<128xi32, #tpu.memory_space<vmem>>
    %dma_start3A_4 = arith.constant 0 : i32
    %dma_start3A_5 = arith.constant 0 : i32
    %dma_start3A_6 = tpu.memref_slice %arg3[%dma_start3A_4, %dma_start3A_5] : memref<100000x128xf32, #tpu.memory_space<hbm>> -> memref<100000x128xf32, #tpu.memory_space<hbm>>
    tpu.enqueue_indirect_dma source(%dma_start3A_6 : memref<100000x128xf32, #tpu.memory_space<hbm>>) target(%arg6 : memref<128x128xf32, #tpu.memory_space<vmem>>) offsets(%dma_start3A_3 : memref<128xi32, #tpu.memory_space<vmem>>) semaphore(%arg12 : memref<!tpu.dma_semaphore, #tpu.memory_space<semaphore_mem>>)
    %dma_start3A_7 = arith.constant 128 : i32
    %dma_start3A_8 = tpu.memref_slice %arg5[%dma_start3A_7] : memref<6400xi32, #tpu.memory_space<vmem>> -> memref<128xi32, #tpu.memory_space<vmem>>
    %dma_start3A_9 = arith.constant 0 : i32
    %dma_start3A_10 = arith.constant 0 : i32
    %dma_start3A_11 = tpu.memref_slice %arg3[%dma_start3A_9, %dma_start3A_10] : memref<100000x128xf32, #tpu.memory_space<hbm>> -> memref<100000x128xf32, #tpu.memory_space<hbm>>
    tpu.enqueue_indirect_dma source(%dma_start3A_11 : memref<100000x128xf32, #tpu.memory_space<hbm>>) target(%arg7 : memref<128x128xf32, #tpu.memory_space<vmem>>) offsets(%dma_start3A_8 : memref<128xi32, #tpu.memory_space<vmem>>) semaphore(%arg13 : memref<!tpu.dma_semaphore, #tpu.memory_space<semaphore_mem>>)
    %dma_start3A_12 = arith.constant 256 : i32
    %dma_start3A_13 = tpu.memref_slice %arg5[%dma_start3A_12] : memref<6400xi32, #tpu.memory_space<vmem>> -> memref<128xi32, #tpu.memory_space<vmem>>
    %dma_start3A_14 = arith.constant 0 : i32
    %dma_start3A_15 = arith.constant 0 : i32
    %dma_start3A_16 = tpu.memref_slice %arg3[%dma_start3A_14, %dma_start3A_15] : memref<100000x128xf32, #tpu.memory_space<hbm>> -> memref<100000x128xf32, #tpu.memory_space<hbm>>
    tpu.enqueue_indirect_dma source(%dma_start3A_16 : memref<100000x128xf32, #tpu.memory_space<hbm>>) target(%arg8 : memref<128x128xf32, #tpu.memory_space<vmem>>) offsets(%dma_start3A_13 : memref<128xi32, #tpu.memory_space<vmem>>) semaphore(%arg14 : memref<!tpu.dma_semaphore, #tpu.memory_space<semaphore_mem>>)
    %dma_start3A_17 = arith.constant 384 : i32
    %dma_start3A_18 = tpu.memref_slice %arg5[%dma_start3A_17] : memref<6400xi32, #tpu.memory_space<vmem>> -> memref<128xi32, #tpu.memory_space<vmem>>
    %dma_start3A_19 = arith.constant 0 : i32
    %dma_start3A_20 = arith.constant 0 : i32
    %dma_start3A_21 = tpu.memref_slice %arg3[%dma_start3A_19, %dma_start3A_20] : memref<100000x128xf32, #tpu.memory_space<hbm>> -> memref<100000x128xf32, #tpu.memory_space<hbm>>
    tpu.enqueue_indirect_dma source(%dma_start3A_21 : memref<100000x128xf32, #tpu.memory_space<hbm>>) target(%arg9 : memref<128x128xf32, #tpu.memory_space<vmem>>) offsets(%dma_start3A_18 : memref<128xi32, #tpu.memory_space<vmem>>) semaphore(%arg15 : memref<!tpu.dma_semaphore, #tpu.memory_space<semaphore_mem>>)
    %dma_wait3A = arith.constant 0 : i32
    %dma_wait3A_22 = tpu.memref_slice %arg5[%dma_wait3A] : memref<6400xi32, #tpu.memory_space<vmem>> -> memref<128xi32, #tpu.memory_space<vmem>>
    %dma_wait3A_23 = arith.constant 0 : i32
    %dma_wait3A_24 = arith.constant 0 : i32
    %dma_wait3A_25 = tpu.memref_slice %arg3[%dma_wait3A_23, %dma_wait3A_24] : memref<100000x128xf32, #tpu.memory_space<hbm>> -> memref<100000x128xf32, #tpu.memory_space<hbm>>
    tpu.wait_indirect_dma semaphore(%arg12 : memref<!tpu.dma_semaphore, #tpu.memory_space<semaphore_mem>>) src(%dma_wait3A_25 : memref<100000x128xf32, #tpu.memory_space<hbm>>) dst(%arg6 : memref<128x128xf32, #tpu.memory_space<vmem>>)
    %add3A_26 = arith.constant 0 : i32
    %add3A_27 = arith.addi %mul3A_2, %add3A_26 : i32
    %dma_start3A_28 = arith.constant 0 : i32
    %dma_start3A_29 = tpu.memref_slice %arg4[%add3A_27, %dma_start3A_28] : memref<204800x128xf32, #tpu.memory_space<hbm>> -> memref<128x128xf32, #tpu.memory_space<hbm>>
    %dma_start3A_30 = arith.constant 0 : i32
    %dma_start3A_31 = tpu.memref_slice %arg4[%add3A_27, %dma_start3A_30] : memref<204800x128xf32, #tpu.memory_space<hbm>> -> memref<128x128xf32, #tpu.memory_space<hbm>>
    tpu.enqueue_dma source(%arg6 : memref<128x128xf32, #tpu.memory_space<vmem>>) target(%dma_start3A_31 : memref<128x128xf32, #tpu.memory_space<hbm>>) target_semaphore(%arg18 : memref<!tpu.dma_semaphore, #tpu.memory_space<semaphore_mem>>)
    %dma_start3A_32 = arith.constant 512 : i32
    %dma_start3A_33 = tpu.memref_slice %arg5[%dma_start3A_32] : memref<6400xi32, #tpu.memory_space<vmem>> -> memref<128xi32, #tpu.memory_space<vmem>>
    %dma_start3A_34 = arith.constant 0 : i32
    %dma_start3A_35 = arith.constant 0 : i32
    %dma_start3A_36 = tpu.memref_slice %arg3[%dma_start3A_34, %dma_start3A_35] : memref<100000x128xf32, #tpu.memory_space<hbm>> -> memref<100000x128xf32, #tpu.memory_space<hbm>>
    tpu.enqueue_indirect_dma source(%dma_start3A_36 : memref<100000x128xf32, #tpu.memory_space<hbm>>) target(%arg10 : memref<128x128xf32, #tpu.memory_space<vmem>>) offsets(%dma_start3A_33 : memref<128xi32, #tpu.memory_space<vmem>>) semaphore(%arg16 : memref<!tpu.dma_semaphore, #tpu.memory_space<semaphore_mem>>)
    %dma_wait3A_37 = arith.constant 128 : i32
    %dma_wait3A_38 = tpu.memref_slice %arg5[%dma_wait3A_37] : memref<6400xi32, #tpu.memory_space<vmem>> -> memref<128xi32, #tpu.memory_space<vmem>>
    %dma_wait3A_39 = arith.constant 0 : i32
    %dma_wait3A_40 = arith.constant 0 : i32
    %dma_wait3A_41 = tpu.memref_slice %arg3[%dma_wait3A_39, %dma_wait3A_40] : memref<100000x128xf32, #tpu.memory_space<hbm>> -> memref<100000x128xf32, #tpu.memory_space<hbm>>
    tpu.wait_indirect_dma semaphore(%arg13 : memref<!tpu.dma_semaphore, #tpu.memory_space<semaphore_mem>>) src(%dma_wait3A_41 : memref<100000x128xf32, #tpu.memory_space<hbm>>) dst(%arg7 : memref<128x128xf32, #tpu.memory_space<vmem>>)
    %add3A_42 = arith.constant 128 : i32
    %add3A_43 = arith.addi %mul3A_2, %add3A_42 : i32
    %dma_start3A_44 = arith.constant 0 : i32
    %dma_start3A_45 = tpu.memref_slice %arg4[%add3A_43, %dma_start3A_44] : memref<204800x128xf32, #tpu.memory_space<hbm>> -> memref<128x128xf32, #tpu.memory_space<hbm>>
    %dma_start3A_46 = arith.constant 0 : i32
    %dma_start3A_47 = tpu.memref_slice %arg4[%add3A_43, %dma_start3A_46] : memref<204800x128xf32, #tpu.memory_space<hbm>> -> memref<128x128xf32, #tpu.memory_space<hbm>>
    tpu.enqueue_dma source(%arg7 : memref<128x128xf32, #tpu.memory_space<vmem>>) target(%dma_start3A_47 : memref<128x128xf32, #tpu.memory_space<hbm>>) target_semaphore(%arg19 : memref<!tpu.dma_semaphore, #tpu.memory_space<semaphore_mem>>)
    %dma_start3A_48 = arith.constant 640 : i32
    %dma_start3A_49 = tpu.memref_slice %arg5[%dma_start3A_48] : memref<6400xi32, #tpu.memory_space<vmem>> -> memref<128xi32, #tpu.memory_space<vmem>>
    %dma_start3A_50 = arith.constant 0 : i32
    %dma_start3A_51 = arith.constant 0 : i32
    %dma_start3A_52 = tpu.memref_slice %arg3[%dma_start3A_50, %dma_start3A_51] : memref<100000x128xf32, #tpu.memory_space<hbm>> -> memref<100000x128xf32, #tpu.memory_space<hbm>>
    tpu.enqueue_indirect_dma source(%dma_start3A_52 : memref<100000x128xf32, #tpu.memory_space<hbm>>) target(%arg11 : memref<128x128xf32, #tpu.memory_space<vmem>>) offsets(%dma_start3A_49 : memref<128xi32, #tpu.memory_space<vmem>>) semaphore(%arg17 : memref<!tpu.dma_semaphore, #tpu.memory_space<semaphore_mem>>)
    %dma_wait3A_53 = arith.constant 256 : i32
    %dma_wait3A_54 = tpu.memref_slice %arg5[%dma_wait3A_53] : memref<6400xi32, #tpu.memory_space<vmem>> -> memref<128xi32, #tpu.memory_space<vmem>>
    %dma_wait3A_55 = arith.constant 0 : i32
    %dma_wait3A_56 = arith.constant 0 : i32
    %dma_wait3A_57 = tpu.memref_slice %arg3[%dma_wait3A_55, %dma_wait3A_56] : memref<100000x128xf32, #tpu.memory_space<hbm>> -> memref<100000x128xf32, #tpu.memory_space<hbm>>
    tpu.wait_indirect_dma semaphore(%arg14 : memref<!tpu.dma_semaphore, #tpu.memory_space<semaphore_mem>>) src(%dma_wait3A_57 : memref<100000x128xf32, #tpu.memory_space<hbm>>) dst(%arg8 : memref<128x128xf32, #tpu.memory_space<vmem>>)
    %add3A_58 = arith.constant 256 : i32
    %add3A_59 = arith.addi %mul3A_2, %add3A_58 : i32
    %dma_start3A_60 = arith.constant 0 : i32
    %dma_start3A_61 = tpu.memref_slice %arg4[%add3A_59, %dma_start3A_60] : memref<204800x128xf32, #tpu.memory_space<hbm>> -> memref<128x128xf32, #tpu.memory_space<hbm>>
    %dma_start3A_62 = arith.constant 0 : i32
    %dma_start3A_63 = tpu.memref_slice %arg4[%add3A_59, %dma_start3A_62] : memref<204800x128xf32, #tpu.memory_space<hbm>> -> memref<128x128xf32, #tpu.memory_space<hbm>>
    tpu.enqueue_dma source(%arg8 : memref<128x128xf32, #tpu.memory_space<vmem>>) target(%dma_start3A_63 : memref<128x128xf32, #tpu.memory_space<hbm>>) target_semaphore(%arg20 : memref<!tpu.dma_semaphore, #tpu.memory_space<semaphore_mem>>)
    %add3A_64 = arith.constant 0 : i32
    %add3A_65 = arith.addi %mul3A_2, %add3A_64 : i32
    %dma_wait3A_66 = arith.constant 0 : i32
    %dma_wait3A_67 = tpu.memref_slice %arg4[%add3A_65, %dma_wait3A_66] : memref<204800x128xf32, #tpu.memory_space<hbm>> -> memref<128x128xf32, #tpu.memory_space<hbm>>
    %dma_wait3A_68 = arith.constant 0 : i32
    %dma_wait3A_69 = tpu.memref_slice %arg4[%add3A_65, %dma_wait3A_68] : memref<204800x128xf32, #tpu.memory_space<hbm>> -> memref<128x128xf32, #tpu.memory_space<hbm>>
    tpu.wait_dma2 semaphore(%arg18 : memref<!tpu.dma_semaphore, #tpu.memory_space<semaphore_mem>>) src(%arg6 : memref<128x128xf32, #tpu.memory_space<vmem>>) dst(%dma_wait3A_69 : memref<128x128xf32, #tpu.memory_space<hbm>>)
    %dma_start3A_70 = arith.constant 768 : i32
    %dma_start3A_71 = tpu.memref_slice %arg5[%dma_start3A_70] : memref<6400xi32, #tpu.memory_space<vmem>> -> memref<128xi32, #tpu.memory_space<vmem>>
    %dma_start3A_72 = arith.constant 0 : i32
    %dma_start3A_73 = arith.constant 0 : i32
    %dma_start3A_74 = tpu.memref_slice %arg3[%dma_start3A_72, %dma_start3A_73] : memref<100000x128xf32, #tpu.memory_space<hbm>> -> memref<100000x128xf32, #tpu.memory_space<hbm>>
    tpu.enqueue_indirect_dma source(%dma_start3A_74 : memref<100000x128xf32, #tpu.memory_space<hbm>>) target(%arg6 : memref<128x128xf32, #tpu.memory_space<vmem>>) offsets(%dma_start3A_71 : memref<128xi32, #tpu.memory_space<vmem>>) semaphore(%arg12 : memref<!tpu.dma_semaphore, #tpu.memory_space<semaphore_mem>>)
    %dma_wait3A_75 = arith.constant 384 : i32
    %dma_wait3A_76 = tpu.memref_slice %arg5[%dma_wait3A_75] : memref<6400xi32, #tpu.memory_space<vmem>> -> memref<128xi32, #tpu.memory_space<vmem>>
    %dma_wait3A_77 = arith.constant 0 : i32
    %dma_wait3A_78 = arith.constant 0 : i32
    %dma_wait3A_79 = tpu.memref_slice %arg3[%dma_wait3A_77, %dma_wait3A_78] : memref<100000x128xf32, #tpu.memory_space<hbm>> -> memref<100000x128xf32, #tpu.memory_space<hbm>>
    tpu.wait_indirect_dma semaphore(%arg15 : memref<!tpu.dma_semaphore, #tpu.memory_space<semaphore_mem>>) src(%dma_wait3A_79 : memref<100000x128xf32, #tpu.memory_space<hbm>>) dst(%arg9 : memref<128x128xf32, #tpu.memory_space<vmem>>)
    %add3A_80 = arith.constant 384 : i32
    %add3A_81 = arith.addi %mul3A_2, %add3A_80 : i32
    %dma_start3A_82 = arith.constant 0 : i32
    %dma_start3A_83 = tpu.memref_slice %arg4[%add3A_81, %dma_start3A_82] : memref<204800x128xf32, #tpu.memory_space<hbm>> -> memref<128x128xf32, #tpu.memory_space<hbm>>
    %dma_start3A_84 = arith.constant 0 : i32
    %dma_start3A_85 = tpu.memref_slice %arg4[%add3A_81, %dma_start3A_84] : memref<204800x128xf32, #tpu.memory_space<hbm>> -> memref<128x128xf32, #tpu.memory_space<hbm>>
    tpu.enqueue_dma source(%arg9 : memref<128x128xf32, #tpu.memory_space<vmem>>) target(%dma_start3A_85 : memref<128x128xf32, #tpu.memory_space<hbm>>) target_semaphore(%arg21 : memref<!tpu.dma_semaphore, #tpu.memory_space<semaphore_mem>>)
    %add3A_86 = arith.constant 128 : i32
    %add3A_87 = arith.addi %mul3A_2, %add3A_86 : i32
    %dma_wait3A_88 = arith.constant 0 : i32
    %dma_wait3A_89 = tpu.memref_slice %arg4[%add3A_87, %dma_wait3A_88] : memref<204800x128xf32, #tpu.memory_space<hbm>> -> memref<128x128xf32, #tpu.memory_space<hbm>>
    %dma_wait3A_90 = arith.constant 0 : i32
    %dma_wait3A_91 = tpu.memref_slice %arg4[%add3A_87, %dma_wait3A_90] : memref<204800x128xf32, #tpu.memory_space<hbm>> -> memref<128x128xf32, #tpu.memory_space<hbm>>
    tpu.wait_dma2 semaphore(%arg19 : memref<!tpu.dma_semaphore, #tpu.memory_space<semaphore_mem>>) src(%arg7 : memref<128x128xf32, #tpu.memory_space<vmem>>) dst(%dma_wait3A_91 : memref<128x128xf32, #tpu.memory_space<hbm>>)
    %dma_start3A_92 = arith.constant 896 : i32
    %dma_start3A_93 = tpu.memref_slice %arg5[%dma_start3A_92] : memref<6400xi32, #tpu.memory_space<vmem>> -> memref<128xi32, #tpu.memory_space<vmem>>
    %dma_start3A_94 = arith.constant 0 : i32
    %dma_start3A_95 = arith.constant 0 : i32
    %dma_start3A_96 = tpu.memref_slice %arg3[%dma_start3A_94, %dma_start3A_95] : memref<100000x128xf32, #tpu.memory_space<hbm>> -> memref<100000x128xf32, #tpu.memory_space<hbm>>
    tpu.enqueue_indirect_dma source(%dma_start3A_96 : memref<100000x128xf32, #tpu.memory_space<hbm>>) target(%arg7 : memref<128x128xf32, #tpu.memory_space<vmem>>) offsets(%dma_start3A_93 : memref<128xi32, #tpu.memory_space<vmem>>) semaphore(%arg13 : memref<!tpu.dma_semaphore, #tpu.memory_space<semaphore_mem>>)
    %dma_wait3A_97 = arith.constant 512 : i32
    %dma_wait3A_98 = tpu.memref_slice %arg5[%dma_wait3A_97] : memref<6400xi32, #tpu.memory_space<vmem>> -> memref<128xi32, #tpu.memory_space<vmem>>
    %dma_wait3A_99 = arith.constant 0 : i32
    %dma_wait3A_100 = arith.constant 0 : i32
    %dma_wait3A_101 = tpu.memref_slice %arg3[%dma_wait3A_99, %dma_wait3A_100] : memref<100000x128xf32, #tpu.memory_space<hbm>> -> memref<100000x128xf32, #tpu.memory_space<hbm>>
    tpu.wait_indirect_dma semaphore(%arg16 : memref<!tpu.dma_semaphore, #tpu.memory_space<semaphore_mem>>) src(%dma_wait3A_101 : memref<100000x128xf32, #tpu.memory_space<hbm>>) dst(%arg10 : memref<128x128xf32, #tpu.memory_space<vmem>>)
    %add3A_102 = arith.constant 512 : i32
    %add3A_103 = arith.addi %mul3A_2, %add3A_102 : i32
    %dma_start3A_104 = arith.constant 0 : i32
    %dma_start3A_105 = tpu.memref_slice %arg4[%add3A_103, %dma_start3A_104] : memref<204800x128xf32, #tpu.memory_space<hbm>> -> memref<128x128xf32, #tpu.memory_space<hbm>>
    %dma_start3A_106 = arith.constant 0 : i32
    %dma_start3A_107 = tpu.memref_slice %arg4[%add3A_103, %dma_start3A_106] : memref<204800x128xf32, #tpu.memory_space<hbm>> -> memref<128x128xf32, #tpu.memory_space<hbm>>
    tpu.enqueue_dma source(%arg10 : memref<128x128xf32, #tpu.memory_space<vmem>>) target(%dma_start3A_107 : memref<128x128xf32, #tpu.memory_space<hbm>>) target_semaphore(%arg22 : memref<!tpu.dma_semaphore, #tpu.memory_space<semaphore_mem>>)
    %add3A_108 = arith.constant 256 : i32
    %add3A_109 = arith.addi %mul3A_2, %add3A_108 : i32
    %dma_wait3A_110 = arith.constant 0 : i32
    %dma_wait3A_111 = tpu.memref_slice %arg4[%add3A_109, %dma_wait3A_110] : memref<204800x128xf32, #tpu.memory_space<hbm>> -> memref<128x128xf32, #tpu.memory_space<hbm>>
    %dma_wait3A_112 = arith.constant 0 : i32
    %dma_wait3A_113 = tpu.memref_slice %arg4[%add3A_109, %dma_wait3A_112] : memref<204800x128xf32, #tpu.memory_space<hbm>> -> memref<128x128xf32, #tpu.memory_space<hbm>>
    tpu.wait_dma2 semaphore(%arg20 : memref<!tpu.dma_semaphore, #tpu.memory_space<semaphore_mem>>) src(%arg8 : memref<128x128xf32, #tpu.memory_space<vmem>>) dst(%dma_wait3A_113 : memref<128x128xf32, #tpu.memory_space<hbm>>)
    %dma_start3A_114 = arith.constant 1024 : i32
    %dma_start3A_115 = tpu.memref_slice %arg5[%dma_start3A_114] : memref<6400xi32, #tpu.memory_space<vmem>> -> memref<128xi32, #tpu.memory_space<vmem>>
    %dma_start3A_116 = arith.constant 0 : i32
    %dma_start3A_117 = arith.constant 0 : i32
    %dma_start3A_118 = tpu.memref_slice %arg3[%dma_start3A_116, %dma_start3A_117] : memref<100000x128xf32, #tpu.memory_space<hbm>> -> memref<100000x128xf32, #tpu.memory_space<hbm>>
    tpu.enqueue_indirect_dma source(%dma_start3A_118 : memref<100000x128xf32, #tpu.memory_space<hbm>>) target(%arg8 : memref<128x128xf32, #tpu.memory_space<vmem>>) offsets(%dma_start3A_115 : memref<128xi32, #tpu.memory_space<vmem>>) semaphore(%arg14 : memref<!tpu.dma_semaphore, #tpu.memory_space<semaphore_mem>>)
    %dma_wait3A_119 = arith.constant 640 : i32
    %dma_wait3A_120 = tpu.memref_slice %arg5[%dma_wait3A_119] : memref<6400xi32, #tpu.memory_space<vmem>> -> memref<128xi32, #tpu.memory_space<vmem>>
    %dma_wait3A_121 = arith.constant 0 : i32
    %dma_wait3A_122 = arith.constant 0 : i32
    %dma_wait3A_123 = tpu.memref_slice %arg3[%dma_wait3A_121, %dma_wait3A_122] : memref<100000x128xf32, #tpu.memory_space<hbm>> -> memref<100000x128xf32, #tpu.memory_space<hbm>>
    tpu.wait_indirect_dma semaphore(%arg17 : memref<!tpu.dma_semaphore, #tpu.memory_space<semaphore_mem>>) src(%dma_wait3A_123 : memref<100000x128xf32, #tpu.memory_space<hbm>>) dst(%arg11 : memref<128x128xf32, #tpu.memory_space<vmem>>)
    %add3A_124 = arith.constant 640 : i32
    %add3A_125 = arith.addi %mul3A_2, %add3A_124 : i32
    %dma_start3A_126 = arith.constant 0 : i32
    %dma_start3A_127 = tpu.memref_slice %arg4[%add3A_125, %dma_start3A_126] : memref<204800x128xf32, #tpu.memory_space<hbm>> -> memref<128x128xf32, #tpu.memory_space<hbm>>
    %dma_start3A_128 = arith.constant 0 : i32
    %dma_start3A_129 = tpu.memref_slice %arg4[%add3A_125, %dma_start3A_128] : memref<204800x128xf32, #tpu.memory_space<hbm>> -> memref<128x128xf32, #tpu.memory_space<hbm>>
    tpu.enqueue_dma source(%arg11 : memref<128x128xf32, #tpu.memory_space<vmem>>) target(%dma_start3A_129 : memref<128x128xf32, #tpu.memory_space<hbm>>) target_semaphore(%arg23 : memref<!tpu.dma_semaphore, #tpu.memory_space<semaphore_mem>>)
    %add3A_130 = arith.constant 384 : i32
    %add3A_131 = arith.addi %mul3A_2, %add3A_130 : i32
    %dma_wait3A_132 = arith.constant 0 : i32
    %dma_wait3A_133 = tpu.memref_slice %arg4[%add3A_131, %dma_wait3A_132] : memref<204800x128xf32, #tpu.memory_space<hbm>> -> memref<128x128xf32, #tpu.memory_space<hbm>>
    %dma_wait3A_134 = arith.constant 0 : i32
    %dma_wait3A_135 = tpu.memref_slice %arg4[%add3A_131, %dma_wait3A_134] : memref<204800x128xf32, #tpu.memory_space<hbm>> -> memref<128x128xf32, #tpu.memory_space<hbm>>
    tpu.wait_dma2 semaphore(%arg21 : memref<!tpu.dma_semaphore, #tpu.memory_space<semaphore_mem>>) src(%arg9 : memref<128x128xf32, #tpu.memory_space<vmem>>) dst(%dma_wait3A_135 : memref<128x128xf32, #tpu.memory_space<hbm>>)
    %dma_start3A_136 = arith.constant 1152 : i32
    %dma_start3A_137 = tpu.memref_slice %arg5[%dma_start3A_136] : memref<6400xi32, #tpu.memory_space<vmem>> -> memref<128xi32, #tpu.memory_space<vmem>>
    %dma_start3A_138 = arith.constant 0 : i32
    %dma_start3A_139 = arith.constant 0 : i32
    %dma_start3A_140 = tpu.memref_slice %arg3[%dma_start3A_138, %dma_start3A_139] : memref<100000x128xf32, #tpu.memory_space<hbm>> -> memref<100000x128xf32, #tpu.memory_space<hbm>>
    tpu.enqueue_indirect_dma source(%dma_start3A_140 : memref<100000x128xf32, #tpu.memory_space<hbm>>) target(%arg9 : memref<128x128xf32, #tpu.memory_space<vmem>>) offsets(%dma_start3A_137 : memref<128xi32, #tpu.memory_space<vmem>>) semaphore(%arg15 : memref<!tpu.dma_semaphore, #tpu.memory_space<semaphore_mem>>)
    %dma_wait3A_141 = arith.constant 768 : i32
    %dma_wait3A_142 = tpu.memref_slice %arg5[%dma_wait3A_141] : memref<6400xi32, #tpu.memory_space<vmem>> -> memref<128xi32, #tpu.memory_space<vmem>>
    %dma_wait3A_143 = arith.constant 0 : i32
    %dma_wait3A_144 = arith.constant 0 : i32
    %dma_wait3A_145 = tpu.memref_slice %arg3[%dma_wait3A_143, %dma_wait3A_144] : memref<100000x128xf32, #tpu.memory_space<hbm>> -> memref<100000x128xf32, #tpu.memory_space<hbm>>
    tpu.wait_indirect_dma semaphore(%arg12 : memref<!tpu.dma_semaphore, #tpu.memory_space<semaphore_mem>>) src(%dma_wait3A_145 : memref<100000x128xf32, #tpu.memory_space<hbm>>) dst(%arg6 : memref<128x128xf32, #tpu.memory_space<vmem>>)
    %add3A_146 = arith.constant 768 : i32
    %add3A_147 = arith.addi %mul3A_2, %add3A_146 : i32
    %dma_start3A_148 = arith.constant 0 : i32
    %dma_start3A_149 = tpu.memref_slice %arg4[%add3A_147, %dma_start3A_148] : memref<204800x128xf32, #tpu.memory_space<hbm>> -> memref<128x128xf32, #tpu.memory_space<hbm>>
    %dma_start3A_150 = arith.constant 0 : i32
    %dma_start3A_151 = tpu.memref_slice %arg4[%add3A_147, %dma_start3A_150] : memref<204800x128xf32, #tpu.memory_space<hbm>> -> memref<128x128xf32, #tpu.memory_space<hbm>>
    tpu.enqueue_dma source(%arg6 : memref<128x128xf32, #tpu.memory_space<vmem>>) target(%dma_start3A_151 : memref<128x128xf32, #tpu.memory_space<hbm>>) target_semaphore(%arg18 : memref<!tpu.dma_semaphore, #tpu.memory_space<semaphore_mem>>)
    %add3A_152 = arith.constant 512 : i32
    %add3A_153 = arith.addi %mul3A_2, %add3A_152 : i32
    %dma_wait3A_154 = arith.constant 0 : i32
    %dma_wait3A_155 = tpu.memref_slice %arg4[%add3A_153, %dma_wait3A_154] : memref<204800x128xf32, #tpu.memory_space<hbm>> -> memref<128x128xf32, #tpu.memory_space<hbm>>
    %dma_wait3A_156 = arith.constant 0 : i32
    %dma_wait3A_157 = tpu.memref_slice %arg4[%add3A_153, %dma_wait3A_156] : memref<204800x128xf32, #tpu.memory_space<hbm>> -> memref<128x128xf32, #tpu.memory_space<hbm>>
    tpu.wait_dma2 semaphore(%arg22 : memref<!tpu.dma_semaphore, #tpu.memory_space<semaphore_mem>>) src(%arg10 : memref<128x128xf32, #tpu.memory_space<vmem>>) dst(%dma_wait3A_157 : memref<128x128xf32, #tpu.memory_space<hbm>>)
    %dma_start3A_158 = arith.constant 1280 : i32
    %dma_start3A_159 = tpu.memref_slice %arg5[%dma_start3A_158] : memref<6400xi32, #tpu.memory_space<vmem>> -> memref<128xi32, #tpu.memory_space<vmem>>
    %dma_start3A_160 = arith.constant 0 : i32
    %dma_start3A_161 = arith.constant 0 : i32
    %dma_start3A_162 = tpu.memref_slice %arg3[%dma_start3A_160, %dma_start3A_161] : memref<100000x128xf32, #tpu.memory_space<hbm>> -> memref<100000x128xf32, #tpu.memory_space<hbm>>
    tpu.enqueue_indirect_dma source(%dma_start3A_162 : memref<100000x128xf32, #tpu.memory_space<hbm>>) target(%arg10 : memref<128x128xf32, #tpu.memory_space<vmem>>) offsets(%dma_start3A_159 : memref<128xi32, #tpu.memory_space<vmem>>) semaphore(%arg16 : memref<!tpu.dma_semaphore, #tpu.memory_space<semaphore_mem>>)
    %dma_wait3A_163 = arith.constant 896 : i32
    %dma_wait3A_164 = tpu.memref_slice %arg5[%dma_wait3A_163] : memref<6400xi32, #tpu.memory_space<vmem>> -> memref<128xi32, #tpu.memory_space<vmem>>
    %dma_wait3A_165 = arith.constant 0 : i32
    %dma_wait3A_166 = arith.constant 0 : i32
    %dma_wait3A_167 = tpu.memref_slice %arg3[%dma_wait3A_165, %dma_wait3A_166] : memref<100000x128xf32, #tpu.memory_space<hbm>> -> memref<100000x128xf32, #tpu.memory_space<hbm>>
    tpu.wait_indirect_dma semaphore(%arg13 : memref<!tpu.dma_semaphore, #tpu.memory_space<semaphore_mem>>) src(%dma_wait3A_167 : memref<100000x128xf32, #tpu.memory_space<hbm>>) dst(%arg7 : memref<128x128xf32, #tpu.memory_space<vmem>>)
    %add3A_168 = arith.constant 896 : i32
    %add3A_169 = arith.addi %mul3A_2, %add3A_168 : i32
    %dma_start3A_170 = arith.constant 0 : i32
    %dma_start3A_171 = tpu.memref_slice %arg4[%add3A_169, %dma_start3A_170] : memref<204800x128xf32, #tpu.memory_space<hbm>> -> memref<128x128xf32, #tpu.memory_space<hbm>>
    %dma_start3A_172 = arith.constant 0 : i32
    %dma_start3A_173 = tpu.memref_slice %arg4[%add3A_169, %dma_start3A_172] : memref<204800x128xf32, #tpu.memory_space<hbm>> -> memref<128x128xf32, #tpu.memory_space<hbm>>
    tpu.enqueue_dma source(%arg7 : memref<128x128xf32, #tpu.memory_space<vmem>>) target(%dma_start3A_173 : memref<128x128xf32, #tpu.memory_space<hbm>>) target_semaphore(%arg19 : memref<!tpu.dma_semaphore, #tpu.memory_space<semaphore_mem>>)
    %add3A_174 = arith.constant 640 : i32
    %add3A_175 = arith.addi %mul3A_2, %add3A_174 : i32
    %dma_wait3A_176 = arith.constant 0 : i32
    %dma_wait3A_177 = tpu.memref_slice %arg4[%add3A_175, %dma_wait3A_176] : memref<204800x128xf32, #tpu.memory_space<hbm>> -> memref<128x128xf32, #tpu.memory_space<hbm>>
    %dma_wait3A_178 = arith.constant 0 : i32
    %dma_wait3A_179 = tpu.memref_slice %arg4[%add3A_175, %dma_wait3A_178] : memref<204800x128xf32, #tpu.memory_space<hbm>> -> memref<128x128xf32, #tpu.memory_space<hbm>>
    tpu.wait_dma2 semaphore(%arg23 : memref<!tpu.dma_semaphore, #tpu.memory_space<semaphore_mem>>) src(%arg11 : memref<128x128xf32, #tpu.memory_space<vmem>>) dst(%dma_wait3A_179 : memref<128x128xf32, #tpu.memory_space<hbm>>)
    %dma_start3A_180 = arith.constant 1408 : i32
    %dma_start3A_181 = tpu.memref_slice %arg5[%dma_start3A_180] : memref<6400xi32, #tpu.memory_space<vmem>> -> memref<128xi32, #tpu.memory_space<vmem>>
    %dma_start3A_182 = arith.constant 0 : i32
    %dma_start3A_183 = arith.constant 0 : i32
    %dma_start3A_184 = tpu.memref_slice %arg3[%dma_start3A_182, %dma_start3A_183] : memref<100000x128xf32, #tpu.memory_space<hbm>> -> memref<100000x128xf32, #tpu.memory_space<hbm>>
    tpu.enqueue_indirect_dma source(%dma_start3A_184 : memref<100000x128xf32, #tpu.memory_space<hbm>>) target(%arg11 : memref<128x128xf32, #tpu.memory_space<vmem>>) offsets(%dma_start3A_181 : memref<128xi32, #tpu.memory_space<vmem>>) semaphore(%arg17 : memref<!tpu.dma_semaphore, #tpu.memory_space<semaphore_mem>>)
    %dma_wait3A_185 = arith.constant 1024 : i32
    %dma_wait3A_186 = tpu.memref_slice %arg5[%dma_wait3A_185] : memref<6400xi32, #tpu.memory_space<vmem>> -> memref<128xi32, #tpu.memory_space<vmem>>
    %dma_wait3A_187 = arith.constant 0 : i32
    %dma_wait3A_188 = arith.constant 0 : i32
    %dma_wait3A_189 = tpu.memref_slice %arg3[%dma_wait3A_187, %dma_wait3A_188] : memref<100000x128xf32, #tpu.memory_space<hbm>> -> memref<100000x128xf32, #tpu.memory_space<hbm>>
    tpu.wait_indirect_dma semaphore(%arg14 : memref<!tpu.dma_semaphore, #tpu.memory_space<semaphore_mem>>) src(%dma_wait3A_189 : memref<100000x128xf32, #tpu.memory_space<hbm>>) dst(%arg8 : memref<128x128xf32, #tpu.memory_space<vmem>>)
    %add3A_190 = arith.constant 1024 : i32
    %add3A_191 = arith.addi %mul3A_2, %add3A_190 : i32
    %dma_start3A_192 = arith.constant 0 : i32
    %dma_start3A_193 = tpu.memref_slice %arg4[%add3A_191, %dma_start3A_192] : memref<204800x128xf32, #tpu.memory_space<hbm>> -> memref<128x128xf32, #tpu.memory_space<hbm>>
    %dma_start3A_194 = arith.constant 0 : i32
    %dma_start3A_195 = tpu.memref_slice %arg4[%add3A_191, %dma_start3A_194] : memref<204800x128xf32, #tpu.memory_space<hbm>> -> memref<128x128xf32, #tpu.memory_space<hbm>>
    tpu.enqueue_dma source(%arg8 : memref<128x128xf32, #tpu.memory_space<vmem>>) target(%dma_start3A_195 : memref<128x128xf32, #tpu.memory_space<hbm>>) target_semaphore(%arg20 : memref<!tpu.dma_semaphore, #tpu.memory_space<semaphore_mem>>)
    %add3A_196 = arith.constant 768 : i32
    %add3A_197 = arith.addi %mul3A_2, %add3A_196 : i32
    %dma_wait3A_198 = arith.constant 0 : i32
    %dma_wait3A_199 = tpu.memref_slice %arg4[%add3A_197, %dma_wait3A_198] : memref<204800x128xf32, #tpu.memory_space<hbm>> -> memref<128x128xf32, #tpu.memory_space<hbm>>
    %dma_wait3A_200 = arith.constant 0 : i32
    %dma_wait3A_201 = tpu.memref_slice %arg4[%add3A_197, %dma_wait3A_200] : memref<204800x128xf32, #tpu.memory_space<hbm>> -> memref<128x128xf32, #tpu.memory_space<hbm>>
    tpu.wait_dma2 semaphore(%arg18 : memref<!tpu.dma_semaphore, #tpu.memory_space<semaphore_mem>>) src(%arg6 : memref<128x128xf32, #tpu.memory_space<vmem>>) dst(%dma_wait3A_201 : memref<128x128xf32, #tpu.memory_space<hbm>>)
    %dma_start3A_202 = arith.constant 1536 : i32
    %dma_start3A_203 = tpu.memref_slice %arg5[%dma_start3A_202] : memref<6400xi32, #tpu.memory_space<vmem>> -> memref<128xi32, #tpu.memory_space<vmem>>
    %dma_start3A_204 = arith.constant 0 : i32
    %dma_start3A_205 = arith.constant 0 : i32
    %dma_start3A_206 = tpu.memref_slice %arg3[%dma_start3A_204, %dma_start3A_205] : memref<100000x128xf32, #tpu.memory_space<hbm>> -> memref<100000x128xf32, #tpu.memory_space<hbm>>
    tpu.enqueue_indirect_dma source(%dma_start3A_206 : memref<100000x128xf32, #tpu.memory_space<hbm>>) target(%arg6 : memref<128x128xf32, #tpu.memory_space<vmem>>) offsets(%dma_start3A_203 : memref<128xi32, #tpu.memory_space<vmem>>) semaphore(%arg12 : memref<!tpu.dma_semaphore, #tpu.memory_space<semaphore_mem>>)
    %dma_wait3A_207 = arith.constant 1152 : i32
    %dma_wait3A_208 = tpu.memref_slice %arg5[%dma_wait3A_207] : memref<6400xi32, #tpu.memory_space<vmem>> -> memref<128xi32, #tpu.memory_space<vmem>>
    %dma_wait3A_209 = arith.constant 0 : i32
    %dma_wait3A_210 = arith.constant 0 : i32
    %dma_wait3A_211 = tpu.memref_slice %arg3[%dma_wait3A_209, %dma_wait3A_210] : memref<100000x128xf32, #tpu.memory_space<hbm>> -> memref<100000x128xf32, #tpu.memory_space<hbm>>
    tpu.wait_indirect_dma semaphore(%arg15 : memref<!tpu.dma_semaphore, #tpu.memory_space<semaphore_mem>>) src(%dma_wait3A_211 : memref<100000x128xf32, #tpu.memory_space<hbm>>) dst(%arg9 : memref<128x128xf32, #tpu.memory_space<vmem>>)
    %add3A_212 = arith.constant 1152 : i32
    %add3A_213 = arith.addi %mul3A_2, %add3A_212 : i32
    %dma_start3A_214 = arith.constant 0 : i32
    %dma_start3A_215 = tpu.memref_slice %arg4[%add3A_213, %dma_start3A_214] : memref<204800x128xf32, #tpu.memory_space<hbm>> -> memref<128x128xf32, #tpu.memory_space<hbm>>
    %dma_start3A_216 = arith.constant 0 : i32
    %dma_start3A_217 = tpu.memref_slice %arg4[%add3A_213, %dma_start3A_216] : memref<204800x128xf32, #tpu.memory_space<hbm>> -> memref<128x128xf32, #tpu.memory_space<hbm>>
    tpu.enqueue_dma source(%arg9 : memref<128x128xf32, #tpu.memory_space<vmem>>) target(%dma_start3A_217 : memref<128x128xf32, #tpu.memory_space<hbm>>) target_semaphore(%arg21 : memref<!tpu.dma_semaphore, #tpu.memory_space<semaphore_mem>>)
    %add3A_218 = arith.constant 896 : i32
    %add3A_219 = arith.addi %mul3A_2, %add3A_218 : i32
    %dma_wait3A_220 = arith.constant 0 : i32
    %dma_wait3A_221 = tpu.memref_slice %arg4[%add3A_219, %dma_wait3A_220] : memref<204800x128xf32, #tpu.memory_space<hbm>> -> memref<128x128xf32, #tpu.memory_space<hbm>>
    %dma_wait3A_222 = arith.constant 0 : i32
    %dma_wait3A_223 = tpu.memref_slice %arg4[%add3A_219, %dma_wait3A_222] : memref<204800x128xf32, #tpu.memory_space<hbm>> -> memref<128x128xf32, #tpu.memory_space<hbm>>
    tpu.wait_dma2 semaphore(%arg19 : memref<!tpu.dma_semaphore, #tpu.memory_space<semaphore_mem>>) src(%arg7 : memref<128x128xf32, #tpu.memory_space<vmem>>) dst(%dma_wait3A_223 : memref<128x128xf32, #tpu.memory_space<hbm>>)
    %dma_start3A_224 = arith.constant 1664 : i32
    %dma_start3A_225 = tpu.memref_slice %arg5[%dma_start3A_224] : memref<6400xi32, #tpu.memory_space<vmem>> -> memref<128xi32, #tpu.memory_space<vmem>>
    %dma_start3A_226 = arith.constant 0 : i32
    %dma_start3A_227 = arith.constant 0 : i32
    %dma_start3A_228 = tpu.memref_slice %arg3[%dma_start3A_226, %dma_start3A_227] : memref<100000x128xf32, #tpu.memory_space<hbm>> -> memref<100000x128xf32, #tpu.memory_space<hbm>>
    tpu.enqueue_indirect_dma source(%dma_start3A_228 : memref<100000x128xf32, #tpu.memory_space<hbm>>) target(%arg7 : memref<128x128xf32, #tpu.memory_space<vmem>>) offsets(%dma_start3A_225 : memref<128xi32, #tpu.memory_space<vmem>>) semaphore(%arg13 : memref<!tpu.dma_semaphore, #tpu.memory_space<semaphore_mem>>)
    %dma_wait3A_229 = arith.constant 1280 : i32
    %dma_wait3A_230 = tpu.memref_slice %arg5[%dma_wait3A_229] : memref<6400xi32, #tpu.memory_space<vmem>> -> memref<128xi32, #tpu.memory_space<vmem>>
    %dma_wait3A_231 = arith.constant 0 : i32
    %dma_wait3A_232 = arith.constant 0 : i32
    %dma_wait3A_233 = tpu.memref_slice %arg3[%dma_wait3A_231, %dma_wait3A_232] : memref<100000x128xf32, #tpu.memory_space<hbm>> -> memref<100000x128xf32, #tpu.memory_space<hbm>>
    tpu.wait_indirect_dma semaphore(%arg16 : memref<!tpu.dma_semaphore, #tpu.memory_space<semaphore_mem>>) src(%dma_wait3A_233 : memref<100000x128xf32, #tpu.memory_space<hbm>>) dst(%arg10 : memref<128x128xf32, #tpu.memory_space<vmem>>)
    %add3A_234 = arith.constant 1280 : i32
    %add3A_235 = arith.addi %mul3A_2, %add3A_234 : i32
    %dma_start3A_236 = arith.constant 0 : i32
    %dma_start3A_237 = tpu.memref_slice %arg4[%add3A_235, %dma_start3A_236] : memref<204800x128xf32, #tpu.memory_space<hbm>> -> memref<128x128xf32, #tpu.memory_space<hbm>>
    %dma_start3A_238 = arith.constant 0 : i32
    %dma_start3A_239 = tpu.memref_slice %arg4[%add3A_235, %dma_start3A_238] : memref<204800x128xf32, #tpu.memory_space<hbm>> -> memref<128x128xf32, #tpu.memory_space<hbm>>
    tpu.enqueue_dma source(%arg10 : memref<128x128xf32, #tpu.memory_space<vmem>>) target(%dma_start3A_239 : memref<128x128xf32, #tpu.memory_space<hbm>>) target_semaphore(%arg22 : memref<!tpu.dma_semaphore, #tpu.memory_space<semaphore_mem>>)
    %add3A_240 = arith.constant 1024 : i32
    %add3A_241 = arith.addi %mul3A_2, %add3A_240 : i32
    %dma_wait3A_242 = arith.constant 0 : i32
    %dma_wait3A_243 = tpu.memref_slice %arg4[%add3A_241, %dma_wait3A_242] : memref<204800x128xf32, #tpu.memory_space<hbm>> -> memref<128x128xf32, #tpu.memory_space<hbm>>
    %dma_wait3A_244 = arith.constant 0 : i32
    %dma_wait3A_245 = tpu.memref_slice %arg4[%add3A_241, %dma_wait3A_244] : memref<204800x128xf32, #tpu.memory_space<hbm>> -> memref<128x128xf32, #tpu.memory_space<hbm>>
    tpu.wait_dma2 semaphore(%arg20 : memref<!tpu.dma_semaphore, #tpu.memory_space<semaphore_mem>>) src(%arg8 : memref<128x128xf32, #tpu.memory_space<vmem>>) dst(%dma_wait3A_245 : memref<128x128xf32, #tpu.memory_space<hbm>>)
    %dma_start3A_246 = arith.constant 1792 : i32
    %dma_start3A_247 = tpu.memref_slice %arg5[%dma_start3A_246] : memref<6400xi32, #tpu.memory_space<vmem>> -> memref<128xi32, #tpu.memory_space<vmem>>
    %dma_start3A_248 = arith.constant 0 : i32
    %dma_start3A_249 = arith.constant 0 : i32
    %dma_start3A_250 = tpu.memref_slice %arg3[%dma_start3A_248, %dma_start3A_249] : memref<100000x128xf32, #tpu.memory_space<hbm>> -> memref<100000x128xf32, #tpu.memory_space<hbm>>
    tpu.enqueue_indirect_dma source(%dma_start3A_250 : memref<100000x128xf32, #tpu.memory_space<hbm>>) target(%arg8 : memref<128x128xf32, #tpu.memory_space<vmem>>) offsets(%dma_start3A_247 : memref<128xi32, #tpu.memory_space<vmem>>) semaphore(%arg14 : memref<!tpu.dma_semaphore, #tpu.memory_space<semaphore_mem>>)
    %dma_wait3A_251 = arith.constant 1408 : i32
    %dma_wait3A_252 = tpu.memref_slice %arg5[%dma_wait3A_251] : memref<6400xi32, #tpu.memory_space<vmem>> -> memref<128xi32, #tpu.memory_space<vmem>>
    %dma_wait3A_253 = arith.constant 0 : i32
    %dma_wait3A_254 = arith.constant 0 : i32
    %dma_wait3A_255 = tpu.memref_slice %arg3[%dma_wait3A_253, %dma_wait3A_254] : memref<100000x128xf32, #tpu.memory_space<hbm>> -> memref<100000x128xf32, #tpu.memory_space<hbm>>
    tpu.wait_indirect_dma semaphore(%arg17 : memref<!tpu.dma_semaphore, #tpu.memory_space<semaphore_mem>>) src(%dma_wait3A_255 : memref<100000x128xf32, #tpu.memory_space<hbm>>) dst(%arg11 : memref<128x128xf32, #tpu.memory_space<vmem>>)
    %add3A_256 = arith.constant 1408 : i32
    %add3A_257 = arith.addi %mul3A_2, %add3A_256 : i32
    %dma_start3A_258 = arith.constant 0 : i32
    %dma_start3A_259 = tpu.memref_slice %arg4[%add3A_257, %dma_start3A_258] : memref<204800x128xf32, #tpu.memory_space<hbm>> -> memref<128x128xf32, #tpu.memory_space<hbm>>
    %dma_start3A_260 = arith.constant 0 : i32
    %dma_start3A_261 = tpu.memref_slice %arg4[%add3A_257, %dma_start3A_260] : memref<204800x128xf32, #tpu.memory_space<hbm>> -> memref<128x128xf32, #tpu.memory_space<hbm>>
    tpu.enqueue_dma source(%arg11 : memref<128x128xf32, #tpu.memory_space<vmem>>) target(%dma_start3A_261 : memref<128x128xf32, #tpu.memory_space<hbm>>) target_semaphore(%arg23 : memref<!tpu.dma_semaphore, #tpu.memory_space<semaphore_mem>>)
    %add3A_262 = arith.constant 1152 : i32
    %add3A_263 = arith.addi %mul3A_2, %add3A_262 : i32
    %dma_wait3A_264 = arith.constant 0 : i32
    %dma_wait3A_265 = tpu.memref_slice %arg4[%add3A_263, %dma_wait3A_264] : memref<204800x128xf32, #tpu.memory_space<hbm>> -> memref<128x128xf32, #tpu.memory_space<hbm>>
    %dma_wait3A_266 = arith.constant 0 : i32
    %dma_wait3A_267 = tpu.memref_slice %arg4[%add3A_263, %dma_wait3A_266] : memref<204800x128xf32, #tpu.memory_space<hbm>> -> memref<128x128xf32, #tpu.memory_space<hbm>>
    tpu.wait_dma2 semaphore(%arg21 : memref<!tpu.dma_semaphore, #tpu.memory_space<semaphore_mem>>) src(%arg9 : memref<128x128xf32, #tpu.memory_space<vmem>>) dst(%dma_wait3A_267 : memref<128x128xf32, #tpu.memory_space<hbm>>)
    %dma_start3A_268 = arith.constant 1920 : i32
    %dma_start3A_269 = tpu.memref_slice %arg5[%dma_start3A_268] : memref<6400xi32, #tpu.memory_space<vmem>> -> memref<128xi32, #tpu.memory_space<vmem>>
    %dma_start3A_270 = arith.constant 0 : i32
    %dma_start3A_271 = arith.constant 0 : i32
    %dma_start3A_272 = tpu.memref_slice %arg3[%dma_start3A_270, %dma_start3A_271] : memref<100000x128xf32, #tpu.memory_space<hbm>> -> memref<100000x128xf32, #tpu.memory_space<hbm>>
    tpu.enqueue_indirect_dma source(%dma_start3A_272 : memref<100000x128xf32, #tpu.memory_space<hbm>>) target(%arg9 : memref<128x128xf32, #tpu.memory_space<vmem>>) offsets(%dma_start3A_269 : memref<128xi32, #tpu.memory_space<vmem>>) semaphore(%arg15 : memref<!tpu.dma_semaphore, #tpu.memory_space<semaphore_mem>>)
    %dma_wait3A_273 = arith.constant 1536 : i32
    %dma_wait3A_274 = tpu.memref_slice %arg5[%dma_wait3A_273] : memref<6400xi32, #tpu.memory_space<vmem>> -> memref<128xi32, #tpu.memory_space<vmem>>
    %dma_wait3A_275 = arith.constant 0 : i32
    %dma_wait3A_276 = arith.constant 0 : i32
    %dma_wait3A_277 = tpu.memref_slice %arg3[%dma_wait3A_275, %dma_wait3A_276] : memref<100000x128xf32, #tpu.memory_space<hbm>> -> memref<100000x128xf32, #tpu.memory_space<hbm>>
    tpu.wait_indirect_dma semaphore(%arg12 : memref<!tpu.dma_semaphore, #tpu.memory_space<semaphore_mem>>) src(%dma_wait3A_277 : memref<100000x128xf32, #tpu.memory_space<hbm>>) dst(%arg6 : memref<128x128xf32, #tpu.memory_space<vmem>>)
    %add3A_278 = arith.constant 1536 : i32
    %add3A_279 = arith.addi %mul3A_2, %add3A_278 : i32
    %dma_start3A_280 = arith.constant 0 : i32
    %dma_start3A_281 = tpu.memref_slice %arg4[%add3A_279, %dma_start3A_280] : memref<204800x128xf32, #tpu.memory_space<hbm>> -> memref<128x128xf32, #tpu.memory_space<hbm>>
    %dma_start3A_282 = arith.constant 0 : i32
    %dma_start3A_283 = tpu.memref_slice %arg4[%add3A_279, %dma_start3A_282] : memref<204800x128xf32, #tpu.memory_space<hbm>> -> memref<128x128xf32, #tpu.memory_space<hbm>>
    tpu.enqueue_dma source(%arg6 : memref<128x128xf32, #tpu.memory_space<vmem>>) target(%dma_start3A_283 : memref<128x128xf32, #tpu.memory_space<hbm>>) target_semaphore(%arg18 : memref<!tpu.dma_semaphore, #tpu.memory_space<semaphore_mem>>)
    %add3A_284 = arith.constant 1280 : i32
    %add3A_285 = arith.addi %mul3A_2, %add3A_284 : i32
    %dma_wait3A_286 = arith.constant 0 : i32
    %dma_wait3A_287 = tpu.memref_slice %arg4[%add3A_285, %dma_wait3A_286] : memref<204800x128xf32, #tpu.memory_space<hbm>> -> memref<128x128xf32, #tpu.memory_space<hbm>>
    %dma_wait3A_288 = arith.constant 0 : i32
    %dma_wait3A_289 = tpu.memref_slice %arg4[%add3A_285, %dma_wait3A_288] : memref<204800x128xf32, #tpu.memory_space<hbm>> -> memref<128x128xf32, #tpu.memory_space<hbm>>
    tpu.wait_dma2 semaphore(%arg22 : memref<!tpu.dma_semaphore, #tpu.memory_space<semaphore_mem>>) src(%arg10 : memref<128x128xf32, #tpu.memory_space<vmem>>) dst(%dma_wait3A_289 : memref<128x128xf32, #tpu.memory_space<hbm>>)
    %dma_start3A_290 = arith.constant 2048 : i32
    %dma_start3A_291 = tpu.memref_slice %arg5[%dma_start3A_290] : memref<6400xi32, #tpu.memory_space<vmem>> -> memref<128xi32, #tpu.memory_space<vmem>>
    %dma_start3A_292 = arith.constant 0 : i32
    %dma_start3A_293 = arith.constant 0 : i32
    %dma_start3A_294 = tpu.memref_slice %arg3[%dma_start3A_292, %dma_start3A_293] : memref<100000x128xf32, #tpu.memory_space<hbm>> -> memref<100000x128xf32, #tpu.memory_space<hbm>>
    tpu.enqueue_indirect_dma source(%dma_start3A_294 : memref<100000x128xf32, #tpu.memory_space<hbm>>) target(%arg10 : memref<128x128xf32, #tpu.memory_space<vmem>>) offsets(%dma_start3A_291 : memref<128xi32, #tpu.memory_space<vmem>>) semaphore(%arg16 : memref<!tpu.dma_semaphore, #tpu.memory_space<semaphore_mem>>)
    %dma_wait3A_295 = arith.constant 1664 : i32
    %dma_wait3A_296 = tpu.memref_slice %arg5[%dma_wait3A_295] : memref<6400xi32, #tpu.memory_space<vmem>> -> memref<128xi32, #tpu.memory_space<vmem>>
    %dma_wait3A_297 = arith.constant 0 : i32
    %dma_wait3A_298 = arith.constant 0 : i32
    %dma_wait3A_299 = tpu.memref_slice %arg3[%dma_wait3A_297, %dma_wait3A_298] : memref<100000x128xf32, #tpu.memory_space<hbm>> -> memref<100000x128xf32, #tpu.memory_space<hbm>>
    tpu.wait_indirect_dma semaphore(%arg13 : memref<!tpu.dma_semaphore, #tpu.memory_space<semaphore_mem>>) src(%dma_wait3A_299 : memref<100000x128xf32, #tpu.memory_space<hbm>>) dst(%arg7 : memref<128x128xf32, #tpu.memory_space<vmem>>)
    %add3A_300 = arith.constant 1664 : i32
    %add3A_301 = arith.addi %mul3A_2, %add3A_300 : i32
    %dma_start3A_302 = arith.constant 0 : i32
    %dma_start3A_303 = tpu.memref_slice %arg4[%add3A_301, %dma_start3A_302] : memref<204800x128xf32, #tpu.memory_space<hbm>> -> memref<128x128xf32, #tpu.memory_space<hbm>>
    %dma_start3A_304 = arith.constant 0 : i32
    %dma_start3A_305 = tpu.memref_slice %arg4[%add3A_301, %dma_start3A_304] : memref<204800x128xf32, #tpu.memory_space<hbm>> -> memref<128x128xf32, #tpu.memory_space<hbm>>
    tpu.enqueue_dma source(%arg7 : memref<128x128xf32, #tpu.memory_space<vmem>>) target(%dma_start3A_305 : memref<128x128xf32, #tpu.memory_space<hbm>>) target_semaphore(%arg19 : memref<!tpu.dma_semaphore, #tpu.memory_space<semaphore_mem>>)
    %add3A_306 = arith.constant 1408 : i32
    %add3A_307 = arith.addi %mul3A_2, %add3A_306 : i32
    %dma_wait3A_308 = arith.constant 0 : i32
    %dma_wait3A_309 = tpu.memref_slice %arg4[%add3A_307, %dma_wait3A_308] : memref<204800x128xf32, #tpu.memory_space<hbm>> -> memref<128x128xf32, #tpu.memory_space<hbm>>
    %dma_wait3A_310 = arith.constant 0 : i32
    %dma_wait3A_311 = tpu.memref_slice %arg4[%add3A_307, %dma_wait3A_310] : memref<204800x128xf32, #tpu.memory_space<hbm>> -> memref<128x128xf32, #tpu.memory_space<hbm>>
    tpu.wait_dma2 semaphore(%arg23 : memref<!tpu.dma_semaphore, #tpu.memory_space<semaphore_mem>>) src(%arg11 : memref<128x128xf32, #tpu.memory_space<vmem>>) dst(%dma_wait3A_311 : memref<128x128xf32, #tpu.memory_space<hbm>>)
    %dma_start3A_312 = arith.constant 2176 : i32
    %dma_start3A_313 = tpu.memref_slice %arg5[%dma_start3A_312] : memref<6400xi32, #tpu.memory_space<vmem>> -> memref<128xi32, #tpu.memory_space<vmem>>
    %dma_start3A_314 = arith.constant 0 : i32
    %dma_start3A_315 = arith.constant 0 : i32
    %dma_start3A_316 = tpu.memref_slice %arg3[%dma_start3A_314, %dma_start3A_315] : memref<100000x128xf32, #tpu.memory_space<hbm>> -> memref<100000x128xf32, #tpu.memory_space<hbm>>
    tpu.enqueue_indirect_dma source(%dma_start3A_316 : memref<100000x128xf32, #tpu.memory_space<hbm>>) target(%arg11 : memref<128x128xf32, #tpu.memory_space<vmem>>) offsets(%dma_start3A_313 : memref<128xi32, #tpu.memory_space<vmem>>) semaphore(%arg17 : memref<!tpu.dma_semaphore, #tpu.memory_space<semaphore_mem>>)
    %dma_wait3A_317 = arith.constant 1792 : i32
    %dma_wait3A_318 = tpu.memref_slice %arg5[%dma_wait3A_317] : memref<6400xi32, #tpu.memory_space<vmem>> -> memref<128xi32, #tpu.memory_space<vmem>>
    %dma_wait3A_319 = arith.constant 0 : i32
    %dma_wait3A_320 = arith.constant 0 : i32
    %dma_wait3A_321 = tpu.memref_slice %arg3[%dma_wait3A_319, %dma_wait3A_320] : memref<100000x128xf32, #tpu.memory_space<hbm>> -> memref<100000x128xf32, #tpu.memory_space<hbm>>
    tpu.wait_indirect_dma semaphore(%arg14 : memref<!tpu.dma_semaphore, #tpu.memory_space<semaphore_mem>>) src(%dma_wait3A_321 : memref<100000x128xf32, #tpu.memory_space<hbm>>) dst(%arg8 : memref<128x128xf32, #tpu.memory_space<vmem>>)
    %add3A_322 = arith.constant 1792 : i32
    %add3A_323 = arith.addi %mul3A_2, %add3A_322 : i32
    %dma_start3A_324 = arith.constant 0 : i32
    %dma_start3A_325 = tpu.memref_slice %arg4[%add3A_323, %dma_start3A_324] : memref<204800x128xf32, #tpu.memory_space<hbm>> -> memref<128x128xf32, #tpu.memory_space<hbm>>
    %dma_start3A_326 = arith.constant 0 : i32
    %dma_start3A_327 = tpu.memref_slice %arg4[%add3A_323, %dma_start3A_326] : memref<204800x128xf32, #tpu.memory_space<hbm>> -> memref<128x128xf32, #tpu.memory_space<hbm>>
    tpu.enqueue_dma source(%arg8 : memref<128x128xf32, #tpu.memory_space<vmem>>) target(%dma_start3A_327 : memref<128x128xf32, #tpu.memory_space<hbm>>) target_semaphore(%arg20 : memref<!tpu.dma_semaphore, #tpu.memory_space<semaphore_mem>>)
    %add3A_328 = arith.constant 1536 : i32
    %add3A_329 = arith.addi %mul3A_2, %add3A_328 : i32
    %dma_wait3A_330 = arith.constant 0 : i32
    %dma_wait3A_331 = tpu.memref_slice %arg4[%add3A_329, %dma_wait3A_330] : memref<204800x128xf32, #tpu.memory_space<hbm>> -> memref<128x128xf32, #tpu.memory_space<hbm>>
    %dma_wait3A_332 = arith.constant 0 : i32
    %dma_wait3A_333 = tpu.memref_slice %arg4[%add3A_329, %dma_wait3A_332] : memref<204800x128xf32, #tpu.memory_space<hbm>> -> memref<128x128xf32, #tpu.memory_space<hbm>>
    tpu.wait_dma2 semaphore(%arg18 : memref<!tpu.dma_semaphore, #tpu.memory_space<semaphore_mem>>) src(%arg6 : memref<128x128xf32, #tpu.memory_space<vmem>>) dst(%dma_wait3A_333 : memref<128x128xf32, #tpu.memory_space<hbm>>)
    %dma_start3A_334 = arith.constant 2304 : i32
    %dma_start3A_335 = tpu.memref_slice %arg5[%dma_start3A_334] : memref<6400xi32, #tpu.memory_space<vmem>> -> memref<128xi32, #tpu.memory_space<vmem>>
    %dma_start3A_336 = arith.constant 0 : i32
    %dma_start3A_337 = arith.constant 0 : i32
    %dma_start3A_338 = tpu.memref_slice %arg3[%dma_start3A_336, %dma_start3A_337] : memref<100000x128xf32, #tpu.memory_space<hbm>> -> memref<100000x128xf32, #tpu.memory_space<hbm>>
    tpu.enqueue_indirect_dma source(%dma_start3A_338 : memref<100000x128xf32, #tpu.memory_space<hbm>>) target(%arg6 : memref<128x128xf32, #tpu.memory_space<vmem>>) offsets(%dma_start3A_335 : memref<128xi32, #tpu.memory_space<vmem>>) semaphore(%arg12 : memref<!tpu.dma_semaphore, #tpu.memory_space<semaphore_mem>>)
    %dma_wait3A_339 = arith.constant 1920 : i32
    %dma_wait3A_340 = tpu.memref_slice %arg5[%dma_wait3A_339] : memref<6400xi32, #tpu.memory_space<vmem>> -> memref<128xi32, #tpu.memory_space<vmem>>
    %dma_wait3A_341 = arith.constant 0 : i32
    %dma_wait3A_342 = arith.constant 0 : i32
    %dma_wait3A_343 = tpu.memref_slice %arg3[%dma_wait3A_341, %dma_wait3A_342] : memref<100000x128xf32, #tpu.memory_space<hbm>> -> memref<100000x128xf32, #tpu.memory_space<hbm>>
    tpu.wait_indirect_dma semaphore(%arg15 : memref<!tpu.dma_semaphore, #tpu.memory_space<semaphore_mem>>) src(%dma_wait3A_343 : memref<100000x128xf32, #tpu.memory_space<hbm>>) dst(%arg9 : memref<128x128xf32, #tpu.memory_space<vmem>>)
    %add3A_344 = arith.constant 1920 : i32
    %add3A_345 = arith.addi %mul3A_2, %add3A_344 : i32
    %dma_start3A_346 = arith.constant 0 : i32
    %dma_start3A_347 = tpu.memref_slice %arg4[%add3A_345, %dma_start3A_346] : memref<204800x128xf32, #tpu.memory_space<hbm>> -> memref<128x128xf32, #tpu.memory_space<hbm>>
    %dma_start3A_348 = arith.constant 0 : i32
    %dma_start3A_349 = tpu.memref_slice %arg4[%add3A_345, %dma_start3A_348] : memref<204800x128xf32, #tpu.memory_space<hbm>> -> memref<128x128xf32, #tpu.memory_space<hbm>>
    tpu.enqueue_dma source(%arg9 : memref<128x128xf32, #tpu.memory_space<vmem>>) target(%dma_start3A_349 : memref<128x128xf32, #tpu.memory_space<hbm>>) target_semaphore(%arg21 : memref<!tpu.dma_semaphore, #tpu.memory_space<semaphore_mem>>)
    %add3A_350 = arith.constant 1664 : i32
    %add3A_351 = arith.addi %mul3A_2, %add3A_350 : i32
    %dma_wait3A_352 = arith.constant 0 : i32
    %dma_wait3A_353 = tpu.memref_slice %arg4[%add3A_351, %dma_wait3A_352] : memref<204800x128xf32, #tpu.memory_space<hbm>> -> memref<128x128xf32, #tpu.memory_space<hbm>>
    %dma_wait3A_354 = arith.constant 0 : i32
    %dma_wait3A_355 = tpu.memref_slice %arg4[%add3A_351, %dma_wait3A_354] : memref<204800x128xf32, #tpu.memory_space<hbm>> -> memref<128x128xf32, #tpu.memory_space<hbm>>
    tpu.wait_dma2 semaphore(%arg19 : memref<!tpu.dma_semaphore, #tpu.memory_space<semaphore_mem>>) src(%arg7 : memref<128x128xf32, #tpu.memory_space<vmem>>) dst(%dma_wait3A_355 : memref<128x128xf32, #tpu.memory_space<hbm>>)
    %dma_start3A_356 = arith.constant 2432 : i32
    %dma_start3A_357 = tpu.memref_slice %arg5[%dma_start3A_356] : memref<6400xi32, #tpu.memory_space<vmem>> -> memref<128xi32, #tpu.memory_space<vmem>>
    %dma_start3A_358 = arith.constant 0 : i32
    %dma_start3A_359 = arith.constant 0 : i32
    %dma_start3A_360 = tpu.memref_slice %arg3[%dma_start3A_358, %dma_start3A_359] : memref<100000x128xf32, #tpu.memory_space<hbm>> -> memref<100000x128xf32, #tpu.memory_space<hbm>>
    tpu.enqueue_indirect_dma source(%dma_start3A_360 : memref<100000x128xf32, #tpu.memory_space<hbm>>) target(%arg7 : memref<128x128xf32, #tpu.memory_space<vmem>>) offsets(%dma_start3A_357 : memref<128xi32, #tpu.memory_space<vmem>>) semaphore(%arg13 : memref<!tpu.dma_semaphore, #tpu.memory_space<semaphore_mem>>)
    %dma_wait3A_361 = arith.constant 2048 : i32
    %dma_wait3A_362 = tpu.memref_slice %arg5[%dma_wait3A_361] : memref<6400xi32, #tpu.memory_space<vmem>> -> memref<128xi32, #tpu.memory_space<vmem>>
    %dma_wait3A_363 = arith.constant 0 : i32
    %dma_wait3A_364 = arith.constant 0 : i32
    %dma_wait3A_365 = tpu.memref_slice %arg3[%dma_wait3A_363, %dma_wait3A_364] : memref<100000x128xf32, #tpu.memory_space<hbm>> -> memref<100000x128xf32, #tpu.memory_space<hbm>>
    tpu.wait_indirect_dma semaphore(%arg16 : memref<!tpu.dma_semaphore, #tpu.memory_space<semaphore_mem>>) src(%dma_wait3A_365 : memref<100000x128xf32, #tpu.memory_space<hbm>>) dst(%arg10 : memref<128x128xf32, #tpu.memory_space<vmem>>)
    %add3A_366 = arith.constant 2048 : i32
    %add3A_367 = arith.addi %mul3A_2, %add3A_366 : i32
    %dma_start3A_368 = arith.constant 0 : i32
    %dma_start3A_369 = tpu.memref_slice %arg4[%add3A_367, %dma_start3A_368] : memref<204800x128xf32, #tpu.memory_space<hbm>> -> memref<128x128xf32, #tpu.memory_space<hbm>>
    %dma_start3A_370 = arith.constant 0 : i32
    %dma_start3A_371 = tpu.memref_slice %arg4[%add3A_367, %dma_start3A_370] : memref<204800x128xf32, #tpu.memory_space<hbm>> -> memref<128x128xf32, #tpu.memory_space<hbm>>
    tpu.enqueue_dma source(%arg10 : memref<128x128xf32, #tpu.memory_space<vmem>>) target(%dma_start3A_371 : memref<128x128xf32, #tpu.memory_space<hbm>>) target_semaphore(%arg22 : memref<!tpu.dma_semaphore, #tpu.memory_space<semaphore_mem>>)
    %add3A_372 = arith.constant 1792 : i32
    %add3A_373 = arith.addi %mul3A_2, %add3A_372 : i32
    %dma_wait3A_374 = arith.constant 0 : i32
    %dma_wait3A_375 = tpu.memref_slice %arg4[%add3A_373, %dma_wait3A_374] : memref<204800x128xf32, #tpu.memory_space<hbm>> -> memref<128x128xf32, #tpu.memory_space<hbm>>
    %dma_wait3A_376 = arith.constant 0 : i32
    %dma_wait3A_377 = tpu.memref_slice %arg4[%add3A_373, %dma_wait3A_376] : memref<204800x128xf32, #tpu.memory_space<hbm>> -> memref<128x128xf32, #tpu.memory_space<hbm>>
    tpu.wait_dma2 semaphore(%arg20 : memref<!tpu.dma_semaphore, #tpu.memory_space<semaphore_mem>>) src(%arg8 : memref<128x128xf32, #tpu.memory_space<vmem>>) dst(%dma_wait3A_377 : memref<128x128xf32, #tpu.memory_space<hbm>>)
    %dma_start3A_378 = arith.constant 2560 : i32
    %dma_start3A_379 = tpu.memref_slice %arg5[%dma_start3A_378] : memref<6400xi32, #tpu.memory_space<vmem>> -> memref<128xi32, #tpu.memory_space<vmem>>
    %dma_start3A_380 = arith.constant 0 : i32
    %dma_start3A_381 = arith.constant 0 : i32
    %dma_start3A_382 = tpu.memref_slice %arg3[%dma_start3A_380, %dma_start3A_381] : memref<100000x128xf32, #tpu.memory_space<hbm>> -> memref<100000x128xf32, #tpu.memory_space<hbm>>
    tpu.enqueue_indirect_dma source(%dma_start3A_382 : memref<100000x128xf32, #tpu.memory_space<hbm>>) target(%arg8 : memref<128x128xf32, #tpu.memory_space<vmem>>) offsets(%dma_start3A_379 : memref<128xi32, #tpu.memory_space<vmem>>) semaphore(%arg14 : memref<!tpu.dma_semaphore, #tpu.memory_space<semaphore_mem>>)
    %dma_wait3A_383 = arith.constant 2176 : i32
    %dma_wait3A_384 = tpu.memref_slice %arg5[%dma_wait3A_383] : memref<6400xi32, #tpu.memory_space<vmem>> -> memref<128xi32, #tpu.memory_space<vmem>>
    %dma_wait3A_385 = arith.constant 0 : i32
    %dma_wait3A_386 = arith.constant 0 : i32
    %dma_wait3A_387 = tpu.memref_slice %arg3[%dma_wait3A_385, %dma_wait3A_386] : memref<100000x128xf32, #tpu.memory_space<hbm>> -> memref<100000x128xf32, #tpu.memory_space<hbm>>
    tpu.wait_indirect_dma semaphore(%arg17 : memref<!tpu.dma_semaphore, #tpu.memory_space<semaphore_mem>>) src(%dma_wait3A_387 : memref<100000x128xf32, #tpu.memory_space<hbm>>) dst(%arg11 : memref<128x128xf32, #tpu.memory_space<vmem>>)
    %add3A_388 = arith.constant 2176 : i32
    %add3A_389 = arith.addi %mul3A_2, %add3A_388 : i32
    %dma_start3A_390 = arith.constant 0 : i32
    %dma_start3A_391 = tpu.memref_slice %arg4[%add3A_389, %dma_start3A_390] : memref<204800x128xf32, #tpu.memory_space<hbm>> -> memref<128x128xf32, #tpu.memory_space<hbm>>
    %dma_start3A_392 = arith.constant 0 : i32
    %dma_start3A_393 = tpu.memref_slice %arg4[%add3A_389, %dma_start3A_392] : memref<204800x128xf32, #tpu.memory_space<hbm>> -> memref<128x128xf32, #tpu.memory_space<hbm>>
    tpu.enqueue_dma source(%arg11 : memref<128x128xf32, #tpu.memory_space<vmem>>) target(%dma_start3A_393 : memref<128x128xf32, #tpu.memory_space<hbm>>) target_semaphore(%arg23 : memref<!tpu.dma_semaphore, #tpu.memory_space<semaphore_mem>>)
    %add3A_394 = arith.constant 1920 : i32
    %add3A_395 = arith.addi %mul3A_2, %add3A_394 : i32
    %dma_wait3A_396 = arith.constant 0 : i32
    %dma_wait3A_397 = tpu.memref_slice %arg4[%add3A_395, %dma_wait3A_396] : memref<204800x128xf32, #tpu.memory_space<hbm>> -> memref<128x128xf32, #tpu.memory_space<hbm>>
    %dma_wait3A_398 = arith.constant 0 : i32
    %dma_wait3A_399 = tpu.memref_slice %arg4[%add3A_395, %dma_wait3A_398] : memref<204800x128xf32, #tpu.memory_space<hbm>> -> memref<128x128xf32, #tpu.memory_space<hbm>>
    tpu.wait_dma2 semaphore(%arg21 : memref<!tpu.dma_semaphore, #tpu.memory_space<semaphore_mem>>) src(%arg9 : memref<128x128xf32, #tpu.memory_space<vmem>>) dst(%dma_wait3A_399 : memref<128x128xf32, #tpu.memory_space<hbm>>)
    %dma_start3A_400 = arith.constant 2688 : i32
    %dma_start3A_401 = tpu.memref_slice %arg5[%dma_start3A_400] : memref<6400xi32, #tpu.memory_space<vmem>> -> memref<128xi32, #tpu.memory_space<vmem>>
    %dma_start3A_402 = arith.constant 0 : i32
    %dma_start3A_403 = arith.constant 0 : i32
    %dma_start3A_404 = tpu.memref_slice %arg3[%dma_start3A_402, %dma_start3A_403] : memref<100000x128xf32, #tpu.memory_space<hbm>> -> memref<100000x128xf32, #tpu.memory_space<hbm>>
    tpu.enqueue_indirect_dma source(%dma_start3A_404 : memref<100000x128xf32, #tpu.memory_space<hbm>>) target(%arg9 : memref<128x128xf32, #tpu.memory_space<vmem>>) offsets(%dma_start3A_401 : memref<128xi32, #tpu.memory_space<vmem>>) semaphore(%arg15 : memref<!tpu.dma_semaphore, #tpu.memory_space<semaphore_mem>>)
    %dma_wait3A_405 = arith.constant 2304 : i32
    %dma_wait3A_406 = tpu.memref_slice %arg5[%dma_wait3A_405] : memref<6400xi32, #tpu.memory_space<vmem>> -> memref<128xi32, #tpu.memory_space<vmem>>
    %dma_wait3A_407 = arith.constant 0 : i32
    %dma_wait3A_408 = arith.constant 0 : i32
    %dma_wait3A_409 = tpu.memref_slice %arg3[%dma_wait3A_407, %dma_wait3A_408] : memref<100000x128xf32, #tpu.memory_space<hbm>> -> memref<100000x128xf32, #tpu.memory_space<hbm>>
    tpu.wait_indirect_dma semaphore(%arg12 : memref<!tpu.dma_semaphore, #tpu.memory_space<semaphore_mem>>) src(%dma_wait3A_409 : memref<100000x128xf32, #tpu.memory_space<hbm>>) dst(%arg6 : memref<128x128xf32, #tpu.memory_space<vmem>>)
    %add3A_410 = arith.constant 2304 : i32
    %add3A_411 = arith.addi %mul3A_2, %add3A_410 : i32
    %dma_start3A_412 = arith.constant 0 : i32
    %dma_start3A_413 = tpu.memref_slice %arg4[%add3A_411, %dma_start3A_412] : memref<204800x128xf32, #tpu.memory_space<hbm>> -> memref<128x128xf32, #tpu.memory_space<hbm>>
    %dma_start3A_414 = arith.constant 0 : i32
    %dma_start3A_415 = tpu.memref_slice %arg4[%add3A_411, %dma_start3A_414] : memref<204800x128xf32, #tpu.memory_space<hbm>> -> memref<128x128xf32, #tpu.memory_space<hbm>>
    tpu.enqueue_dma source(%arg6 : memref<128x128xf32, #tpu.memory_space<vmem>>) target(%dma_start3A_415 : memref<128x128xf32, #tpu.memory_space<hbm>>) target_semaphore(%arg18 : memref<!tpu.dma_semaphore, #tpu.memory_space<semaphore_mem>>)
    %add3A_416 = arith.constant 2048 : i32
    %add3A_417 = arith.addi %mul3A_2, %add3A_416 : i32
    %dma_wait3A_418 = arith.constant 0 : i32
    %dma_wait3A_419 = tpu.memref_slice %arg4[%add3A_417, %dma_wait3A_418] : memref<204800x128xf32, #tpu.memory_space<hbm>> -> memref<128x128xf32, #tpu.memory_space<hbm>>
    %dma_wait3A_420 = arith.constant 0 : i32
    %dma_wait3A_421 = tpu.memref_slice %arg4[%add3A_417, %dma_wait3A_420] : memref<204800x128xf32, #tpu.memory_space<hbm>> -> memref<128x128xf32, #tpu.memory_space<hbm>>
    tpu.wait_dma2 semaphore(%arg22 : memref<!tpu.dma_semaphore, #tpu.memory_space<semaphore_mem>>) src(%arg10 : memref<128x128xf32, #tpu.memory_space<vmem>>) dst(%dma_wait3A_421 : memref<128x128xf32, #tpu.memory_space<hbm>>)
    %dma_start3A_422 = arith.constant 2816 : i32
    %dma_start3A_423 = tpu.memref_slice %arg5[%dma_start3A_422] : memref<6400xi32, #tpu.memory_space<vmem>> -> memref<128xi32, #tpu.memory_space<vmem>>
    %dma_start3A_424 = arith.constant 0 : i32
    %dma_start3A_425 = arith.constant 0 : i32
    %dma_start3A_426 = tpu.memref_slice %arg3[%dma_start3A_424, %dma_start3A_425] : memref<100000x128xf32, #tpu.memory_space<hbm>> -> memref<100000x128xf32, #tpu.memory_space<hbm>>
    tpu.enqueue_indirect_dma source(%dma_start3A_426 : memref<100000x128xf32, #tpu.memory_space<hbm>>) target(%arg10 : memref<128x128xf32, #tpu.memory_space<vmem>>) offsets(%dma_start3A_423 : memref<128xi32, #tpu.memory_space<vmem>>) semaphore(%arg16 : memref<!tpu.dma_semaphore, #tpu.memory_space<semaphore_mem>>)
    %dma_wait3A_427 = arith.constant 2432 : i32
    %dma_wait3A_428 = tpu.memref_slice %arg5[%dma_wait3A_427] : memref<6400xi32, #tpu.memory_space<vmem>> -> memref<128xi32, #tpu.memory_space<vmem>>
    %dma_wait3A_429 = arith.constant 0 : i32
    %dma_wait3A_430 = arith.constant 0 : i32
    %dma_wait3A_431 = tpu.memref_slice %arg3[%dma_wait3A_429, %dma_wait3A_430] : memref<100000x128xf32, #tpu.memory_space<hbm>> -> memref<100000x128xf32, #tpu.memory_space<hbm>>
    tpu.wait_indirect_dma semaphore(%arg13 : memref<!tpu.dma_semaphore, #tpu.memory_space<semaphore_mem>>) src(%dma_wait3A_431 : memref<100000x128xf32, #tpu.memory_space<hbm>>) dst(%arg7 : memref<128x128xf32, #tpu.memory_space<vmem>>)
    %add3A_432 = arith.constant 2432 : i32
    %add3A_433 = arith.addi %mul3A_2, %add3A_432 : i32
    %dma_start3A_434 = arith.constant 0 : i32
    %dma_start3A_435 = tpu.memref_slice %arg4[%add3A_433, %dma_start3A_434] : memref<204800x128xf32, #tpu.memory_space<hbm>> -> memref<128x128xf32, #tpu.memory_space<hbm>>
    %dma_start3A_436 = arith.constant 0 : i32
    %dma_start3A_437 = tpu.memref_slice %arg4[%add3A_433, %dma_start3A_436] : memref<204800x128xf32, #tpu.memory_space<hbm>> -> memref<128x128xf32, #tpu.memory_space<hbm>>
    tpu.enqueue_dma source(%arg7 : memref<128x128xf32, #tpu.memory_space<vmem>>) target(%dma_start3A_437 : memref<128x128xf32, #tpu.memory_space<hbm>>) target_semaphore(%arg19 : memref<!tpu.dma_semaphore, #tpu.memory_space<semaphore_mem>>)
    %add3A_438 = arith.constant 2176 : i32
    %add3A_439 = arith.addi %mul3A_2, %add3A_438 : i32
    %dma_wait3A_440 = arith.constant 0 : i32
    %dma_wait3A_441 = tpu.memref_slice %arg4[%add3A_439, %dma_wait3A_440] : memref<204800x128xf32, #tpu.memory_space<hbm>> -> memref<128x128xf32, #tpu.memory_space<hbm>>
    %dma_wait3A_442 = arith.constant 0 : i32
    %dma_wait3A_443 = tpu.memref_slice %arg4[%add3A_439, %dma_wait3A_442] : memref<204800x128xf32, #tpu.memory_space<hbm>> -> memref<128x128xf32, #tpu.memory_space<hbm>>
    tpu.wait_dma2 semaphore(%arg23 : memref<!tpu.dma_semaphore, #tpu.memory_space<semaphore_mem>>) src(%arg11 : memref<128x128xf32, #tpu.memory_space<vmem>>) dst(%dma_wait3A_443 : memref<128x128xf32, #tpu.memory_space<hbm>>)
    %dma_start3A_444 = arith.constant 2944 : i32
    %dma_start3A_445 = tpu.memref_slice %arg5[%dma_start3A_444] : memref<6400xi32, #tpu.memory_space<vmem>> -> memref<128xi32, #tpu.memory_space<vmem>>
    %dma_start3A_446 = arith.constant 0 : i32
    %dma_start3A_447 = arith.constant 0 : i32
    %dma_start3A_448 = tpu.memref_slice %arg3[%dma_start3A_446, %dma_start3A_447] : memref<100000x128xf32, #tpu.memory_space<hbm>> -> memref<100000x128xf32, #tpu.memory_space<hbm>>
    tpu.enqueue_indirect_dma source(%dma_start3A_448 : memref<100000x128xf32, #tpu.memory_space<hbm>>) target(%arg11 : memref<128x128xf32, #tpu.memory_space<vmem>>) offsets(%dma_start3A_445 : memref<128xi32, #tpu.memory_space<vmem>>) semaphore(%arg17 : memref<!tpu.dma_semaphore, #tpu.memory_space<semaphore_mem>>)
    %dma_wait3A_449 = arith.constant 2560 : i32
    %dma_wait3A_450 = tpu.memref_slice %arg5[%dma_wait3A_449] : memref<6400xi32, #tpu.memory_space<vmem>> -> memref<128xi32, #tpu.memory_space<vmem>>
    %dma_wait3A_451 = arith.constant 0 : i32
    %dma_wait3A_452 = arith.constant 0 : i32
    %dma_wait3A_453 = tpu.memref_slice %arg3[%dma_wait3A_451, %dma_wait3A_452] : memref<100000x128xf32, #tpu.memory_space<hbm>> -> memref<100000x128xf32, #tpu.memory_space<hbm>>
    tpu.wait_indirect_dma semaphore(%arg14 : memref<!tpu.dma_semaphore, #tpu.memory_space<semaphore_mem>>) src(%dma_wait3A_453 : memref<100000x128xf32, #tpu.memory_space<hbm>>) dst(%arg8 : memref<128x128xf32, #tpu.memory_space<vmem>>)
    %add3A_454 = arith.constant 2560 : i32
    %add3A_455 = arith.addi %mul3A_2, %add3A_454 : i32
    %dma_start3A_456 = arith.constant 0 : i32
    %dma_start3A_457 = tpu.memref_slice %arg4[%add3A_455, %dma_start3A_456] : memref<204800x128xf32, #tpu.memory_space<hbm>> -> memref<128x128xf32, #tpu.memory_space<hbm>>
    %dma_start3A_458 = arith.constant 0 : i32
    %dma_start3A_459 = tpu.memref_slice %arg4[%add3A_455, %dma_start3A_458] : memref<204800x128xf32, #tpu.memory_space<hbm>> -> memref<128x128xf32, #tpu.memory_space<hbm>>
    tpu.enqueue_dma source(%arg8 : memref<128x128xf32, #tpu.memory_space<vmem>>) target(%dma_start3A_459 : memref<128x128xf32, #tpu.memory_space<hbm>>) target_semaphore(%arg20 : memref<!tpu.dma_semaphore, #tpu.memory_space<semaphore_mem>>)
    %add3A_460 = arith.constant 2304 : i32
    %add3A_461 = arith.addi %mul3A_2, %add3A_460 : i32
    %dma_wait3A_462 = arith.constant 0 : i32
    %dma_wait3A_463 = tpu.memref_slice %arg4[%add3A_461, %dma_wait3A_462] : memref<204800x128xf32, #tpu.memory_space<hbm>> -> memref<128x128xf32, #tpu.memory_space<hbm>>
    %dma_wait3A_464 = arith.constant 0 : i32
    %dma_wait3A_465 = tpu.memref_slice %arg4[%add3A_461, %dma_wait3A_464] : memref<204800x128xf32, #tpu.memory_space<hbm>> -> memref<128x128xf32, #tpu.memory_space<hbm>>
    tpu.wait_dma2 semaphore(%arg18 : memref<!tpu.dma_semaphore, #tpu.memory_space<semaphore_mem>>) src(%arg6 : memref<128x128xf32, #tpu.memory_space<vmem>>) dst(%dma_wait3A_465 : memref<128x128xf32, #tpu.memory_space<hbm>>)
    %dma_start3A_466 = arith.constant 3072 : i32
    %dma_start3A_467 = tpu.memref_slice %arg5[%dma_start3A_466] : memref<6400xi32, #tpu.memory_space<vmem>> -> memref<128xi32, #tpu.memory_space<vmem>>
    %dma_start3A_468 = arith.constant 0 : i32
    %dma_start3A_469 = arith.constant 0 : i32
    %dma_start3A_470 = tpu.memref_slice %arg3[%dma_start3A_468, %dma_start3A_469] : memref<100000x128xf32, #tpu.memory_space<hbm>> -> memref<100000x128xf32, #tpu.memory_space<hbm>>
    tpu.enqueue_indirect_dma source(%dma_start3A_470 : memref<100000x128xf32, #tpu.memory_space<hbm>>) target(%arg6 : memref<128x128xf32, #tpu.memory_space<vmem>>) offsets(%dma_start3A_467 : memref<128xi32, #tpu.memory_space<vmem>>) semaphore(%arg12 : memref<!tpu.dma_semaphore, #tpu.memory_space<semaphore_mem>>)
    %dma_wait3A_471 = arith.constant 2688 : i32
    %dma_wait3A_472 = tpu.memref_slice %arg5[%dma_wait3A_471] : memref<6400xi32, #tpu.memory_space<vmem>> -> memref<128xi32, #tpu.memory_space<vmem>>
    %dma_wait3A_473 = arith.constant 0 : i32
    %dma_wait3A_474 = arith.constant 0 : i32
    %dma_wait3A_475 = tpu.memref_slice %arg3[%dma_wait3A_473, %dma_wait3A_474] : memref<100000x128xf32, #tpu.memory_space<hbm>> -> memref<100000x128xf32, #tpu.memory_space<hbm>>
    tpu.wait_indirect_dma semaphore(%arg15 : memref<!tpu.dma_semaphore, #tpu.memory_space<semaphore_mem>>) src(%dma_wait3A_475 : memref<100000x128xf32, #tpu.memory_space<hbm>>) dst(%arg9 : memref<128x128xf32, #tpu.memory_space<vmem>>)
    %add3A_476 = arith.constant 2688 : i32
    %add3A_477 = arith.addi %mul3A_2, %add3A_476 : i32
    %dma_start3A_478 = arith.constant 0 : i32
    %dma_start3A_479 = tpu.memref_slice %arg4[%add3A_477, %dma_start3A_478] : memref<204800x128xf32, #tpu.memory_space<hbm>> -> memref<128x128xf32, #tpu.memory_space<hbm>>
    %dma_start3A_480 = arith.constant 0 : i32
    %dma_start3A_481 = tpu.memref_slice %arg4[%add3A_477, %dma_start3A_480] : memref<204800x128xf32, #tpu.memory_space<hbm>> -> memref<128x128xf32, #tpu.memory_space<hbm>>
    tpu.enqueue_dma source(%arg9 : memref<128x128xf32, #tpu.memory_space<vmem>>) target(%dma_start3A_481 : memref<128x128xf32, #tpu.memory_space<hbm>>) target_semaphore(%arg21 : memref<!tpu.dma_semaphore, #tpu.memory_space<semaphore_mem>>)
    %add3A_482 = arith.constant 2432 : i32
    %add3A_483 = arith.addi %mul3A_2, %add3A_482 : i32
    %dma_wait3A_484 = arith.constant 0 : i32
    %dma_wait3A_485 = tpu.memref_slice %arg4[%add3A_483, %dma_wait3A_484] : memref<204800x128xf32, #tpu.memory_space<hbm>> -> memref<128x128xf32, #tpu.memory_space<hbm>>
    %dma_wait3A_486 = arith.constant 0 : i32
    %dma_wait3A_487 = tpu.memref_slice %arg4[%add3A_483, %dma_wait3A_486] : memref<204800x128xf32, #tpu.memory_space<hbm>> -> memref<128x128xf32, #tpu.memory_space<hbm>>
    tpu.wait_dma2 semaphore(%arg19 : memref<!tpu.dma_semaphore, #tpu.memory_space<semaphore_mem>>) src(%arg7 : memref<128x128xf32, #tpu.memory_space<vmem>>) dst(%dma_wait3A_487 : memref<128x128xf32, #tpu.memory_space<hbm>>)
    %dma_start3A_488 = arith.constant 3200 : i32
    %dma_start3A_489 = tpu.memref_slice %arg5[%dma_start3A_488] : memref<6400xi32, #tpu.memory_space<vmem>> -> memref<128xi32, #tpu.memory_space<vmem>>
    %dma_start3A_490 = arith.constant 0 : i32
    %dma_start3A_491 = arith.constant 0 : i32
    %dma_start3A_492 = tpu.memref_slice %arg3[%dma_start3A_490, %dma_start3A_491] : memref<100000x128xf32, #tpu.memory_space<hbm>> -> memref<100000x128xf32, #tpu.memory_space<hbm>>
    tpu.enqueue_indirect_dma source(%dma_start3A_492 : memref<100000x128xf32, #tpu.memory_space<hbm>>) target(%arg7 : memref<128x128xf32, #tpu.memory_space<vmem>>) offsets(%dma_start3A_489 : memref<128xi32, #tpu.memory_space<vmem>>) semaphore(%arg13 : memref<!tpu.dma_semaphore, #tpu.memory_space<semaphore_mem>>)
    %dma_wait3A_493 = arith.constant 2816 : i32
    %dma_wait3A_494 = tpu.memref_slice %arg5[%dma_wait3A_493] : memref<6400xi32, #tpu.memory_space<vmem>> -> memref<128xi32, #tpu.memory_space<vmem>>
    %dma_wait3A_495 = arith.constant 0 : i32
    %dma_wait3A_496 = arith.constant 0 : i32
    %dma_wait3A_497 = tpu.memref_slice %arg3[%dma_wait3A_495, %dma_wait3A_496] : memref<100000x128xf32, #tpu.memory_space<hbm>> -> memref<100000x128xf32, #tpu.memory_space<hbm>>
    tpu.wait_indirect_dma semaphore(%arg16 : memref<!tpu.dma_semaphore, #tpu.memory_space<semaphore_mem>>) src(%dma_wait3A_497 : memref<100000x128xf32, #tpu.memory_space<hbm>>) dst(%arg10 : memref<128x128xf32, #tpu.memory_space<vmem>>)
    %add3A_498 = arith.constant 2816 : i32
    %add3A_499 = arith.addi %mul3A_2, %add3A_498 : i32
    %dma_start3A_500 = arith.constant 0 : i32
    %dma_start3A_501 = tpu.memref_slice %arg4[%add3A_499, %dma_start3A_500] : memref<204800x128xf32, #tpu.memory_space<hbm>> -> memref<128x128xf32, #tpu.memory_space<hbm>>
    %dma_start3A_502 = arith.constant 0 : i32
    %dma_start3A_503 = tpu.memref_slice %arg4[%add3A_499, %dma_start3A_502] : memref<204800x128xf32, #tpu.memory_space<hbm>> -> memref<128x128xf32, #tpu.memory_space<hbm>>
    tpu.enqueue_dma source(%arg10 : memref<128x128xf32, #tpu.memory_space<vmem>>) target(%dma_start3A_503 : memref<128x128xf32, #tpu.memory_space<hbm>>) target_semaphore(%arg22 : memref<!tpu.dma_semaphore, #tpu.memory_space<semaphore_mem>>)
    %add3A_504 = arith.constant 2560 : i32
    %add3A_505 = arith.addi %mul3A_2, %add3A_504 : i32
    %dma_wait3A_506 = arith.constant 0 : i32
    %dma_wait3A_507 = tpu.memref_slice %arg4[%add3A_505, %dma_wait3A_506] : memref<204800x128xf32, #tpu.memory_space<hbm>> -> memref<128x128xf32, #tpu.memory_space<hbm>>
    %dma_wait3A_508 = arith.constant 0 : i32
    %dma_wait3A_509 = tpu.memref_slice %arg4[%add3A_505, %dma_wait3A_508] : memref<204800x128xf32, #tpu.memory_space<hbm>> -> memref<128x128xf32, #tpu.memory_space<hbm>>
    tpu.wait_dma2 semaphore(%arg20 : memref<!tpu.dma_semaphore, #tpu.memory_space<semaphore_mem>>) src(%arg8 : memref<128x128xf32, #tpu.memory_space<vmem>>) dst(%dma_wait3A_509 : memref<128x128xf32, #tpu.memory_space<hbm>>)
    %dma_start3A_510 = arith.constant 3328 : i32
    %dma_start3A_511 = tpu.memref_slice %arg5[%dma_start3A_510] : memref<6400xi32, #tpu.memory_space<vmem>> -> memref<128xi32, #tpu.memory_space<vmem>>
    %dma_start3A_512 = arith.constant 0 : i32
    %dma_start3A_513 = arith.constant 0 : i32
    %dma_start3A_514 = tpu.memref_slice %arg3[%dma_start3A_512, %dma_start3A_513] : memref<100000x128xf32, #tpu.memory_space<hbm>> -> memref<100000x128xf32, #tpu.memory_space<hbm>>
    tpu.enqueue_indirect_dma source(%dma_start3A_514 : memref<100000x128xf32, #tpu.memory_space<hbm>>) target(%arg8 : memref<128x128xf32, #tpu.memory_space<vmem>>) offsets(%dma_start3A_511 : memref<128xi32, #tpu.memory_space<vmem>>) semaphore(%arg14 : memref<!tpu.dma_semaphore, #tpu.memory_space<semaphore_mem>>)
    %dma_wait3A_515 = arith.constant 2944 : i32
    %dma_wait3A_516 = tpu.memref_slice %arg5[%dma_wait3A_515] : memref<6400xi32, #tpu.memory_space<vmem>> -> memref<128xi32, #tpu.memory_space<vmem>>
    %dma_wait3A_517 = arith.constant 0 : i32
    %dma_wait3A_518 = arith.constant 0 : i32
    %dma_wait3A_519 = tpu.memref_slice %arg3[%dma_wait3A_517, %dma_wait3A_518] : memref<100000x128xf32, #tpu.memory_space<hbm>> -> memref<100000x128xf32, #tpu.memory_space<hbm>>
    tpu.wait_indirect_dma semaphore(%arg17 : memref<!tpu.dma_semaphore, #tpu.memory_space<semaphore_mem>>) src(%dma_wait3A_519 : memref<100000x128xf32, #tpu.memory_space<hbm>>) dst(%arg11 : memref<128x128xf32, #tpu.memory_space<vmem>>)
    %add3A_520 = arith.constant 2944 : i32
    %add3A_521 = arith.addi %mul3A_2, %add3A_520 : i32
    %dma_start3A_522 = arith.constant 0 : i32
    %dma_start3A_523 = tpu.memref_slice %arg4[%add3A_521, %dma_start3A_522] : memref<204800x128xf32, #tpu.memory_space<hbm>> -> memref<128x128xf32, #tpu.memory_space<hbm>>
    %dma_start3A_524 = arith.constant 0 : i32
    %dma_start3A_525 = tpu.memref_slice %arg4[%add3A_521, %dma_start3A_524] : memref<204800x128xf32, #tpu.memory_space<hbm>> -> memref<128x128xf32, #tpu.memory_space<hbm>>
    tpu.enqueue_dma source(%arg11 : memref<128x128xf32, #tpu.memory_space<vmem>>) target(%dma_start3A_525 : memref<128x128xf32, #tpu.memory_space<hbm>>) target_semaphore(%arg23 : memref<!tpu.dma_semaphore, #tpu.memory_space<semaphore_mem>>)
    %add3A_526 = arith.constant 2688 : i32
    %add3A_527 = arith.addi %mul3A_2, %add3A_526 : i32
    %dma_wait3A_528 = arith.constant 0 : i32
    %dma_wait3A_529 = tpu.memref_slice %arg4[%add3A_527, %dma_wait3A_528] : memref<204800x128xf32, #tpu.memory_space<hbm>> -> memref<128x128xf32, #tpu.memory_space<hbm>>
    %dma_wait3A_530 = arith.constant 0 : i32
    %dma_wait3A_531 = tpu.memref_slice %arg4[%add3A_527, %dma_wait3A_530] : memref<204800x128xf32, #tpu.memory_space<hbm>> -> memref<128x128xf32, #tpu.memory_space<hbm>>
    tpu.wait_dma2 semaphore(%arg21 : memref<!tpu.dma_semaphore, #tpu.memory_space<semaphore_mem>>) src(%arg9 : memref<128x128xf32, #tpu.memory_space<vmem>>) dst(%dma_wait3A_531 : memref<128x128xf32, #tpu.memory_space<hbm>>)
    %dma_start3A_532 = arith.constant 3456 : i32
    %dma_start3A_533 = tpu.memref_slice %arg5[%dma_start3A_532] : memref<6400xi32, #tpu.memory_space<vmem>> -> memref<128xi32, #tpu.memory_space<vmem>>
    %dma_start3A_534 = arith.constant 0 : i32
    %dma_start3A_535 = arith.constant 0 : i32
    %dma_start3A_536 = tpu.memref_slice %arg3[%dma_start3A_534, %dma_start3A_535] : memref<100000x128xf32, #tpu.memory_space<hbm>> -> memref<100000x128xf32, #tpu.memory_space<hbm>>
    tpu.enqueue_indirect_dma source(%dma_start3A_536 : memref<100000x128xf32, #tpu.memory_space<hbm>>) target(%arg9 : memref<128x128xf32, #tpu.memory_space<vmem>>) offsets(%dma_start3A_533 : memref<128xi32, #tpu.memory_space<vmem>>) semaphore(%arg15 : memref<!tpu.dma_semaphore, #tpu.memory_space<semaphore_mem>>)
    %dma_wait3A_537 = arith.constant 3072 : i32
    %dma_wait3A_538 = tpu.memref_slice %arg5[%dma_wait3A_537] : memref<6400xi32, #tpu.memory_space<vmem>> -> memref<128xi32, #tpu.memory_space<vmem>>
    %dma_wait3A_539 = arith.constant 0 : i32
    %dma_wait3A_540 = arith.constant 0 : i32
    %dma_wait3A_541 = tpu.memref_slice %arg3[%dma_wait3A_539, %dma_wait3A_540] : memref<100000x128xf32, #tpu.memory_space<hbm>> -> memref<100000x128xf32, #tpu.memory_space<hbm>>
    tpu.wait_indirect_dma semaphore(%arg12 : memref<!tpu.dma_semaphore, #tpu.memory_space<semaphore_mem>>) src(%dma_wait3A_541 : memref<100000x128xf32, #tpu.memory_space<hbm>>) dst(%arg6 : memref<128x128xf32, #tpu.memory_space<vmem>>)
    %add3A_542 = arith.constant 3072 : i32
    %add3A_543 = arith.addi %mul3A_2, %add3A_542 : i32
    %dma_start3A_544 = arith.constant 0 : i32
    %dma_start3A_545 = tpu.memref_slice %arg4[%add3A_543, %dma_start3A_544] : memref<204800x128xf32, #tpu.memory_space<hbm>> -> memref<128x128xf32, #tpu.memory_space<hbm>>
    %dma_start3A_546 = arith.constant 0 : i32
    %dma_start3A_547 = tpu.memref_slice %arg4[%add3A_543, %dma_start3A_546] : memref<204800x128xf32, #tpu.memory_space<hbm>> -> memref<128x128xf32, #tpu.memory_space<hbm>>
    tpu.enqueue_dma source(%arg6 : memref<128x128xf32, #tpu.memory_space<vmem>>) target(%dma_start3A_547 : memref<128x128xf32, #tpu.memory_space<hbm>>) target_semaphore(%arg18 : memref<!tpu.dma_semaphore, #tpu.memory_space<semaphore_mem>>)
    %add3A_548 = arith.constant 2816 : i32
    %add3A_549 = arith.addi %mul3A_2, %add3A_548 : i32
    %dma_wait3A_550 = arith.constant 0 : i32
    %dma_wait3A_551 = tpu.memref_slice %arg4[%add3A_549, %dma_wait3A_550] : memref<204800x128xf32, #tpu.memory_space<hbm>> -> memref<128x128xf32, #tpu.memory_space<hbm>>
    %dma_wait3A_552 = arith.constant 0 : i32
    %dma_wait3A_553 = tpu.memref_slice %arg4[%add3A_549, %dma_wait3A_552] : memref<204800x128xf32, #tpu.memory_space<hbm>> -> memref<128x128xf32, #tpu.memory_space<hbm>>
    tpu.wait_dma2 semaphore(%arg22 : memref<!tpu.dma_semaphore, #tpu.memory_space<semaphore_mem>>) src(%arg10 : memref<128x128xf32, #tpu.memory_space<vmem>>) dst(%dma_wait3A_553 : memref<128x128xf32, #tpu.memory_space<hbm>>)
    %dma_start3A_554 = arith.constant 3584 : i32
    %dma_start3A_555 = tpu.memref_slice %arg5[%dma_start3A_554] : memref<6400xi32, #tpu.memory_space<vmem>> -> memref<128xi32, #tpu.memory_space<vmem>>
    %dma_start3A_556 = arith.constant 0 : i32
    %dma_start3A_557 = arith.constant 0 : i32
    %dma_start3A_558 = tpu.memref_slice %arg3[%dma_start3A_556, %dma_start3A_557] : memref<100000x128xf32, #tpu.memory_space<hbm>> -> memref<100000x128xf32, #tpu.memory_space<hbm>>
    tpu.enqueue_indirect_dma source(%dma_start3A_558 : memref<100000x128xf32, #tpu.memory_space<hbm>>) target(%arg10 : memref<128x128xf32, #tpu.memory_space<vmem>>) offsets(%dma_start3A_555 : memref<128xi32, #tpu.memory_space<vmem>>) semaphore(%arg16 : memref<!tpu.dma_semaphore, #tpu.memory_space<semaphore_mem>>)
    %dma_wait3A_559 = arith.constant 3200 : i32
    %dma_wait3A_560 = tpu.memref_slice %arg5[%dma_wait3A_559] : memref<6400xi32, #tpu.memory_space<vmem>> -> memref<128xi32, #tpu.memory_space<vmem>>
    %dma_wait3A_561 = arith.constant 0 : i32
    %dma_wait3A_562 = arith.constant 0 : i32
    %dma_wait3A_563 = tpu.memref_slice %arg3[%dma_wait3A_561, %dma_wait3A_562] : memref<100000x128xf32, #tpu.memory_space<hbm>> -> memref<100000x128xf32, #tpu.memory_space<hbm>>
    tpu.wait_indirect_dma semaphore(%arg13 : memref<!tpu.dma_semaphore, #tpu.memory_space<semaphore_mem>>) src(%dma_wait3A_563 : memref<100000x128xf32, #tpu.memory_space<hbm>>) dst(%arg7 : memref<128x128xf32, #tpu.memory_space<vmem>>)
    %add3A_564 = arith.constant 3200 : i32
    %add3A_565 = arith.addi %mul3A_2, %add3A_564 : i32
    %dma_start3A_566 = arith.constant 0 : i32
    %dma_start3A_567 = tpu.memref_slice %arg4[%add3A_565, %dma_start3A_566] : memref<204800x128xf32, #tpu.memory_space<hbm>> -> memref<128x128xf32, #tpu.memory_space<hbm>>
    %dma_start3A_568 = arith.constant 0 : i32
    %dma_start3A_569 = tpu.memref_slice %arg4[%add3A_565, %dma_start3A_568] : memref<204800x128xf32, #tpu.memory_space<hbm>> -> memref<128x128xf32, #tpu.memory_space<hbm>>
    tpu.enqueue_dma source(%arg7 : memref<128x128xf32, #tpu.memory_space<vmem>>) target(%dma_start3A_569 : memref<128x128xf32, #tpu.memory_space<hbm>>) target_semaphore(%arg19 : memref<!tpu.dma_semaphore, #tpu.memory_space<semaphore_mem>>)
    %add3A_570 = arith.constant 2944 : i32
    %add3A_571 = arith.addi %mul3A_2, %add3A_570 : i32
    %dma_wait3A_572 = arith.constant 0 : i32
    %dma_wait3A_573 = tpu.memref_slice %arg4[%add3A_571, %dma_wait3A_572] : memref<204800x128xf32, #tpu.memory_space<hbm>> -> memref<128x128xf32, #tpu.memory_space<hbm>>
    %dma_wait3A_574 = arith.constant 0 : i32
    %dma_wait3A_575 = tpu.memref_slice %arg4[%add3A_571, %dma_wait3A_574] : memref<204800x128xf32, #tpu.memory_space<hbm>> -> memref<128x128xf32, #tpu.memory_space<hbm>>
    tpu.wait_dma2 semaphore(%arg23 : memref<!tpu.dma_semaphore, #tpu.memory_space<semaphore_mem>>) src(%arg11 : memref<128x128xf32, #tpu.memory_space<vmem>>) dst(%dma_wait3A_575 : memref<128x128xf32, #tpu.memory_space<hbm>>)
    %dma_start3A_576 = arith.constant 3712 : i32
    %dma_start3A_577 = tpu.memref_slice %arg5[%dma_start3A_576] : memref<6400xi32, #tpu.memory_space<vmem>> -> memref<128xi32, #tpu.memory_space<vmem>>
    %dma_start3A_578 = arith.constant 0 : i32
    %dma_start3A_579 = arith.constant 0 : i32
    %dma_start3A_580 = tpu.memref_slice %arg3[%dma_start3A_578, %dma_start3A_579] : memref<100000x128xf32, #tpu.memory_space<hbm>> -> memref<100000x128xf32, #tpu.memory_space<hbm>>
    tpu.enqueue_indirect_dma source(%dma_start3A_580 : memref<100000x128xf32, #tpu.memory_space<hbm>>) target(%arg11 : memref<128x128xf32, #tpu.memory_space<vmem>>) offsets(%dma_start3A_577 : memref<128xi32, #tpu.memory_space<vmem>>) semaphore(%arg17 : memref<!tpu.dma_semaphore, #tpu.memory_space<semaphore_mem>>)
    %dma_wait3A_581 = arith.constant 3328 : i32
    %dma_wait3A_582 = tpu.memref_slice %arg5[%dma_wait3A_581] : memref<6400xi32, #tpu.memory_space<vmem>> -> memref<128xi32, #tpu.memory_space<vmem>>
    %dma_wait3A_583 = arith.constant 0 : i32
    %dma_wait3A_584 = arith.constant 0 : i32
    %dma_wait3A_585 = tpu.memref_slice %arg3[%dma_wait3A_583, %dma_wait3A_584] : memref<100000x128xf32, #tpu.memory_space<hbm>> -> memref<100000x128xf32, #tpu.memory_space<hbm>>
    tpu.wait_indirect_dma semaphore(%arg14 : memref<!tpu.dma_semaphore, #tpu.memory_space<semaphore_mem>>) src(%dma_wait3A_585 : memref<100000x128xf32, #tpu.memory_space<hbm>>) dst(%arg8 : memref<128x128xf32, #tpu.memory_space<vmem>>)
    %add3A_586 = arith.constant 3328 : i32
    %add3A_587 = arith.addi %mul3A_2, %add3A_586 : i32
    %dma_start3A_588 = arith.constant 0 : i32
    %dma_start3A_589 = tpu.memref_slice %arg4[%add3A_587, %dma_start3A_588] : memref<204800x128xf32, #tpu.memory_space<hbm>> -> memref<128x128xf32, #tpu.memory_space<hbm>>
    %dma_start3A_590 = arith.constant 0 : i32
    %dma_start3A_591 = tpu.memref_slice %arg4[%add3A_587, %dma_start3A_590] : memref<204800x128xf32, #tpu.memory_space<hbm>> -> memref<128x128xf32, #tpu.memory_space<hbm>>
    tpu.enqueue_dma source(%arg8 : memref<128x128xf32, #tpu.memory_space<vmem>>) target(%dma_start3A_591 : memref<128x128xf32, #tpu.memory_space<hbm>>) target_semaphore(%arg20 : memref<!tpu.dma_semaphore, #tpu.memory_space<semaphore_mem>>)
    %add3A_592 = arith.constant 3072 : i32
    %add3A_593 = arith.addi %mul3A_2, %add3A_592 : i32
    %dma_wait3A_594 = arith.constant 0 : i32
    %dma_wait3A_595 = tpu.memref_slice %arg4[%add3A_593, %dma_wait3A_594] : memref<204800x128xf32, #tpu.memory_space<hbm>> -> memref<128x128xf32, #tpu.memory_space<hbm>>
    %dma_wait3A_596 = arith.constant 0 : i32
    %dma_wait3A_597 = tpu.memref_slice %arg4[%add3A_593, %dma_wait3A_596] : memref<204800x128xf32, #tpu.memory_space<hbm>> -> memref<128x128xf32, #tpu.memory_space<hbm>>
    tpu.wait_dma2 semaphore(%arg18 : memref<!tpu.dma_semaphore, #tpu.memory_space<semaphore_mem>>) src(%arg6 : memref<128x128xf32, #tpu.memory_space<vmem>>) dst(%dma_wait3A_597 : memref<128x128xf32, #tpu.memory_space<hbm>>)
    %dma_start3A_598 = arith.constant 3840 : i32
    %dma_start3A_599 = tpu.memref_slice %arg5[%dma_start3A_598] : memref<6400xi32, #tpu.memory_space<vmem>> -> memref<128xi32, #tpu.memory_space<vmem>>
    %dma_start3A_600 = arith.constant 0 : i32
    %dma_start3A_601 = arith.constant 0 : i32
    %dma_start3A_602 = tpu.memref_slice %arg3[%dma_start3A_600, %dma_start3A_601] : memref<100000x128xf32, #tpu.memory_space<hbm>> -> memref<100000x128xf32, #tpu.memory_space<hbm>>
    tpu.enqueue_indirect_dma source(%dma_start3A_602 : memref<100000x128xf32, #tpu.memory_space<hbm>>) target(%arg6 : memref<128x128xf32, #tpu.memory_space<vmem>>) offsets(%dma_start3A_599 : memref<128xi32, #tpu.memory_space<vmem>>) semaphore(%arg12 : memref<!tpu.dma_semaphore, #tpu.memory_space<semaphore_mem>>)
    %dma_wait3A_603 = arith.constant 3456 : i32
    %dma_wait3A_604 = tpu.memref_slice %arg5[%dma_wait3A_603] : memref<6400xi32, #tpu.memory_space<vmem>> -> memref<128xi32, #tpu.memory_space<vmem>>
    %dma_wait3A_605 = arith.constant 0 : i32
    %dma_wait3A_606 = arith.constant 0 : i32
    %dma_wait3A_607 = tpu.memref_slice %arg3[%dma_wait3A_605, %dma_wait3A_606] : memref<100000x128xf32, #tpu.memory_space<hbm>> -> memref<100000x128xf32, #tpu.memory_space<hbm>>
    tpu.wait_indirect_dma semaphore(%arg15 : memref<!tpu.dma_semaphore, #tpu.memory_space<semaphore_mem>>) src(%dma_wait3A_607 : memref<100000x128xf32, #tpu.memory_space<hbm>>) dst(%arg9 : memref<128x128xf32, #tpu.memory_space<vmem>>)
    %add3A_608 = arith.constant 3456 : i32
    %add3A_609 = arith.addi %mul3A_2, %add3A_608 : i32
    %dma_start3A_610 = arith.constant 0 : i32
    %dma_start3A_611 = tpu.memref_slice %arg4[%add3A_609, %dma_start3A_610] : memref<204800x128xf32, #tpu.memory_space<hbm>> -> memref<128x128xf32, #tpu.memory_space<hbm>>
    %dma_start3A_612 = arith.constant 0 : i32
    %dma_start3A_613 = tpu.memref_slice %arg4[%add3A_609, %dma_start3A_612] : memref<204800x128xf32, #tpu.memory_space<hbm>> -> memref<128x128xf32, #tpu.memory_space<hbm>>
    tpu.enqueue_dma source(%arg9 : memref<128x128xf32, #tpu.memory_space<vmem>>) target(%dma_start3A_613 : memref<128x128xf32, #tpu.memory_space<hbm>>) target_semaphore(%arg21 : memref<!tpu.dma_semaphore, #tpu.memory_space<semaphore_mem>>)
    %add3A_614 = arith.constant 3200 : i32
    %add3A_615 = arith.addi %mul3A_2, %add3A_614 : i32
    %dma_wait3A_616 = arith.constant 0 : i32
    %dma_wait3A_617 = tpu.memref_slice %arg4[%add3A_615, %dma_wait3A_616] : memref<204800x128xf32, #tpu.memory_space<hbm>> -> memref<128x128xf32, #tpu.memory_space<hbm>>
    %dma_wait3A_618 = arith.constant 0 : i32
    %dma_wait3A_619 = tpu.memref_slice %arg4[%add3A_615, %dma_wait3A_618] : memref<204800x128xf32, #tpu.memory_space<hbm>> -> memref<128x128xf32, #tpu.memory_space<hbm>>
    tpu.wait_dma2 semaphore(%arg19 : memref<!tpu.dma_semaphore, #tpu.memory_space<semaphore_mem>>) src(%arg7 : memref<128x128xf32, #tpu.memory_space<vmem>>) dst(%dma_wait3A_619 : memref<128x128xf32, #tpu.memory_space<hbm>>)
    %dma_start3A_620 = arith.constant 3968 : i32
    %dma_start3A_621 = tpu.memref_slice %arg5[%dma_start3A_620] : memref<6400xi32, #tpu.memory_space<vmem>> -> memref<128xi32, #tpu.memory_space<vmem>>
    %dma_start3A_622 = arith.constant 0 : i32
    %dma_start3A_623 = arith.constant 0 : i32
    %dma_start3A_624 = tpu.memref_slice %arg3[%dma_start3A_622, %dma_start3A_623] : memref<100000x128xf32, #tpu.memory_space<hbm>> -> memref<100000x128xf32, #tpu.memory_space<hbm>>
    tpu.enqueue_indirect_dma source(%dma_start3A_624 : memref<100000x128xf32, #tpu.memory_space<hbm>>) target(%arg7 : memref<128x128xf32, #tpu.memory_space<vmem>>) offsets(%dma_start3A_621 : memref<128xi32, #tpu.memory_space<vmem>>) semaphore(%arg13 : memref<!tpu.dma_semaphore, #tpu.memory_space<semaphore_mem>>)
    %dma_wait3A_625 = arith.constant 3584 : i32
    %dma_wait3A_626 = tpu.memref_slice %arg5[%dma_wait3A_625] : memref<6400xi32, #tpu.memory_space<vmem>> -> memref<128xi32, #tpu.memory_space<vmem>>
    %dma_wait3A_627 = arith.constant 0 : i32
    %dma_wait3A_628 = arith.constant 0 : i32
    %dma_wait3A_629 = tpu.memref_slice %arg3[%dma_wait3A_627, %dma_wait3A_628] : memref<100000x128xf32, #tpu.memory_space<hbm>> -> memref<100000x128xf32, #tpu.memory_space<hbm>>
    tpu.wait_indirect_dma semaphore(%arg16 : memref<!tpu.dma_semaphore, #tpu.memory_space<semaphore_mem>>) src(%dma_wait3A_629 : memref<100000x128xf32, #tpu.memory_space<hbm>>) dst(%arg10 : memref<128x128xf32, #tpu.memory_space<vmem>>)
    %add3A_630 = arith.constant 3584 : i32
    %add3A_631 = arith.addi %mul3A_2, %add3A_630 : i32
    %dma_start3A_632 = arith.constant 0 : i32
    %dma_start3A_633 = tpu.memref_slice %arg4[%add3A_631, %dma_start3A_632] : memref<204800x128xf32, #tpu.memory_space<hbm>> -> memref<128x128xf32, #tpu.memory_space<hbm>>
    %dma_start3A_634 = arith.constant 0 : i32
    %dma_start3A_635 = tpu.memref_slice %arg4[%add3A_631, %dma_start3A_634] : memref<204800x128xf32, #tpu.memory_space<hbm>> -> memref<128x128xf32, #tpu.memory_space<hbm>>
    tpu.enqueue_dma source(%arg10 : memref<128x128xf32, #tpu.memory_space<vmem>>) target(%dma_start3A_635 : memref<128x128xf32, #tpu.memory_space<hbm>>) target_semaphore(%arg22 : memref<!tpu.dma_semaphore, #tpu.memory_space<semaphore_mem>>)
    %add3A_636 = arith.constant 3328 : i32
    %add3A_637 = arith.addi %mul3A_2, %add3A_636 : i32
    %dma_wait3A_638 = arith.constant 0 : i32
    %dma_wait3A_639 = tpu.memref_slice %arg4[%add3A_637, %dma_wait3A_638] : memref<204800x128xf32, #tpu.memory_space<hbm>> -> memref<128x128xf32, #tpu.memory_space<hbm>>
    %dma_wait3A_640 = arith.constant 0 : i32
    %dma_wait3A_641 = tpu.memref_slice %arg4[%add3A_637, %dma_wait3A_640] : memref<204800x128xf32, #tpu.memory_space<hbm>> -> memref<128x128xf32, #tpu.memory_space<hbm>>
    tpu.wait_dma2 semaphore(%arg20 : memref<!tpu.dma_semaphore, #tpu.memory_space<semaphore_mem>>) src(%arg8 : memref<128x128xf32, #tpu.memory_space<vmem>>) dst(%dma_wait3A_641 : memref<128x128xf32, #tpu.memory_space<hbm>>)
    %dma_start3A_642 = arith.constant 4096 : i32
    %dma_start3A_643 = tpu.memref_slice %arg5[%dma_start3A_642] : memref<6400xi32, #tpu.memory_space<vmem>> -> memref<128xi32, #tpu.memory_space<vmem>>
    %dma_start3A_644 = arith.constant 0 : i32
    %dma_start3A_645 = arith.constant 0 : i32
    %dma_start3A_646 = tpu.memref_slice %arg3[%dma_start3A_644, %dma_start3A_645] : memref<100000x128xf32, #tpu.memory_space<hbm>> -> memref<100000x128xf32, #tpu.memory_space<hbm>>
    tpu.enqueue_indirect_dma source(%dma_start3A_646 : memref<100000x128xf32, #tpu.memory_space<hbm>>) target(%arg8 : memref<128x128xf32, #tpu.memory_space<vmem>>) offsets(%dma_start3A_643 : memref<128xi32, #tpu.memory_space<vmem>>) semaphore(%arg14 : memref<!tpu.dma_semaphore, #tpu.memory_space<semaphore_mem>>)
    %dma_wait3A_647 = arith.constant 3712 : i32
    %dma_wait3A_648 = tpu.memref_slice %arg5[%dma_wait3A_647] : memref<6400xi32, #tpu.memory_space<vmem>> -> memref<128xi32, #tpu.memory_space<vmem>>
    %dma_wait3A_649 = arith.constant 0 : i32
    %dma_wait3A_650 = arith.constant 0 : i32
    %dma_wait3A_651 = tpu.memref_slice %arg3[%dma_wait3A_649, %dma_wait3A_650] : memref<100000x128xf32, #tpu.memory_space<hbm>> -> memref<100000x128xf32, #tpu.memory_space<hbm>>
    tpu.wait_indirect_dma semaphore(%arg17 : memref<!tpu.dma_semaphore, #tpu.memory_space<semaphore_mem>>) src(%dma_wait3A_651 : memref<100000x128xf32, #tpu.memory_space<hbm>>) dst(%arg11 : memref<128x128xf32, #tpu.memory_space<vmem>>)
    %add3A_652 = arith.constant 3712 : i32
    %add3A_653 = arith.addi %mul3A_2, %add3A_652 : i32
    %dma_start3A_654 = arith.constant 0 : i32
    %dma_start3A_655 = tpu.memref_slice %arg4[%add3A_653, %dma_start3A_654] : memref<204800x128xf32, #tpu.memory_space<hbm>> -> memref<128x128xf32, #tpu.memory_space<hbm>>
    %dma_start3A_656 = arith.constant 0 : i32
    %dma_start3A_657 = tpu.memref_slice %arg4[%add3A_653, %dma_start3A_656] : memref<204800x128xf32, #tpu.memory_space<hbm>> -> memref<128x128xf32, #tpu.memory_space<hbm>>
    tpu.enqueue_dma source(%arg11 : memref<128x128xf32, #tpu.memory_space<vmem>>) target(%dma_start3A_657 : memref<128x128xf32, #tpu.memory_space<hbm>>) target_semaphore(%arg23 : memref<!tpu.dma_semaphore, #tpu.memory_space<semaphore_mem>>)
    %add3A_658 = arith.constant 3456 : i32
    %add3A_659 = arith.addi %mul3A_2, %add3A_658 : i32
    %dma_wait3A_660 = arith.constant 0 : i32
    %dma_wait3A_661 = tpu.memref_slice %arg4[%add3A_659, %dma_wait3A_660] : memref<204800x128xf32, #tpu.memory_space<hbm>> -> memref<128x128xf32, #tpu.memory_space<hbm>>
    %dma_wait3A_662 = arith.constant 0 : i32
    %dma_wait3A_663 = tpu.memref_slice %arg4[%add3A_659, %dma_wait3A_662] : memref<204800x128xf32, #tpu.memory_space<hbm>> -> memref<128x128xf32, #tpu.memory_space<hbm>>
    tpu.wait_dma2 semaphore(%arg21 : memref<!tpu.dma_semaphore, #tpu.memory_space<semaphore_mem>>) src(%arg9 : memref<128x128xf32, #tpu.memory_space<vmem>>) dst(%dma_wait3A_663 : memref<128x128xf32, #tpu.memory_space<hbm>>)
    %dma_start3A_664 = arith.constant 4224 : i32
    %dma_start3A_665 = tpu.memref_slice %arg5[%dma_start3A_664] : memref<6400xi32, #tpu.memory_space<vmem>> -> memref<128xi32, #tpu.memory_space<vmem>>
    %dma_start3A_666 = arith.constant 0 : i32
    %dma_start3A_667 = arith.constant 0 : i32
    %dma_start3A_668 = tpu.memref_slice %arg3[%dma_start3A_666, %dma_start3A_667] : memref<100000x128xf32, #tpu.memory_space<hbm>> -> memref<100000x128xf32, #tpu.memory_space<hbm>>
    tpu.enqueue_indirect_dma source(%dma_start3A_668 : memref<100000x128xf32, #tpu.memory_space<hbm>>) target(%arg9 : memref<128x128xf32, #tpu.memory_space<vmem>>) offsets(%dma_start3A_665 : memref<128xi32, #tpu.memory_space<vmem>>) semaphore(%arg15 : memref<!tpu.dma_semaphore, #tpu.memory_space<semaphore_mem>>)
    %dma_wait3A_669 = arith.constant 3840 : i32
    %dma_wait3A_670 = tpu.memref_slice %arg5[%dma_wait3A_669] : memref<6400xi32, #tpu.memory_space<vmem>> -> memref<128xi32, #tpu.memory_space<vmem>>
    %dma_wait3A_671 = arith.constant 0 : i32
    %dma_wait3A_672 = arith.constant 0 : i32
    %dma_wait3A_673 = tpu.memref_slice %arg3[%dma_wait3A_671, %dma_wait3A_672] : memref<100000x128xf32, #tpu.memory_space<hbm>> -> memref<100000x128xf32, #tpu.memory_space<hbm>>
    tpu.wait_indirect_dma semaphore(%arg12 : memref<!tpu.dma_semaphore, #tpu.memory_space<semaphore_mem>>) src(%dma_wait3A_673 : memref<100000x128xf32, #tpu.memory_space<hbm>>) dst(%arg6 : memref<128x128xf32, #tpu.memory_space<vmem>>)
    %add3A_674 = arith.constant 3840 : i32
    %add3A_675 = arith.addi %mul3A_2, %add3A_674 : i32
    %dma_start3A_676 = arith.constant 0 : i32
    %dma_start3A_677 = tpu.memref_slice %arg4[%add3A_675, %dma_start3A_676] : memref<204800x128xf32, #tpu.memory_space<hbm>> -> memref<128x128xf32, #tpu.memory_space<hbm>>
    %dma_start3A_678 = arith.constant 0 : i32
    %dma_start3A_679 = tpu.memref_slice %arg4[%add3A_675, %dma_start3A_678] : memref<204800x128xf32, #tpu.memory_space<hbm>> -> memref<128x128xf32, #tpu.memory_space<hbm>>
    tpu.enqueue_dma source(%arg6 : memref<128x128xf32, #tpu.memory_space<vmem>>) target(%dma_start3A_679 : memref<128x128xf32, #tpu.memory_space<hbm>>) target_semaphore(%arg18 : memref<!tpu.dma_semaphore, #tpu.memory_space<semaphore_mem>>)
    %add3A_680 = arith.constant 3584 : i32
    %add3A_681 = arith.addi %mul3A_2, %add3A_680 : i32
    %dma_wait3A_682 = arith.constant 0 : i32
    %dma_wait3A_683 = tpu.memref_slice %arg4[%add3A_681, %dma_wait3A_682] : memref<204800x128xf32, #tpu.memory_space<hbm>> -> memref<128x128xf32, #tpu.memory_space<hbm>>
    %dma_wait3A_684 = arith.constant 0 : i32
    %dma_wait3A_685 = tpu.memref_slice %arg4[%add3A_681, %dma_wait3A_684] : memref<204800x128xf32, #tpu.memory_space<hbm>> -> memref<128x128xf32, #tpu.memory_space<hbm>>
    tpu.wait_dma2 semaphore(%arg22 : memref<!tpu.dma_semaphore, #tpu.memory_space<semaphore_mem>>) src(%arg10 : memref<128x128xf32, #tpu.memory_space<vmem>>) dst(%dma_wait3A_685 : memref<128x128xf32, #tpu.memory_space<hbm>>)
    %dma_start3A_686 = arith.constant 4352 : i32
    %dma_start3A_687 = tpu.memref_slice %arg5[%dma_start3A_686] : memref<6400xi32, #tpu.memory_space<vmem>> -> memref<128xi32, #tpu.memory_space<vmem>>
    %dma_start3A_688 = arith.constant 0 : i32
    %dma_start3A_689 = arith.constant 0 : i32
    %dma_start3A_690 = tpu.memref_slice %arg3[%dma_start3A_688, %dma_start3A_689] : memref<100000x128xf32, #tpu.memory_space<hbm>> -> memref<100000x128xf32, #tpu.memory_space<hbm>>
    tpu.enqueue_indirect_dma source(%dma_start3A_690 : memref<100000x128xf32, #tpu.memory_space<hbm>>) target(%arg10 : memref<128x128xf32, #tpu.memory_space<vmem>>) offsets(%dma_start3A_687 : memref<128xi32, #tpu.memory_space<vmem>>) semaphore(%arg16 : memref<!tpu.dma_semaphore, #tpu.memory_space<semaphore_mem>>)
    %dma_wait3A_691 = arith.constant 3968 : i32
    %dma_wait3A_692 = tpu.memref_slice %arg5[%dma_wait3A_691] : memref<6400xi32, #tpu.memory_space<vmem>> -> memref<128xi32, #tpu.memory_space<vmem>>
    %dma_wait3A_693 = arith.constant 0 : i32
    %dma_wait3A_694 = arith.constant 0 : i32
    %dma_wait3A_695 = tpu.memref_slice %arg3[%dma_wait3A_693, %dma_wait3A_694] : memref<100000x128xf32, #tpu.memory_space<hbm>> -> memref<100000x128xf32, #tpu.memory_space<hbm>>
    tpu.wait_indirect_dma semaphore(%arg13 : memref<!tpu.dma_semaphore, #tpu.memory_space<semaphore_mem>>) src(%dma_wait3A_695 : memref<100000x128xf32, #tpu.memory_space<hbm>>) dst(%arg7 : memref<128x128xf32, #tpu.memory_space<vmem>>)
    %add3A_696 = arith.constant 3968 : i32
    %add3A_697 = arith.addi %mul3A_2, %add3A_696 : i32
    %dma_start3A_698 = arith.constant 0 : i32
    %dma_start3A_699 = tpu.memref_slice %arg4[%add3A_697, %dma_start3A_698] : memref<204800x128xf32, #tpu.memory_space<hbm>> -> memref<128x128xf32, #tpu.memory_space<hbm>>
    %dma_start3A_700 = arith.constant 0 : i32
    %dma_start3A_701 = tpu.memref_slice %arg4[%add3A_697, %dma_start3A_700] : memref<204800x128xf32, #tpu.memory_space<hbm>> -> memref<128x128xf32, #tpu.memory_space<hbm>>
    tpu.enqueue_dma source(%arg7 : memref<128x128xf32, #tpu.memory_space<vmem>>) target(%dma_start3A_701 : memref<128x128xf32, #tpu.memory_space<hbm>>) target_semaphore(%arg19 : memref<!tpu.dma_semaphore, #tpu.memory_space<semaphore_mem>>)
    %add3A_702 = arith.constant 3712 : i32
    %add3A_703 = arith.addi %mul3A_2, %add3A_702 : i32
    %dma_wait3A_704 = arith.constant 0 : i32
    %dma_wait3A_705 = tpu.memref_slice %arg4[%add3A_703, %dma_wait3A_704] : memref<204800x128xf32, #tpu.memory_space<hbm>> -> memref<128x128xf32, #tpu.memory_space<hbm>>
    %dma_wait3A_706 = arith.constant 0 : i32
    %dma_wait3A_707 = tpu.memref_slice %arg4[%add3A_703, %dma_wait3A_706] : memref<204800x128xf32, #tpu.memory_space<hbm>> -> memref<128x128xf32, #tpu.memory_space<hbm>>
    tpu.wait_dma2 semaphore(%arg23 : memref<!tpu.dma_semaphore, #tpu.memory_space<semaphore_mem>>) src(%arg11 : memref<128x128xf32, #tpu.memory_space<vmem>>) dst(%dma_wait3A_707 : memref<128x128xf32, #tpu.memory_space<hbm>>)
    %dma_start3A_708 = arith.constant 4480 : i32
    %dma_start3A_709 = tpu.memref_slice %arg5[%dma_start3A_708] : memref<6400xi32, #tpu.memory_space<vmem>> -> memref<128xi32, #tpu.memory_space<vmem>>
    %dma_start3A_710 = arith.constant 0 : i32
    %dma_start3A_711 = arith.constant 0 : i32
    %dma_start3A_712 = tpu.memref_slice %arg3[%dma_start3A_710, %dma_start3A_711] : memref<100000x128xf32, #tpu.memory_space<hbm>> -> memref<100000x128xf32, #tpu.memory_space<hbm>>
    tpu.enqueue_indirect_dma source(%dma_start3A_712 : memref<100000x128xf32, #tpu.memory_space<hbm>>) target(%arg11 : memref<128x128xf32, #tpu.memory_space<vmem>>) offsets(%dma_start3A_709 : memref<128xi32, #tpu.memory_space<vmem>>) semaphore(%arg17 : memref<!tpu.dma_semaphore, #tpu.memory_space<semaphore_mem>>)
    %dma_wait3A_713 = arith.constant 4096 : i32
    %dma_wait3A_714 = tpu.memref_slice %arg5[%dma_wait3A_713] : memref<6400xi32, #tpu.memory_space<vmem>> -> memref<128xi32, #tpu.memory_space<vmem>>
    %dma_wait3A_715 = arith.constant 0 : i32
    %dma_wait3A_716 = arith.constant 0 : i32
    %dma_wait3A_717 = tpu.memref_slice %arg3[%dma_wait3A_715, %dma_wait3A_716] : memref<100000x128xf32, #tpu.memory_space<hbm>> -> memref<100000x128xf32, #tpu.memory_space<hbm>>
    tpu.wait_indirect_dma semaphore(%arg14 : memref<!tpu.dma_semaphore, #tpu.memory_space<semaphore_mem>>) src(%dma_wait3A_717 : memref<100000x128xf32, #tpu.memory_space<hbm>>) dst(%arg8 : memref<128x128xf32, #tpu.memory_space<vmem>>)
    %add3A_718 = arith.constant 4096 : i32
    %add3A_719 = arith.addi %mul3A_2, %add3A_718 : i32
    %dma_start3A_720 = arith.constant 0 : i32
    %dma_start3A_721 = tpu.memref_slice %arg4[%add3A_719, %dma_start3A_720] : memref<204800x128xf32, #tpu.memory_space<hbm>> -> memref<128x128xf32, #tpu.memory_space<hbm>>
    %dma_start3A_722 = arith.constant 0 : i32
    %dma_start3A_723 = tpu.memref_slice %arg4[%add3A_719, %dma_start3A_722] : memref<204800x128xf32, #tpu.memory_space<hbm>> -> memref<128x128xf32, #tpu.memory_space<hbm>>
    tpu.enqueue_dma source(%arg8 : memref<128x128xf32, #tpu.memory_space<vmem>>) target(%dma_start3A_723 : memref<128x128xf32, #tpu.memory_space<hbm>>) target_semaphore(%arg20 : memref<!tpu.dma_semaphore, #tpu.memory_space<semaphore_mem>>)
    %add3A_724 = arith.constant 3840 : i32
    %add3A_725 = arith.addi %mul3A_2, %add3A_724 : i32
    %dma_wait3A_726 = arith.constant 0 : i32
    %dma_wait3A_727 = tpu.memref_slice %arg4[%add3A_725, %dma_wait3A_726] : memref<204800x128xf32, #tpu.memory_space<hbm>> -> memref<128x128xf32, #tpu.memory_space<hbm>>
    %dma_wait3A_728 = arith.constant 0 : i32
    %dma_wait3A_729 = tpu.memref_slice %arg4[%add3A_725, %dma_wait3A_728] : memref<204800x128xf32, #tpu.memory_space<hbm>> -> memref<128x128xf32, #tpu.memory_space<hbm>>
    tpu.wait_dma2 semaphore(%arg18 : memref<!tpu.dma_semaphore, #tpu.memory_space<semaphore_mem>>) src(%arg6 : memref<128x128xf32, #tpu.memory_space<vmem>>) dst(%dma_wait3A_729 : memref<128x128xf32, #tpu.memory_space<hbm>>)
    %dma_start3A_730 = arith.constant 4608 : i32
    %dma_start3A_731 = tpu.memref_slice %arg5[%dma_start3A_730] : memref<6400xi32, #tpu.memory_space<vmem>> -> memref<128xi32, #tpu.memory_space<vmem>>
    %dma_start3A_732 = arith.constant 0 : i32
    %dma_start3A_733 = arith.constant 0 : i32
    %dma_start3A_734 = tpu.memref_slice %arg3[%dma_start3A_732, %dma_start3A_733] : memref<100000x128xf32, #tpu.memory_space<hbm>> -> memref<100000x128xf32, #tpu.memory_space<hbm>>
    tpu.enqueue_indirect_dma source(%dma_start3A_734 : memref<100000x128xf32, #tpu.memory_space<hbm>>) target(%arg6 : memref<128x128xf32, #tpu.memory_space<vmem>>) offsets(%dma_start3A_731 : memref<128xi32, #tpu.memory_space<vmem>>) semaphore(%arg12 : memref<!tpu.dma_semaphore, #tpu.memory_space<semaphore_mem>>)
    %dma_wait3A_735 = arith.constant 4224 : i32
    %dma_wait3A_736 = tpu.memref_slice %arg5[%dma_wait3A_735] : memref<6400xi32, #tpu.memory_space<vmem>> -> memref<128xi32, #tpu.memory_space<vmem>>
    %dma_wait3A_737 = arith.constant 0 : i32
    %dma_wait3A_738 = arith.constant 0 : i32
    %dma_wait3A_739 = tpu.memref_slice %arg3[%dma_wait3A_737, %dma_wait3A_738] : memref<100000x128xf32, #tpu.memory_space<hbm>> -> memref<100000x128xf32, #tpu.memory_space<hbm>>
    tpu.wait_indirect_dma semaphore(%arg15 : memref<!tpu.dma_semaphore, #tpu.memory_space<semaphore_mem>>) src(%dma_wait3A_739 : memref<100000x128xf32, #tpu.memory_space<hbm>>) dst(%arg9 : memref<128x128xf32, #tpu.memory_space<vmem>>)
    %add3A_740 = arith.constant 4224 : i32
    %add3A_741 = arith.addi %mul3A_2, %add3A_740 : i32
    %dma_start3A_742 = arith.constant 0 : i32
    %dma_start3A_743 = tpu.memref_slice %arg4[%add3A_741, %dma_start3A_742] : memref<204800x128xf32, #tpu.memory_space<hbm>> -> memref<128x128xf32, #tpu.memory_space<hbm>>
    %dma_start3A_744 = arith.constant 0 : i32
    %dma_start3A_745 = tpu.memref_slice %arg4[%add3A_741, %dma_start3A_744] : memref<204800x128xf32, #tpu.memory_space<hbm>> -> memref<128x128xf32, #tpu.memory_space<hbm>>
    tpu.enqueue_dma source(%arg9 : memref<128x128xf32, #tpu.memory_space<vmem>>) target(%dma_start3A_745 : memref<128x128xf32, #tpu.memory_space<hbm>>) target_semaphore(%arg21 : memref<!tpu.dma_semaphore, #tpu.memory_space<semaphore_mem>>)
    %add3A_746 = arith.constant 3968 : i32
    %add3A_747 = arith.addi %mul3A_2, %add3A_746 : i32
    %dma_wait3A_748 = arith.constant 0 : i32
    %dma_wait3A_749 = tpu.memref_slice %arg4[%add3A_747, %dma_wait3A_748] : memref<204800x128xf32, #tpu.memory_space<hbm>> -> memref<128x128xf32, #tpu.memory_space<hbm>>
    %dma_wait3A_750 = arith.constant 0 : i32
    %dma_wait3A_751 = tpu.memref_slice %arg4[%add3A_747, %dma_wait3A_750] : memref<204800x128xf32, #tpu.memory_space<hbm>> -> memref<128x128xf32, #tpu.memory_space<hbm>>
    tpu.wait_dma2 semaphore(%arg19 : memref<!tpu.dma_semaphore, #tpu.memory_space<semaphore_mem>>) src(%arg7 : memref<128x128xf32, #tpu.memory_space<vmem>>) dst(%dma_wait3A_751 : memref<128x128xf32, #tpu.memory_space<hbm>>)
    %dma_start3A_752 = arith.constant 4736 : i32
    %dma_start3A_753 = tpu.memref_slice %arg5[%dma_start3A_752] : memref<6400xi32, #tpu.memory_space<vmem>> -> memref<128xi32, #tpu.memory_space<vmem>>
    %dma_start3A_754 = arith.constant 0 : i32
    %dma_start3A_755 = arith.constant 0 : i32
    %dma_start3A_756 = tpu.memref_slice %arg3[%dma_start3A_754, %dma_start3A_755] : memref<100000x128xf32, #tpu.memory_space<hbm>> -> memref<100000x128xf32, #tpu.memory_space<hbm>>
    tpu.enqueue_indirect_dma source(%dma_start3A_756 : memref<100000x128xf32, #tpu.memory_space<hbm>>) target(%arg7 : memref<128x128xf32, #tpu.memory_space<vmem>>) offsets(%dma_start3A_753 : memref<128xi32, #tpu.memory_space<vmem>>) semaphore(%arg13 : memref<!tpu.dma_semaphore, #tpu.memory_space<semaphore_mem>>)
    %dma_wait3A_757 = arith.constant 4352 : i32
    %dma_wait3A_758 = tpu.memref_slice %arg5[%dma_wait3A_757] : memref<6400xi32, #tpu.memory_space<vmem>> -> memref<128xi32, #tpu.memory_space<vmem>>
    %dma_wait3A_759 = arith.constant 0 : i32
    %dma_wait3A_760 = arith.constant 0 : i32
    %dma_wait3A_761 = tpu.memref_slice %arg3[%dma_wait3A_759, %dma_wait3A_760] : memref<100000x128xf32, #tpu.memory_space<hbm>> -> memref<100000x128xf32, #tpu.memory_space<hbm>>
    tpu.wait_indirect_dma semaphore(%arg16 : memref<!tpu.dma_semaphore, #tpu.memory_space<semaphore_mem>>) src(%dma_wait3A_761 : memref<100000x128xf32, #tpu.memory_space<hbm>>) dst(%arg10 : memref<128x128xf32, #tpu.memory_space<vmem>>)
    %add3A_762 = arith.constant 4352 : i32
    %add3A_763 = arith.addi %mul3A_2, %add3A_762 : i32
    %dma_start3A_764 = arith.constant 0 : i32
    %dma_start3A_765 = tpu.memref_slice %arg4[%add3A_763, %dma_start3A_764] : memref<204800x128xf32, #tpu.memory_space<hbm>> -> memref<128x128xf32, #tpu.memory_space<hbm>>
    %dma_start3A_766 = arith.constant 0 : i32
    %dma_start3A_767 = tpu.memref_slice %arg4[%add3A_763, %dma_start3A_766] : memref<204800x128xf32, #tpu.memory_space<hbm>> -> memref<128x128xf32, #tpu.memory_space<hbm>>
    tpu.enqueue_dma source(%arg10 : memref<128x128xf32, #tpu.memory_space<vmem>>) target(%dma_start3A_767 : memref<128x128xf32, #tpu.memory_space<hbm>>) target_semaphore(%arg22 : memref<!tpu.dma_semaphore, #tpu.memory_space<semaphore_mem>>)
    %add3A_768 = arith.constant 4096 : i32
    %add3A_769 = arith.addi %mul3A_2, %add3A_768 : i32
    %dma_wait3A_770 = arith.constant 0 : i32
    %dma_wait3A_771 = tpu.memref_slice %arg4[%add3A_769, %dma_wait3A_770] : memref<204800x128xf32, #tpu.memory_space<hbm>> -> memref<128x128xf32, #tpu.memory_space<hbm>>
    %dma_wait3A_772 = arith.constant 0 : i32
    %dma_wait3A_773 = tpu.memref_slice %arg4[%add3A_769, %dma_wait3A_772] : memref<204800x128xf32, #tpu.memory_space<hbm>> -> memref<128x128xf32, #tpu.memory_space<hbm>>
    tpu.wait_dma2 semaphore(%arg20 : memref<!tpu.dma_semaphore, #tpu.memory_space<semaphore_mem>>) src(%arg8 : memref<128x128xf32, #tpu.memory_space<vmem>>) dst(%dma_wait3A_773 : memref<128x128xf32, #tpu.memory_space<hbm>>)
    %dma_start3A_774 = arith.constant 4864 : i32
    %dma_start3A_775 = tpu.memref_slice %arg5[%dma_start3A_774] : memref<6400xi32, #tpu.memory_space<vmem>> -> memref<128xi32, #tpu.memory_space<vmem>>
    %dma_start3A_776 = arith.constant 0 : i32
    %dma_start3A_777 = arith.constant 0 : i32
    %dma_start3A_778 = tpu.memref_slice %arg3[%dma_start3A_776, %dma_start3A_777] : memref<100000x128xf32, #tpu.memory_space<hbm>> -> memref<100000x128xf32, #tpu.memory_space<hbm>>
    tpu.enqueue_indirect_dma source(%dma_start3A_778 : memref<100000x128xf32, #tpu.memory_space<hbm>>) target(%arg8 : memref<128x128xf32, #tpu.memory_space<vmem>>) offsets(%dma_start3A_775 : memref<128xi32, #tpu.memory_space<vmem>>) semaphore(%arg14 : memref<!tpu.dma_semaphore, #tpu.memory_space<semaphore_mem>>)
    %dma_wait3A_779 = arith.constant 4480 : i32
    %dma_wait3A_780 = tpu.memref_slice %arg5[%dma_wait3A_779] : memref<6400xi32, #tpu.memory_space<vmem>> -> memref<128xi32, #tpu.memory_space<vmem>>
    %dma_wait3A_781 = arith.constant 0 : i32
    %dma_wait3A_782 = arith.constant 0 : i32
    %dma_wait3A_783 = tpu.memref_slice %arg3[%dma_wait3A_781, %dma_wait3A_782] : memref<100000x128xf32, #tpu.memory_space<hbm>> -> memref<100000x128xf32, #tpu.memory_space<hbm>>
    tpu.wait_indirect_dma semaphore(%arg17 : memref<!tpu.dma_semaphore, #tpu.memory_space<semaphore_mem>>) src(%dma_wait3A_783 : memref<100000x128xf32, #tpu.memory_space<hbm>>) dst(%arg11 : memref<128x128xf32, #tpu.memory_space<vmem>>)
    %add3A_784 = arith.constant 4480 : i32
    %add3A_785 = arith.addi %mul3A_2, %add3A_784 : i32
    %dma_start3A_786 = arith.constant 0 : i32
    %dma_start3A_787 = tpu.memref_slice %arg4[%add3A_785, %dma_start3A_786] : memref<204800x128xf32, #tpu.memory_space<hbm>> -> memref<128x128xf32, #tpu.memory_space<hbm>>
    %dma_start3A_788 = arith.constant 0 : i32
    %dma_start3A_789 = tpu.memref_slice %arg4[%add3A_785, %dma_start3A_788] : memref<204800x128xf32, #tpu.memory_space<hbm>> -> memref<128x128xf32, #tpu.memory_space<hbm>>
    tpu.enqueue_dma source(%arg11 : memref<128x128xf32, #tpu.memory_space<vmem>>) target(%dma_start3A_789 : memref<128x128xf32, #tpu.memory_space<hbm>>) target_semaphore(%arg23 : memref<!tpu.dma_semaphore, #tpu.memory_space<semaphore_mem>>)
    %add3A_790 = arith.constant 4224 : i32
    %add3A_791 = arith.addi %mul3A_2, %add3A_790 : i32
    %dma_wait3A_792 = arith.constant 0 : i32
    %dma_wait3A_793 = tpu.memref_slice %arg4[%add3A_791, %dma_wait3A_792] : memref<204800x128xf32, #tpu.memory_space<hbm>> -> memref<128x128xf32, #tpu.memory_space<hbm>>
    %dma_wait3A_794 = arith.constant 0 : i32
    %dma_wait3A_795 = tpu.memref_slice %arg4[%add3A_791, %dma_wait3A_794] : memref<204800x128xf32, #tpu.memory_space<hbm>> -> memref<128x128xf32, #tpu.memory_space<hbm>>
    tpu.wait_dma2 semaphore(%arg21 : memref<!tpu.dma_semaphore, #tpu.memory_space<semaphore_mem>>) src(%arg9 : memref<128x128xf32, #tpu.memory_space<vmem>>) dst(%dma_wait3A_795 : memref<128x128xf32, #tpu.memory_space<hbm>>)
    %dma_start3A_796 = arith.constant 4992 : i32
    %dma_start3A_797 = tpu.memref_slice %arg5[%dma_start3A_796] : memref<6400xi32, #tpu.memory_space<vmem>> -> memref<128xi32, #tpu.memory_space<vmem>>
    %dma_start3A_798 = arith.constant 0 : i32
    %dma_start3A_799 = arith.constant 0 : i32
    %dma_start3A_800 = tpu.memref_slice %arg3[%dma_start3A_798, %dma_start3A_799] : memref<100000x128xf32, #tpu.memory_space<hbm>> -> memref<100000x128xf32, #tpu.memory_space<hbm>>
    tpu.enqueue_indirect_dma source(%dma_start3A_800 : memref<100000x128xf32, #tpu.memory_space<hbm>>) target(%arg9 : memref<128x128xf32, #tpu.memory_space<vmem>>) offsets(%dma_start3A_797 : memref<128xi32, #tpu.memory_space<vmem>>) semaphore(%arg15 : memref<!tpu.dma_semaphore, #tpu.memory_space<semaphore_mem>>)
    %dma_wait3A_801 = arith.constant 4608 : i32
    %dma_wait3A_802 = tpu.memref_slice %arg5[%dma_wait3A_801] : memref<6400xi32, #tpu.memory_space<vmem>> -> memref<128xi32, #tpu.memory_space<vmem>>
    %dma_wait3A_803 = arith.constant 0 : i32
    %dma_wait3A_804 = arith.constant 0 : i32
    %dma_wait3A_805 = tpu.memref_slice %arg3[%dma_wait3A_803, %dma_wait3A_804] : memref<100000x128xf32, #tpu.memory_space<hbm>> -> memref<100000x128xf32, #tpu.memory_space<hbm>>
    tpu.wait_indirect_dma semaphore(%arg12 : memref<!tpu.dma_semaphore, #tpu.memory_space<semaphore_mem>>) src(%dma_wait3A_805 : memref<100000x128xf32, #tpu.memory_space<hbm>>) dst(%arg6 : memref<128x128xf32, #tpu.memory_space<vmem>>)
    %add3A_806 = arith.constant 4608 : i32
    %add3A_807 = arith.addi %mul3A_2, %add3A_806 : i32
    %dma_start3A_808 = arith.constant 0 : i32
    %dma_start3A_809 = tpu.memref_slice %arg4[%add3A_807, %dma_start3A_808] : memref<204800x128xf32, #tpu.memory_space<hbm>> -> memref<128x128xf32, #tpu.memory_space<hbm>>
    %dma_start3A_810 = arith.constant 0 : i32
    %dma_start3A_811 = tpu.memref_slice %arg4[%add3A_807, %dma_start3A_810] : memref<204800x128xf32, #tpu.memory_space<hbm>> -> memref<128x128xf32, #tpu.memory_space<hbm>>
    tpu.enqueue_dma source(%arg6 : memref<128x128xf32, #tpu.memory_space<vmem>>) target(%dma_start3A_811 : memref<128x128xf32, #tpu.memory_space<hbm>>) target_semaphore(%arg18 : memref<!tpu.dma_semaphore, #tpu.memory_space<semaphore_mem>>)
    %add3A_812 = arith.constant 4352 : i32
    %add3A_813 = arith.addi %mul3A_2, %add3A_812 : i32
    %dma_wait3A_814 = arith.constant 0 : i32
    %dma_wait3A_815 = tpu.memref_slice %arg4[%add3A_813, %dma_wait3A_814] : memref<204800x128xf32, #tpu.memory_space<hbm>> -> memref<128x128xf32, #tpu.memory_space<hbm>>
    %dma_wait3A_816 = arith.constant 0 : i32
    %dma_wait3A_817 = tpu.memref_slice %arg4[%add3A_813, %dma_wait3A_816] : memref<204800x128xf32, #tpu.memory_space<hbm>> -> memref<128x128xf32, #tpu.memory_space<hbm>>
    tpu.wait_dma2 semaphore(%arg22 : memref<!tpu.dma_semaphore, #tpu.memory_space<semaphore_mem>>) src(%arg10 : memref<128x128xf32, #tpu.memory_space<vmem>>) dst(%dma_wait3A_817 : memref<128x128xf32, #tpu.memory_space<hbm>>)
    %dma_start3A_818 = arith.constant 5120 : i32
    %dma_start3A_819 = tpu.memref_slice %arg5[%dma_start3A_818] : memref<6400xi32, #tpu.memory_space<vmem>> -> memref<128xi32, #tpu.memory_space<vmem>>
    %dma_start3A_820 = arith.constant 0 : i32
    %dma_start3A_821 = arith.constant 0 : i32
    %dma_start3A_822 = tpu.memref_slice %arg3[%dma_start3A_820, %dma_start3A_821] : memref<100000x128xf32, #tpu.memory_space<hbm>> -> memref<100000x128xf32, #tpu.memory_space<hbm>>
    tpu.enqueue_indirect_dma source(%dma_start3A_822 : memref<100000x128xf32, #tpu.memory_space<hbm>>) target(%arg10 : memref<128x128xf32, #tpu.memory_space<vmem>>) offsets(%dma_start3A_819 : memref<128xi32, #tpu.memory_space<vmem>>) semaphore(%arg16 : memref<!tpu.dma_semaphore, #tpu.memory_space<semaphore_mem>>)
    %dma_wait3A_823 = arith.constant 4736 : i32
    %dma_wait3A_824 = tpu.memref_slice %arg5[%dma_wait3A_823] : memref<6400xi32, #tpu.memory_space<vmem>> -> memref<128xi32, #tpu.memory_space<vmem>>
    %dma_wait3A_825 = arith.constant 0 : i32
    %dma_wait3A_826 = arith.constant 0 : i32
    %dma_wait3A_827 = tpu.memref_slice %arg3[%dma_wait3A_825, %dma_wait3A_826] : memref<100000x128xf32, #tpu.memory_space<hbm>> -> memref<100000x128xf32, #tpu.memory_space<hbm>>
    tpu.wait_indirect_dma semaphore(%arg13 : memref<!tpu.dma_semaphore, #tpu.memory_space<semaphore_mem>>) src(%dma_wait3A_827 : memref<100000x128xf32, #tpu.memory_space<hbm>>) dst(%arg7 : memref<128x128xf32, #tpu.memory_space<vmem>>)
    %add3A_828 = arith.constant 4736 : i32
    %add3A_829 = arith.addi %mul3A_2, %add3A_828 : i32
    %dma_start3A_830 = arith.constant 0 : i32
    %dma_start3A_831 = tpu.memref_slice %arg4[%add3A_829, %dma_start3A_830] : memref<204800x128xf32, #tpu.memory_space<hbm>> -> memref<128x128xf32, #tpu.memory_space<hbm>>
    %dma_start3A_832 = arith.constant 0 : i32
    %dma_start3A_833 = tpu.memref_slice %arg4[%add3A_829, %dma_start3A_832] : memref<204800x128xf32, #tpu.memory_space<hbm>> -> memref<128x128xf32, #tpu.memory_space<hbm>>
    tpu.enqueue_dma source(%arg7 : memref<128x128xf32, #tpu.memory_space<vmem>>) target(%dma_start3A_833 : memref<128x128xf32, #tpu.memory_space<hbm>>) target_semaphore(%arg19 : memref<!tpu.dma_semaphore, #tpu.memory_space<semaphore_mem>>)
    %add3A_834 = arith.constant 4480 : i32
    %add3A_835 = arith.addi %mul3A_2, %add3A_834 : i32
    %dma_wait3A_836 = arith.constant 0 : i32
    %dma_wait3A_837 = tpu.memref_slice %arg4[%add3A_835, %dma_wait3A_836] : memref<204800x128xf32, #tpu.memory_space<hbm>> -> memref<128x128xf32, #tpu.memory_space<hbm>>
    %dma_wait3A_838 = arith.constant 0 : i32
    %dma_wait3A_839 = tpu.memref_slice %arg4[%add3A_835, %dma_wait3A_838] : memref<204800x128xf32, #tpu.memory_space<hbm>> -> memref<128x128xf32, #tpu.memory_space<hbm>>
    tpu.wait_dma2 semaphore(%arg23 : memref<!tpu.dma_semaphore, #tpu.memory_space<semaphore_mem>>) src(%arg11 : memref<128x128xf32, #tpu.memory_space<vmem>>) dst(%dma_wait3A_839 : memref<128x128xf32, #tpu.memory_space<hbm>>)
    %dma_start3A_840 = arith.constant 5248 : i32
    %dma_start3A_841 = tpu.memref_slice %arg5[%dma_start3A_840] : memref<6400xi32, #tpu.memory_space<vmem>> -> memref<128xi32, #tpu.memory_space<vmem>>
    %dma_start3A_842 = arith.constant 0 : i32
    %dma_start3A_843 = arith.constant 0 : i32
    %dma_start3A_844 = tpu.memref_slice %arg3[%dma_start3A_842, %dma_start3A_843] : memref<100000x128xf32, #tpu.memory_space<hbm>> -> memref<100000x128xf32, #tpu.memory_space<hbm>>
    tpu.enqueue_indirect_dma source(%dma_start3A_844 : memref<100000x128xf32, #tpu.memory_space<hbm>>) target(%arg11 : memref<128x128xf32, #tpu.memory_space<vmem>>) offsets(%dma_start3A_841 : memref<128xi32, #tpu.memory_space<vmem>>) semaphore(%arg17 : memref<!tpu.dma_semaphore, #tpu.memory_space<semaphore_mem>>)
    %dma_wait3A_845 = arith.constant 4864 : i32
    %dma_wait3A_846 = tpu.memref_slice %arg5[%dma_wait3A_845] : memref<6400xi32, #tpu.memory_space<vmem>> -> memref<128xi32, #tpu.memory_space<vmem>>
    %dma_wait3A_847 = arith.constant 0 : i32
    %dma_wait3A_848 = arith.constant 0 : i32
    %dma_wait3A_849 = tpu.memref_slice %arg3[%dma_wait3A_847, %dma_wait3A_848] : memref<100000x128xf32, #tpu.memory_space<hbm>> -> memref<100000x128xf32, #tpu.memory_space<hbm>>
    tpu.wait_indirect_dma semaphore(%arg14 : memref<!tpu.dma_semaphore, #tpu.memory_space<semaphore_mem>>) src(%dma_wait3A_849 : memref<100000x128xf32, #tpu.memory_space<hbm>>) dst(%arg8 : memref<128x128xf32, #tpu.memory_space<vmem>>)
    %add3A_850 = arith.constant 4864 : i32
    %add3A_851 = arith.addi %mul3A_2, %add3A_850 : i32
    %dma_start3A_852 = arith.constant 0 : i32
    %dma_start3A_853 = tpu.memref_slice %arg4[%add3A_851, %dma_start3A_852] : memref<204800x128xf32, #tpu.memory_space<hbm>> -> memref<128x128xf32, #tpu.memory_space<hbm>>
    %dma_start3A_854 = arith.constant 0 : i32
    %dma_start3A_855 = tpu.memref_slice %arg4[%add3A_851, %dma_start3A_854] : memref<204800x128xf32, #tpu.memory_space<hbm>> -> memref<128x128xf32, #tpu.memory_space<hbm>>
    tpu.enqueue_dma source(%arg8 : memref<128x128xf32, #tpu.memory_space<vmem>>) target(%dma_start3A_855 : memref<128x128xf32, #tpu.memory_space<hbm>>) target_semaphore(%arg20 : memref<!tpu.dma_semaphore, #tpu.memory_space<semaphore_mem>>)
    %add3A_856 = arith.constant 4608 : i32
    %add3A_857 = arith.addi %mul3A_2, %add3A_856 : i32
    %dma_wait3A_858 = arith.constant 0 : i32
    %dma_wait3A_859 = tpu.memref_slice %arg4[%add3A_857, %dma_wait3A_858] : memref<204800x128xf32, #tpu.memory_space<hbm>> -> memref<128x128xf32, #tpu.memory_space<hbm>>
    %dma_wait3A_860 = arith.constant 0 : i32
    %dma_wait3A_861 = tpu.memref_slice %arg4[%add3A_857, %dma_wait3A_860] : memref<204800x128xf32, #tpu.memory_space<hbm>> -> memref<128x128xf32, #tpu.memory_space<hbm>>
    tpu.wait_dma2 semaphore(%arg18 : memref<!tpu.dma_semaphore, #tpu.memory_space<semaphore_mem>>) src(%arg6 : memref<128x128xf32, #tpu.memory_space<vmem>>) dst(%dma_wait3A_861 : memref<128x128xf32, #tpu.memory_space<hbm>>)
    %dma_start3A_862 = arith.constant 5376 : i32
    %dma_start3A_863 = tpu.memref_slice %arg5[%dma_start3A_862] : memref<6400xi32, #tpu.memory_space<vmem>> -> memref<128xi32, #tpu.memory_space<vmem>>
    %dma_start3A_864 = arith.constant 0 : i32
    %dma_start3A_865 = arith.constant 0 : i32
    %dma_start3A_866 = tpu.memref_slice %arg3[%dma_start3A_864, %dma_start3A_865] : memref<100000x128xf32, #tpu.memory_space<hbm>> -> memref<100000x128xf32, #tpu.memory_space<hbm>>
    tpu.enqueue_indirect_dma source(%dma_start3A_866 : memref<100000x128xf32, #tpu.memory_space<hbm>>) target(%arg6 : memref<128x128xf32, #tpu.memory_space<vmem>>) offsets(%dma_start3A_863 : memref<128xi32, #tpu.memory_space<vmem>>) semaphore(%arg12 : memref<!tpu.dma_semaphore, #tpu.memory_space<semaphore_mem>>)
    %dma_wait3A_867 = arith.constant 4992 : i32
    %dma_wait3A_868 = tpu.memref_slice %arg5[%dma_wait3A_867] : memref<6400xi32, #tpu.memory_space<vmem>> -> memref<128xi32, #tpu.memory_space<vmem>>
    %dma_wait3A_869 = arith.constant 0 : i32
    %dma_wait3A_870 = arith.constant 0 : i32
    %dma_wait3A_871 = tpu.memref_slice %arg3[%dma_wait3A_869, %dma_wait3A_870] : memref<100000x128xf32, #tpu.memory_space<hbm>> -> memref<100000x128xf32, #tpu.memory_space<hbm>>
    tpu.wait_indirect_dma semaphore(%arg15 : memref<!tpu.dma_semaphore, #tpu.memory_space<semaphore_mem>>) src(%dma_wait3A_871 : memref<100000x128xf32, #tpu.memory_space<hbm>>) dst(%arg9 : memref<128x128xf32, #tpu.memory_space<vmem>>)
    %add3A_872 = arith.constant 4992 : i32
    %add3A_873 = arith.addi %mul3A_2, %add3A_872 : i32
    %dma_start3A_874 = arith.constant 0 : i32
    %dma_start3A_875 = tpu.memref_slice %arg4[%add3A_873, %dma_start3A_874] : memref<204800x128xf32, #tpu.memory_space<hbm>> -> memref<128x128xf32, #tpu.memory_space<hbm>>
    %dma_start3A_876 = arith.constant 0 : i32
    %dma_start3A_877 = tpu.memref_slice %arg4[%add3A_873, %dma_start3A_876] : memref<204800x128xf32, #tpu.memory_space<hbm>> -> memref<128x128xf32, #tpu.memory_space<hbm>>
    tpu.enqueue_dma source(%arg9 : memref<128x128xf32, #tpu.memory_space<vmem>>) target(%dma_start3A_877 : memref<128x128xf32, #tpu.memory_space<hbm>>) target_semaphore(%arg21 : memref<!tpu.dma_semaphore, #tpu.memory_space<semaphore_mem>>)
    %add3A_878 = arith.constant 4736 : i32
    %add3A_879 = arith.addi %mul3A_2, %add3A_878 : i32
    %dma_wait3A_880 = arith.constant 0 : i32
    %dma_wait3A_881 = tpu.memref_slice %arg4[%add3A_879, %dma_wait3A_880] : memref<204800x128xf32, #tpu.memory_space<hbm>> -> memref<128x128xf32, #tpu.memory_space<hbm>>
    %dma_wait3A_882 = arith.constant 0 : i32
    %dma_wait3A_883 = tpu.memref_slice %arg4[%add3A_879, %dma_wait3A_882] : memref<204800x128xf32, #tpu.memory_space<hbm>> -> memref<128x128xf32, #tpu.memory_space<hbm>>
    tpu.wait_dma2 semaphore(%arg19 : memref<!tpu.dma_semaphore, #tpu.memory_space<semaphore_mem>>) src(%arg7 : memref<128x128xf32, #tpu.memory_space<vmem>>) dst(%dma_wait3A_883 : memref<128x128xf32, #tpu.memory_space<hbm>>)
    %dma_start3A_884 = arith.constant 5504 : i32
    %dma_start3A_885 = tpu.memref_slice %arg5[%dma_start3A_884] : memref<6400xi32, #tpu.memory_space<vmem>> -> memref<128xi32, #tpu.memory_space<vmem>>
    %dma_start3A_886 = arith.constant 0 : i32
    %dma_start3A_887 = arith.constant 0 : i32
    %dma_start3A_888 = tpu.memref_slice %arg3[%dma_start3A_886, %dma_start3A_887] : memref<100000x128xf32, #tpu.memory_space<hbm>> -> memref<100000x128xf32, #tpu.memory_space<hbm>>
    tpu.enqueue_indirect_dma source(%dma_start3A_888 : memref<100000x128xf32, #tpu.memory_space<hbm>>) target(%arg7 : memref<128x128xf32, #tpu.memory_space<vmem>>) offsets(%dma_start3A_885 : memref<128xi32, #tpu.memory_space<vmem>>) semaphore(%arg13 : memref<!tpu.dma_semaphore, #tpu.memory_space<semaphore_mem>>)
    %dma_wait3A_889 = arith.constant 5120 : i32
    %dma_wait3A_890 = tpu.memref_slice %arg5[%dma_wait3A_889] : memref<6400xi32, #tpu.memory_space<vmem>> -> memref<128xi32, #tpu.memory_space<vmem>>
    %dma_wait3A_891 = arith.constant 0 : i32
    %dma_wait3A_892 = arith.constant 0 : i32
    %dma_wait3A_893 = tpu.memref_slice %arg3[%dma_wait3A_891, %dma_wait3A_892] : memref<100000x128xf32, #tpu.memory_space<hbm>> -> memref<100000x128xf32, #tpu.memory_space<hbm>>
    tpu.wait_indirect_dma semaphore(%arg16 : memref<!tpu.dma_semaphore, #tpu.memory_space<semaphore_mem>>) src(%dma_wait3A_893 : memref<100000x128xf32, #tpu.memory_space<hbm>>) dst(%arg10 : memref<128x128xf32, #tpu.memory_space<vmem>>)
    %add3A_894 = arith.constant 5120 : i32
    %add3A_895 = arith.addi %mul3A_2, %add3A_894 : i32
    %dma_start3A_896 = arith.constant 0 : i32
    %dma_start3A_897 = tpu.memref_slice %arg4[%add3A_895, %dma_start3A_896] : memref<204800x128xf32, #tpu.memory_space<hbm>> -> memref<128x128xf32, #tpu.memory_space<hbm>>
    %dma_start3A_898 = arith.constant 0 : i32
    %dma_start3A_899 = tpu.memref_slice %arg4[%add3A_895, %dma_start3A_898] : memref<204800x128xf32, #tpu.memory_space<hbm>> -> memref<128x128xf32, #tpu.memory_space<hbm>>
    tpu.enqueue_dma source(%arg10 : memref<128x128xf32, #tpu.memory_space<vmem>>) target(%dma_start3A_899 : memref<128x128xf32, #tpu.memory_space<hbm>>) target_semaphore(%arg22 : memref<!tpu.dma_semaphore, #tpu.memory_space<semaphore_mem>>)
    %add3A_900 = arith.constant 4864 : i32
    %add3A_901 = arith.addi %mul3A_2, %add3A_900 : i32
    %dma_wait3A_902 = arith.constant 0 : i32
    %dma_wait3A_903 = tpu.memref_slice %arg4[%add3A_901, %dma_wait3A_902] : memref<204800x128xf32, #tpu.memory_space<hbm>> -> memref<128x128xf32, #tpu.memory_space<hbm>>
    %dma_wait3A_904 = arith.constant 0 : i32
    %dma_wait3A_905 = tpu.memref_slice %arg4[%add3A_901, %dma_wait3A_904] : memref<204800x128xf32, #tpu.memory_space<hbm>> -> memref<128x128xf32, #tpu.memory_space<hbm>>
    tpu.wait_dma2 semaphore(%arg20 : memref<!tpu.dma_semaphore, #tpu.memory_space<semaphore_mem>>) src(%arg8 : memref<128x128xf32, #tpu.memory_space<vmem>>) dst(%dma_wait3A_905 : memref<128x128xf32, #tpu.memory_space<hbm>>)
    %dma_start3A_906 = arith.constant 5632 : i32
    %dma_start3A_907 = tpu.memref_slice %arg5[%dma_start3A_906] : memref<6400xi32, #tpu.memory_space<vmem>> -> memref<128xi32, #tpu.memory_space<vmem>>
    %dma_start3A_908 = arith.constant 0 : i32
    %dma_start3A_909 = arith.constant 0 : i32
    %dma_start3A_910 = tpu.memref_slice %arg3[%dma_start3A_908, %dma_start3A_909] : memref<100000x128xf32, #tpu.memory_space<hbm>> -> memref<100000x128xf32, #tpu.memory_space<hbm>>
    tpu.enqueue_indirect_dma source(%dma_start3A_910 : memref<100000x128xf32, #tpu.memory_space<hbm>>) target(%arg8 : memref<128x128xf32, #tpu.memory_space<vmem>>) offsets(%dma_start3A_907 : memref<128xi32, #tpu.memory_space<vmem>>) semaphore(%arg14 : memref<!tpu.dma_semaphore, #tpu.memory_space<semaphore_mem>>)
    %dma_wait3A_911 = arith.constant 5248 : i32
    %dma_wait3A_912 = tpu.memref_slice %arg5[%dma_wait3A_911] : memref<6400xi32, #tpu.memory_space<vmem>> -> memref<128xi32, #tpu.memory_space<vmem>>
    %dma_wait3A_913 = arith.constant 0 : i32
    %dma_wait3A_914 = arith.constant 0 : i32
    %dma_wait3A_915 = tpu.memref_slice %arg3[%dma_wait3A_913, %dma_wait3A_914] : memref<100000x128xf32, #tpu.memory_space<hbm>> -> memref<100000x128xf32, #tpu.memory_space<hbm>>
    tpu.wait_indirect_dma semaphore(%arg17 : memref<!tpu.dma_semaphore, #tpu.memory_space<semaphore_mem>>) src(%dma_wait3A_915 : memref<100000x128xf32, #tpu.memory_space<hbm>>) dst(%arg11 : memref<128x128xf32, #tpu.memory_space<vmem>>)
    %add3A_916 = arith.constant 5248 : i32
    %add3A_917 = arith.addi %mul3A_2, %add3A_916 : i32
    %dma_start3A_918 = arith.constant 0 : i32
    %dma_start3A_919 = tpu.memref_slice %arg4[%add3A_917, %dma_start3A_918] : memref<204800x128xf32, #tpu.memory_space<hbm>> -> memref<128x128xf32, #tpu.memory_space<hbm>>
    %dma_start3A_920 = arith.constant 0 : i32
    %dma_start3A_921 = tpu.memref_slice %arg4[%add3A_917, %dma_start3A_920] : memref<204800x128xf32, #tpu.memory_space<hbm>> -> memref<128x128xf32, #tpu.memory_space<hbm>>
    tpu.enqueue_dma source(%arg11 : memref<128x128xf32, #tpu.memory_space<vmem>>) target(%dma_start3A_921 : memref<128x128xf32, #tpu.memory_space<hbm>>) target_semaphore(%arg23 : memref<!tpu.dma_semaphore, #tpu.memory_space<semaphore_mem>>)
    %add3A_922 = arith.constant 4992 : i32
    %add3A_923 = arith.addi %mul3A_2, %add3A_922 : i32
    %dma_wait3A_924 = arith.constant 0 : i32
    %dma_wait3A_925 = tpu.memref_slice %arg4[%add3A_923, %dma_wait3A_924] : memref<204800x128xf32, #tpu.memory_space<hbm>> -> memref<128x128xf32, #tpu.memory_space<hbm>>
    %dma_wait3A_926 = arith.constant 0 : i32
    %dma_wait3A_927 = tpu.memref_slice %arg4[%add3A_923, %dma_wait3A_926] : memref<204800x128xf32, #tpu.memory_space<hbm>> -> memref<128x128xf32, #tpu.memory_space<hbm>>
    tpu.wait_dma2 semaphore(%arg21 : memref<!tpu.dma_semaphore, #tpu.memory_space<semaphore_mem>>) src(%arg9 : memref<128x128xf32, #tpu.memory_space<vmem>>) dst(%dma_wait3A_927 : memref<128x128xf32, #tpu.memory_space<hbm>>)
    %dma_start3A_928 = arith.constant 5760 : i32
    %dma_start3A_929 = tpu.memref_slice %arg5[%dma_start3A_928] : memref<6400xi32, #tpu.memory_space<vmem>> -> memref<128xi32, #tpu.memory_space<vmem>>
    %dma_start3A_930 = arith.constant 0 : i32
    %dma_start3A_931 = arith.constant 0 : i32
    %dma_start3A_932 = tpu.memref_slice %arg3[%dma_start3A_930, %dma_start3A_931] : memref<100000x128xf32, #tpu.memory_space<hbm>> -> memref<100000x128xf32, #tpu.memory_space<hbm>>
    tpu.enqueue_indirect_dma source(%dma_start3A_932 : memref<100000x128xf32, #tpu.memory_space<hbm>>) target(%arg9 : memref<128x128xf32, #tpu.memory_space<vmem>>) offsets(%dma_start3A_929 : memref<128xi32, #tpu.memory_space<vmem>>) semaphore(%arg15 : memref<!tpu.dma_semaphore, #tpu.memory_space<semaphore_mem>>)
    %dma_wait3A_933 = arith.constant 5376 : i32
    %dma_wait3A_934 = tpu.memref_slice %arg5[%dma_wait3A_933] : memref<6400xi32, #tpu.memory_space<vmem>> -> memref<128xi32, #tpu.memory_space<vmem>>
    %dma_wait3A_935 = arith.constant 0 : i32
    %dma_wait3A_936 = arith.constant 0 : i32
    %dma_wait3A_937 = tpu.memref_slice %arg3[%dma_wait3A_935, %dma_wait3A_936] : memref<100000x128xf32, #tpu.memory_space<hbm>> -> memref<100000x128xf32, #tpu.memory_space<hbm>>
    tpu.wait_indirect_dma semaphore(%arg12 : memref<!tpu.dma_semaphore, #tpu.memory_space<semaphore_mem>>) src(%dma_wait3A_937 : memref<100000x128xf32, #tpu.memory_space<hbm>>) dst(%arg6 : memref<128x128xf32, #tpu.memory_space<vmem>>)
    %add3A_938 = arith.constant 5376 : i32
    %add3A_939 = arith.addi %mul3A_2, %add3A_938 : i32
    %dma_start3A_940 = arith.constant 0 : i32
    %dma_start3A_941 = tpu.memref_slice %arg4[%add3A_939, %dma_start3A_940] : memref<204800x128xf32, #tpu.memory_space<hbm>> -> memref<128x128xf32, #tpu.memory_space<hbm>>
    %dma_start3A_942 = arith.constant 0 : i32
    %dma_start3A_943 = tpu.memref_slice %arg4[%add3A_939, %dma_start3A_942] : memref<204800x128xf32, #tpu.memory_space<hbm>> -> memref<128x128xf32, #tpu.memory_space<hbm>>
    tpu.enqueue_dma source(%arg6 : memref<128x128xf32, #tpu.memory_space<vmem>>) target(%dma_start3A_943 : memref<128x128xf32, #tpu.memory_space<hbm>>) target_semaphore(%arg18 : memref<!tpu.dma_semaphore, #tpu.memory_space<semaphore_mem>>)
    %add3A_944 = arith.constant 5120 : i32
    %add3A_945 = arith.addi %mul3A_2, %add3A_944 : i32
    %dma_wait3A_946 = arith.constant 0 : i32
    %dma_wait3A_947 = tpu.memref_slice %arg4[%add3A_945, %dma_wait3A_946] : memref<204800x128xf32, #tpu.memory_space<hbm>> -> memref<128x128xf32, #tpu.memory_space<hbm>>
    %dma_wait3A_948 = arith.constant 0 : i32
    %dma_wait3A_949 = tpu.memref_slice %arg4[%add3A_945, %dma_wait3A_948] : memref<204800x128xf32, #tpu.memory_space<hbm>> -> memref<128x128xf32, #tpu.memory_space<hbm>>
    tpu.wait_dma2 semaphore(%arg22 : memref<!tpu.dma_semaphore, #tpu.memory_space<semaphore_mem>>) src(%arg10 : memref<128x128xf32, #tpu.memory_space<vmem>>) dst(%dma_wait3A_949 : memref<128x128xf32, #tpu.memory_space<hbm>>)
    %dma_start3A_950 = arith.constant 5888 : i32
    %dma_start3A_951 = tpu.memref_slice %arg5[%dma_start3A_950] : memref<6400xi32, #tpu.memory_space<vmem>> -> memref<128xi32, #tpu.memory_space<vmem>>
    %dma_start3A_952 = arith.constant 0 : i32
    %dma_start3A_953 = arith.constant 0 : i32
    %dma_start3A_954 = tpu.memref_slice %arg3[%dma_start3A_952, %dma_start3A_953] : memref<100000x128xf32, #tpu.memory_space<hbm>> -> memref<100000x128xf32, #tpu.memory_space<hbm>>
    tpu.enqueue_indirect_dma source(%dma_start3A_954 : memref<100000x128xf32, #tpu.memory_space<hbm>>) target(%arg10 : memref<128x128xf32, #tpu.memory_space<vmem>>) offsets(%dma_start3A_951 : memref<128xi32, #tpu.memory_space<vmem>>) semaphore(%arg16 : memref<!tpu.dma_semaphore, #tpu.memory_space<semaphore_mem>>)
    %dma_wait3A_955 = arith.constant 5504 : i32
    %dma_wait3A_956 = tpu.memref_slice %arg5[%dma_wait3A_955] : memref<6400xi32, #tpu.memory_space<vmem>> -> memref<128xi32, #tpu.memory_space<vmem>>
    %dma_wait3A_957 = arith.constant 0 : i32
    %dma_wait3A_958 = arith.constant 0 : i32
    %dma_wait3A_959 = tpu.memref_slice %arg3[%dma_wait3A_957, %dma_wait3A_958] : memref<100000x128xf32, #tpu.memory_space<hbm>> -> memref<100000x128xf32, #tpu.memory_space<hbm>>
    tpu.wait_indirect_dma semaphore(%arg13 : memref<!tpu.dma_semaphore, #tpu.memory_space<semaphore_mem>>) src(%dma_wait3A_959 : memref<100000x128xf32, #tpu.memory_space<hbm>>) dst(%arg7 : memref<128x128xf32, #tpu.memory_space<vmem>>)
    %add3A_960 = arith.constant 5504 : i32
    %add3A_961 = arith.addi %mul3A_2, %add3A_960 : i32
    %dma_start3A_962 = arith.constant 0 : i32
    %dma_start3A_963 = tpu.memref_slice %arg4[%add3A_961, %dma_start3A_962] : memref<204800x128xf32, #tpu.memory_space<hbm>> -> memref<128x128xf32, #tpu.memory_space<hbm>>
    %dma_start3A_964 = arith.constant 0 : i32
    %dma_start3A_965 = tpu.memref_slice %arg4[%add3A_961, %dma_start3A_964] : memref<204800x128xf32, #tpu.memory_space<hbm>> -> memref<128x128xf32, #tpu.memory_space<hbm>>
    tpu.enqueue_dma source(%arg7 : memref<128x128xf32, #tpu.memory_space<vmem>>) target(%dma_start3A_965 : memref<128x128xf32, #tpu.memory_space<hbm>>) target_semaphore(%arg19 : memref<!tpu.dma_semaphore, #tpu.memory_space<semaphore_mem>>)
    %add3A_966 = arith.constant 5248 : i32
    %add3A_967 = arith.addi %mul3A_2, %add3A_966 : i32
    %dma_wait3A_968 = arith.constant 0 : i32
    %dma_wait3A_969 = tpu.memref_slice %arg4[%add3A_967, %dma_wait3A_968] : memref<204800x128xf32, #tpu.memory_space<hbm>> -> memref<128x128xf32, #tpu.memory_space<hbm>>
    %dma_wait3A_970 = arith.constant 0 : i32
    %dma_wait3A_971 = tpu.memref_slice %arg4[%add3A_967, %dma_wait3A_970] : memref<204800x128xf32, #tpu.memory_space<hbm>> -> memref<128x128xf32, #tpu.memory_space<hbm>>
    tpu.wait_dma2 semaphore(%arg23 : memref<!tpu.dma_semaphore, #tpu.memory_space<semaphore_mem>>) src(%arg11 : memref<128x128xf32, #tpu.memory_space<vmem>>) dst(%dma_wait3A_971 : memref<128x128xf32, #tpu.memory_space<hbm>>)
    %dma_start3A_972 = arith.constant 6016 : i32
    %dma_start3A_973 = tpu.memref_slice %arg5[%dma_start3A_972] : memref<6400xi32, #tpu.memory_space<vmem>> -> memref<128xi32, #tpu.memory_space<vmem>>
    %dma_start3A_974 = arith.constant 0 : i32
    %dma_start3A_975 = arith.constant 0 : i32
    %dma_start3A_976 = tpu.memref_slice %arg3[%dma_start3A_974, %dma_start3A_975] : memref<100000x128xf32, #tpu.memory_space<hbm>> -> memref<100000x128xf32, #tpu.memory_space<hbm>>
    tpu.enqueue_indirect_dma source(%dma_start3A_976 : memref<100000x128xf32, #tpu.memory_space<hbm>>) target(%arg11 : memref<128x128xf32, #tpu.memory_space<vmem>>) offsets(%dma_start3A_973 : memref<128xi32, #tpu.memory_space<vmem>>) semaphore(%arg17 : memref<!tpu.dma_semaphore, #tpu.memory_space<semaphore_mem>>)
    %dma_wait3A_977 = arith.constant 5632 : i32
    %dma_wait3A_978 = tpu.memref_slice %arg5[%dma_wait3A_977] : memref<6400xi32, #tpu.memory_space<vmem>> -> memref<128xi32, #tpu.memory_space<vmem>>
    %dma_wait3A_979 = arith.constant 0 : i32
    %dma_wait3A_980 = arith.constant 0 : i32
    %dma_wait3A_981 = tpu.memref_slice %arg3[%dma_wait3A_979, %dma_wait3A_980] : memref<100000x128xf32, #tpu.memory_space<hbm>> -> memref<100000x128xf32, #tpu.memory_space<hbm>>
    tpu.wait_indirect_dma semaphore(%arg14 : memref<!tpu.dma_semaphore, #tpu.memory_space<semaphore_mem>>) src(%dma_wait3A_981 : memref<100000x128xf32, #tpu.memory_space<hbm>>) dst(%arg8 : memref<128x128xf32, #tpu.memory_space<vmem>>)
    %add3A_982 = arith.constant 5632 : i32
    %add3A_983 = arith.addi %mul3A_2, %add3A_982 : i32
    %dma_start3A_984 = arith.constant 0 : i32
    %dma_start3A_985 = tpu.memref_slice %arg4[%add3A_983, %dma_start3A_984] : memref<204800x128xf32, #tpu.memory_space<hbm>> -> memref<128x128xf32, #tpu.memory_space<hbm>>
    %dma_start3A_986 = arith.constant 0 : i32
    %dma_start3A_987 = tpu.memref_slice %arg4[%add3A_983, %dma_start3A_986] : memref<204800x128xf32, #tpu.memory_space<hbm>> -> memref<128x128xf32, #tpu.memory_space<hbm>>
    tpu.enqueue_dma source(%arg8 : memref<128x128xf32, #tpu.memory_space<vmem>>) target(%dma_start3A_987 : memref<128x128xf32, #tpu.memory_space<hbm>>) target_semaphore(%arg20 : memref<!tpu.dma_semaphore, #tpu.memory_space<semaphore_mem>>)
    %add3A_988 = arith.constant 5376 : i32
    %add3A_989 = arith.addi %mul3A_2, %add3A_988 : i32
    %dma_wait3A_990 = arith.constant 0 : i32
    %dma_wait3A_991 = tpu.memref_slice %arg4[%add3A_989, %dma_wait3A_990] : memref<204800x128xf32, #tpu.memory_space<hbm>> -> memref<128x128xf32, #tpu.memory_space<hbm>>
    %dma_wait3A_992 = arith.constant 0 : i32
    %dma_wait3A_993 = tpu.memref_slice %arg4[%add3A_989, %dma_wait3A_992] : memref<204800x128xf32, #tpu.memory_space<hbm>> -> memref<128x128xf32, #tpu.memory_space<hbm>>
    tpu.wait_dma2 semaphore(%arg18 : memref<!tpu.dma_semaphore, #tpu.memory_space<semaphore_mem>>) src(%arg6 : memref<128x128xf32, #tpu.memory_space<vmem>>) dst(%dma_wait3A_993 : memref<128x128xf32, #tpu.memory_space<hbm>>)
    %dma_start3A_994 = arith.constant 6144 : i32
    %dma_start3A_995 = tpu.memref_slice %arg5[%dma_start3A_994] : memref<6400xi32, #tpu.memory_space<vmem>> -> memref<128xi32, #tpu.memory_space<vmem>>
    %dma_start3A_996 = arith.constant 0 : i32
    %dma_start3A_997 = arith.constant 0 : i32
    %dma_start3A_998 = tpu.memref_slice %arg3[%dma_start3A_996, %dma_start3A_997] : memref<100000x128xf32, #tpu.memory_space<hbm>> -> memref<100000x128xf32, #tpu.memory_space<hbm>>
    tpu.enqueue_indirect_dma source(%dma_start3A_998 : memref<100000x128xf32, #tpu.memory_space<hbm>>) target(%arg6 : memref<128x128xf32, #tpu.memory_space<vmem>>) offsets(%dma_start3A_995 : memref<128xi32, #tpu.memory_space<vmem>>) semaphore(%arg12 : memref<!tpu.dma_semaphore, #tpu.memory_space<semaphore_mem>>)
    %dma_wait3A_999 = arith.constant 5760 : i32
    %dma_wait3A_1000 = tpu.memref_slice %arg5[%dma_wait3A_999] : memref<6400xi32, #tpu.memory_space<vmem>> -> memref<128xi32, #tpu.memory_space<vmem>>
    %dma_wait3A_1001 = arith.constant 0 : i32
    %dma_wait3A_1002 = arith.constant 0 : i32
    %dma_wait3A_1003 = tpu.memref_slice %arg3[%dma_wait3A_1001, %dma_wait3A_1002] : memref<100000x128xf32, #tpu.memory_space<hbm>> -> memref<100000x128xf32, #tpu.memory_space<hbm>>
    tpu.wait_indirect_dma semaphore(%arg15 : memref<!tpu.dma_semaphore, #tpu.memory_space<semaphore_mem>>) src(%dma_wait3A_1003 : memref<100000x128xf32, #tpu.memory_space<hbm>>) dst(%arg9 : memref<128x128xf32, #tpu.memory_space<vmem>>)
    %add3A_1004 = arith.constant 5760 : i32
    %add3A_1005 = arith.addi %mul3A_2, %add3A_1004 : i32
    %dma_start3A_1006 = arith.constant 0 : i32
    %dma_start3A_1007 = tpu.memref_slice %arg4[%add3A_1005, %dma_start3A_1006] : memref<204800x128xf32, #tpu.memory_space<hbm>> -> memref<128x128xf32, #tpu.memory_space<hbm>>
    %dma_start3A_1008 = arith.constant 0 : i32
    %dma_start3A_1009 = tpu.memref_slice %arg4[%add3A_1005, %dma_start3A_1008] : memref<204800x128xf32, #tpu.memory_space<hbm>> -> memref<128x128xf32, #tpu.memory_space<hbm>>
    tpu.enqueue_dma source(%arg9 : memref<128x128xf32, #tpu.memory_space<vmem>>) target(%dma_start3A_1009 : memref<128x128xf32, #tpu.memory_space<hbm>>) target_semaphore(%arg21 : memref<!tpu.dma_semaphore, #tpu.memory_space<semaphore_mem>>)
    %add3A_1010 = arith.constant 5504 : i32
    %add3A_1011 = arith.addi %mul3A_2, %add3A_1010 : i32
    %dma_wait3A_1012 = arith.constant 0 : i32
    %dma_wait3A_1013 = tpu.memref_slice %arg4[%add3A_1011, %dma_wait3A_1012] : memref<204800x128xf32, #tpu.memory_space<hbm>> -> memref<128x128xf32, #tpu.memory_space<hbm>>
    %dma_wait3A_1014 = arith.constant 0 : i32
    %dma_wait3A_1015 = tpu.memref_slice %arg4[%add3A_1011, %dma_wait3A_1014] : memref<204800x128xf32, #tpu.memory_space<hbm>> -> memref<128x128xf32, #tpu.memory_space<hbm>>
    tpu.wait_dma2 semaphore(%arg19 : memref<!tpu.dma_semaphore, #tpu.memory_space<semaphore_mem>>) src(%arg7 : memref<128x128xf32, #tpu.memory_space<vmem>>) dst(%dma_wait3A_1015 : memref<128x128xf32, #tpu.memory_space<hbm>>)
    %dma_start3A_1016 = arith.constant 6272 : i32
    %dma_start3A_1017 = tpu.memref_slice %arg5[%dma_start3A_1016] : memref<6400xi32, #tpu.memory_space<vmem>> -> memref<128xi32, #tpu.memory_space<vmem>>
    %dma_start3A_1018 = arith.constant 0 : i32
    %dma_start3A_1019 = arith.constant 0 : i32
    %dma_start3A_1020 = tpu.memref_slice %arg3[%dma_start3A_1018, %dma_start3A_1019] : memref<100000x128xf32, #tpu.memory_space<hbm>> -> memref<100000x128xf32, #tpu.memory_space<hbm>>
    tpu.enqueue_indirect_dma source(%dma_start3A_1020 : memref<100000x128xf32, #tpu.memory_space<hbm>>) target(%arg7 : memref<128x128xf32, #tpu.memory_space<vmem>>) offsets(%dma_start3A_1017 : memref<128xi32, #tpu.memory_space<vmem>>) semaphore(%arg13 : memref<!tpu.dma_semaphore, #tpu.memory_space<semaphore_mem>>)
    %dma_wait3A_1021 = arith.constant 5888 : i32
    %dma_wait3A_1022 = tpu.memref_slice %arg5[%dma_wait3A_1021] : memref<6400xi32, #tpu.memory_space<vmem>> -> memref<128xi32, #tpu.memory_space<vmem>>
    %dma_wait3A_1023 = arith.constant 0 : i32
    %dma_wait3A_1024 = arith.constant 0 : i32
    %dma_wait3A_1025 = tpu.memref_slice %arg3[%dma_wait3A_1023, %dma_wait3A_1024] : memref<100000x128xf32, #tpu.memory_space<hbm>> -> memref<100000x128xf32, #tpu.memory_space<hbm>>
    tpu.wait_indirect_dma semaphore(%arg16 : memref<!tpu.dma_semaphore, #tpu.memory_space<semaphore_mem>>) src(%dma_wait3A_1025 : memref<100000x128xf32, #tpu.memory_space<hbm>>) dst(%arg10 : memref<128x128xf32, #tpu.memory_space<vmem>>)
    %add3A_1026 = arith.constant 5888 : i32
    %add3A_1027 = arith.addi %mul3A_2, %add3A_1026 : i32
    %dma_start3A_1028 = arith.constant 0 : i32
    %dma_start3A_1029 = tpu.memref_slice %arg4[%add3A_1027, %dma_start3A_1028] : memref<204800x128xf32, #tpu.memory_space<hbm>> -> memref<128x128xf32, #tpu.memory_space<hbm>>
    %dma_start3A_1030 = arith.constant 0 : i32
    %dma_start3A_1031 = tpu.memref_slice %arg4[%add3A_1027, %dma_start3A_1030] : memref<204800x128xf32, #tpu.memory_space<hbm>> -> memref<128x128xf32, #tpu.memory_space<hbm>>
    tpu.enqueue_dma source(%arg10 : memref<128x128xf32, #tpu.memory_space<vmem>>) target(%dma_start3A_1031 : memref<128x128xf32, #tpu.memory_space<hbm>>) target_semaphore(%arg22 : memref<!tpu.dma_semaphore, #tpu.memory_space<semaphore_mem>>)
    %dma_wait3A_1032 = arith.constant 6016 : i32
    %dma_wait3A_1033 = tpu.memref_slice %arg5[%dma_wait3A_1032] : memref<6400xi32, #tpu.memory_space<vmem>> -> memref<128xi32, #tpu.memory_space<vmem>>
    %dma_wait3A_1034 = arith.constant 0 : i32
    %dma_wait3A_1035 = arith.constant 0 : i32
    %dma_wait3A_1036 = tpu.memref_slice %arg3[%dma_wait3A_1034, %dma_wait3A_1035] : memref<100000x128xf32, #tpu.memory_space<hbm>> -> memref<100000x128xf32, #tpu.memory_space<hbm>>
    tpu.wait_indirect_dma semaphore(%arg17 : memref<!tpu.dma_semaphore, #tpu.memory_space<semaphore_mem>>) src(%dma_wait3A_1036 : memref<100000x128xf32, #tpu.memory_space<hbm>>) dst(%arg11 : memref<128x128xf32, #tpu.memory_space<vmem>>)
    %add3A_1037 = arith.constant 6016 : i32
    %add3A_1038 = arith.addi %mul3A_2, %add3A_1037 : i32
    %dma_start3A_1039 = arith.constant 0 : i32
    %dma_start3A_1040 = tpu.memref_slice %arg4[%add3A_1038, %dma_start3A_1039] : memref<204800x128xf32, #tpu.memory_space<hbm>> -> memref<128x128xf32, #tpu.memory_space<hbm>>
    %dma_start3A_1041 = arith.constant 0 : i32
    %dma_start3A_1042 = tpu.memref_slice %arg4[%add3A_1038, %dma_start3A_1041] : memref<204800x128xf32, #tpu.memory_space<hbm>> -> memref<128x128xf32, #tpu.memory_space<hbm>>
    tpu.enqueue_dma source(%arg11 : memref<128x128xf32, #tpu.memory_space<vmem>>) target(%dma_start3A_1042 : memref<128x128xf32, #tpu.memory_space<hbm>>) target_semaphore(%arg23 : memref<!tpu.dma_semaphore, #tpu.memory_space<semaphore_mem>>)
    %dma_wait3A_1043 = arith.constant 6144 : i32
    %dma_wait3A_1044 = tpu.memref_slice %arg5[%dma_wait3A_1043] : memref<6400xi32, #tpu.memory_space<vmem>> -> memref<128xi32, #tpu.memory_space<vmem>>
    %dma_wait3A_1045 = arith.constant 0 : i32
    %dma_wait3A_1046 = arith.constant 0 : i32
    %dma_wait3A_1047 = tpu.memref_slice %arg3[%dma_wait3A_1045, %dma_wait3A_1046] : memref<100000x128xf32, #tpu.memory_space<hbm>> -> memref<100000x128xf32, #tpu.memory_space<hbm>>
    tpu.wait_indirect_dma semaphore(%arg12 : memref<!tpu.dma_semaphore, #tpu.memory_space<semaphore_mem>>) src(%dma_wait3A_1047 : memref<100000x128xf32, #tpu.memory_space<hbm>>) dst(%arg6 : memref<128x128xf32, #tpu.memory_space<vmem>>)
    %add3A_1048 = arith.constant 6144 : i32
    %add3A_1049 = arith.addi %mul3A_2, %add3A_1048 : i32
    %dma_start3A_1050 = arith.constant 0 : i32
    %dma_start3A_1051 = tpu.memref_slice %arg4[%add3A_1049, %dma_start3A_1050] : memref<204800x128xf32, #tpu.memory_space<hbm>> -> memref<128x128xf32, #tpu.memory_space<hbm>>
    %dma_start3A_1052 = arith.constant 0 : i32
    %dma_start3A_1053 = tpu.memref_slice %arg4[%add3A_1049, %dma_start3A_1052] : memref<204800x128xf32, #tpu.memory_space<hbm>> -> memref<128x128xf32, #tpu.memory_space<hbm>>
    tpu.enqueue_dma source(%arg6 : memref<128x128xf32, #tpu.memory_space<vmem>>) target(%dma_start3A_1053 : memref<128x128xf32, #tpu.memory_space<hbm>>) target_semaphore(%arg18 : memref<!tpu.dma_semaphore, #tpu.memory_space<semaphore_mem>>)
    %dma_wait3A_1054 = arith.constant 6272 : i32
    %dma_wait3A_1055 = tpu.memref_slice %arg5[%dma_wait3A_1054] : memref<6400xi32, #tpu.memory_space<vmem>> -> memref<128xi32, #tpu.memory_space<vmem>>
    %dma_wait3A_1056 = arith.constant 0 : i32
    %dma_wait3A_1057 = arith.constant 0 : i32
    %dma_wait3A_1058 = tpu.memref_slice %arg3[%dma_wait3A_1056, %dma_wait3A_1057] : memref<100000x128xf32, #tpu.memory_space<hbm>> -> memref<100000x128xf32, #tpu.memory_space<hbm>>
    tpu.wait_indirect_dma semaphore(%arg13 : memref<!tpu.dma_semaphore, #tpu.memory_space<semaphore_mem>>) src(%dma_wait3A_1058 : memref<100000x128xf32, #tpu.memory_space<hbm>>) dst(%arg7 : memref<128x128xf32, #tpu.memory_space<vmem>>)
    %add3A_1059 = arith.constant 6272 : i32
    %add3A_1060 = arith.addi %mul3A_2, %add3A_1059 : i32
    %dma_start3A_1061 = arith.constant 0 : i32
    %dma_start3A_1062 = tpu.memref_slice %arg4[%add3A_1060, %dma_start3A_1061] : memref<204800x128xf32, #tpu.memory_space<hbm>> -> memref<128x128xf32, #tpu.memory_space<hbm>>
    %dma_start3A_1063 = arith.constant 0 : i32
    %dma_start3A_1064 = tpu.memref_slice %arg4[%add3A_1060, %dma_start3A_1063] : memref<204800x128xf32, #tpu.memory_space<hbm>> -> memref<128x128xf32, #tpu.memory_space<hbm>>
    tpu.enqueue_dma source(%arg7 : memref<128x128xf32, #tpu.memory_space<vmem>>) target(%dma_start3A_1064 : memref<128x128xf32, #tpu.memory_space<hbm>>) target_semaphore(%arg19 : memref<!tpu.dma_semaphore, #tpu.memory_space<semaphore_mem>>)
    %add3A_1065 = arith.constant 5632 : i32
    %add3A_1066 = arith.addi %mul3A_2, %add3A_1065 : i32
    %dma_wait3A_1067 = arith.constant 0 : i32
    %dma_wait3A_1068 = tpu.memref_slice %arg4[%add3A_1066, %dma_wait3A_1067] : memref<204800x128xf32, #tpu.memory_space<hbm>> -> memref<128x128xf32, #tpu.memory_space<hbm>>
    %dma_wait3A_1069 = arith.constant 0 : i32
    %dma_wait3A_1070 = tpu.memref_slice %arg4[%add3A_1066, %dma_wait3A_1069] : memref<204800x128xf32, #tpu.memory_space<hbm>> -> memref<128x128xf32, #tpu.memory_space<hbm>>
    tpu.wait_dma2 semaphore(%arg20 : memref<!tpu.dma_semaphore, #tpu.memory_space<semaphore_mem>>) src(%arg8 : memref<128x128xf32, #tpu.memory_space<vmem>>) dst(%dma_wait3A_1070 : memref<128x128xf32, #tpu.memory_space<hbm>>)
    %add3A_1071 = arith.constant 5760 : i32
    %add3A_1072 = arith.addi %mul3A_2, %add3A_1071 : i32
    %dma_wait3A_1073 = arith.constant 0 : i32
    %dma_wait3A_1074 = tpu.memref_slice %arg4[%add3A_1072, %dma_wait3A_1073] : memref<204800x128xf32, #tpu.memory_space<hbm>> -> memref<128x128xf32, #tpu.memory_space<hbm>>
    %dma_wait3A_1075 = arith.constant 0 : i32
    %dma_wait3A_1076 = tpu.memref_slice %arg4[%add3A_1072, %dma_wait3A_1075] : memref<204800x128xf32, #tpu.memory_space<hbm>> -> memref<128x128xf32, #tpu.memory_space<hbm>>
    tpu.wait_dma2 semaphore(%arg21 : memref<!tpu.dma_semaphore, #tpu.memory_space<semaphore_mem>>) src(%arg9 : memref<128x128xf32, #tpu.memory_space<vmem>>) dst(%dma_wait3A_1076 : memref<128x128xf32, #tpu.memory_space<hbm>>)
    %add3A_1077 = arith.constant 5888 : i32
    %add3A_1078 = arith.addi %mul3A_2, %add3A_1077 : i32
    %dma_wait3A_1079 = arith.constant 0 : i32
    %dma_wait3A_1080 = tpu.memref_slice %arg4[%add3A_1078, %dma_wait3A_1079] : memref<204800x128xf32, #tpu.memory_space<hbm>> -> memref<128x128xf32, #tpu.memory_space<hbm>>
    %dma_wait3A_1081 = arith.constant 0 : i32
    %dma_wait3A_1082 = tpu.memref_slice %arg4[%add3A_1078, %dma_wait3A_1081] : memref<204800x128xf32, #tpu.memory_space<hbm>> -> memref<128x128xf32, #tpu.memory_space<hbm>>
    tpu.wait_dma2 semaphore(%arg22 : memref<!tpu.dma_semaphore, #tpu.memory_space<semaphore_mem>>) src(%arg10 : memref<128x128xf32, #tpu.memory_space<vmem>>) dst(%dma_wait3A_1082 : memref<128x128xf32, #tpu.memory_space<hbm>>)
    %add3A_1083 = arith.constant 6016 : i32
    %add3A_1084 = arith.addi %mul3A_2, %add3A_1083 : i32
    %dma_wait3A_1085 = arith.constant 0 : i32
    %dma_wait3A_1086 = tpu.memref_slice %arg4[%add3A_1084, %dma_wait3A_1085] : memref<204800x128xf32, #tpu.memory_space<hbm>> -> memref<128x128xf32, #tpu.memory_space<hbm>>
    %dma_wait3A_1087 = arith.constant 0 : i32
    %dma_wait3A_1088 = tpu.memref_slice %arg4[%add3A_1084, %dma_wait3A_1087] : memref<204800x128xf32, #tpu.memory_space<hbm>> -> memref<128x128xf32, #tpu.memory_space<hbm>>
    tpu.wait_dma2 semaphore(%arg23 : memref<!tpu.dma_semaphore, #tpu.memory_space<semaphore_mem>>) src(%arg11 : memref<128x128xf32, #tpu.memory_space<vmem>>) dst(%dma_wait3A_1088 : memref<128x128xf32, #tpu.memory_space<hbm>>)
    %add3A_1089 = arith.constant 6144 : i32
    %add3A_1090 = arith.addi %mul3A_2, %add3A_1089 : i32
    %dma_wait3A_1091 = arith.constant 0 : i32
    %dma_wait3A_1092 = tpu.memref_slice %arg4[%add3A_1090, %dma_wait3A_1091] : memref<204800x128xf32, #tpu.memory_space<hbm>> -> memref<128x128xf32, #tpu.memory_space<hbm>>
    %dma_wait3A_1093 = arith.constant 0 : i32
    %dma_wait3A_1094 = tpu.memref_slice %arg4[%add3A_1090, %dma_wait3A_1093] : memref<204800x128xf32, #tpu.memory_space<hbm>> -> memref<128x128xf32, #tpu.memory_space<hbm>>
    tpu.wait_dma2 semaphore(%arg18 : memref<!tpu.dma_semaphore, #tpu.memory_space<semaphore_mem>>) src(%arg6 : memref<128x128xf32, #tpu.memory_space<vmem>>) dst(%dma_wait3A_1094 : memref<128x128xf32, #tpu.memory_space<hbm>>)
    %add3A_1095 = arith.constant 6272 : i32
    %add3A_1096 = arith.addi %mul3A_2, %add3A_1095 : i32
    %dma_wait3A_1097 = arith.constant 0 : i32
    %dma_wait3A_1098 = tpu.memref_slice %arg4[%add3A_1096, %dma_wait3A_1097] : memref<204800x128xf32, #tpu.memory_space<hbm>> -> memref<128x128xf32, #tpu.memory_space<hbm>>
    %dma_wait3A_1099 = arith.constant 0 : i32
    %dma_wait3A_1100 = tpu.memref_slice %arg4[%add3A_1096, %dma_wait3A_1099] : memref<204800x128xf32, #tpu.memory_space<hbm>> -> memref<128x128xf32, #tpu.memory_space<hbm>>
    tpu.wait_dma2 semaphore(%arg19 : memref<!tpu.dma_semaphore, #tpu.memory_space<semaphore_mem>>) src(%arg7 : memref<128x128xf32, #tpu.memory_space<vmem>>) dst(%dma_wait3A_1100 : memref<128x128xf32, #tpu.memory_space<hbm>>)
    return
  }
}

module attributes {stable_mosaic.version = 14 : i64} {
  func.func @_tc_ln_body(%arg0: i32, %arg1: memref<32x200x128xf32, #tpu.memory_space<vmem>>, %arg2: memref<1x200x128xf32, #tpu.memory_space<vmem>>, %arg3: memref<32x200xf32, #tpu.memory_space<vmem>>, %arg4: memref<2x128xf32, #tpu.memory_space<vmem>>, %arg5: memref<1x128xf32, #tpu.memory_space<vmem>>, %arg6: memref<1x128xf32, #tpu.memory_space<vmem>>, %arg7: memref<32x200x128xf32, #tpu.memory_space<vmem>>) attributes {dimension_semantics = [#tpu.dimension_semantics<arbitrary>], iteration_bounds = array<i64: 32>, scalar_prefetch = 0 : i64, scratch_operands = 0 : i64, tpu.core_type = #tpu.core_type<tc>, window_params = [{transform_indices = @transform_0, window_bounds = array<i64: 32, 200, 128>}, {pipeline_mode = #tpu.pipeline_mode<synchronous>, transform_indices = @transform_1, window_bounds = array<i64: 1, 200, 128>}, {transform_indices = @transform_2, window_bounds = array<i64: 32, 200>}, {pipeline_mode = #tpu.pipeline_mode<synchronous>, transform_indices = @transform_3, window_bounds = array<i64: 2, 128>}, {pipeline_mode = #tpu.pipeline_mode<synchronous>, transform_indices = @transform_4, window_bounds = array<i64: 1, 128>}, {pipeline_mode = #tpu.pipeline_mode<synchronous>, transform_indices = @transform_5, window_bounds = array<i64: 1, 128>}, {transform_indices = @transform_6, window_bounds = array<i64: 32, 200, 128>}]} {
    %get3A = arith.constant 0 : index
    %get3A_0 = arith.constant 0 : index
    %get3A_1 = arith.constant 0 : index
    %get3A_2 = vector.load %arg1[%get3A, %get3A_0, %get3A_1] : memref<32x200x128xf32, #tpu.memory_space<vmem>>, vector<32x200x128xf32>
    %get3A_3 = arith.constant 0 : index
    %get3A_4 = arith.constant 0 : index
    %get3A_5 = vector.load %arg3[%get3A_3, %get3A_4] : memref<32x200xf32, #tpu.memory_space<vmem>>, vector<32x200xf32>
    %broadcast_in_dim3A = vector.shape_cast %get3A_5 : vector<32x200xf32> to vector<32x200x1xf32>
    %get3A_6 = arith.constant 0 : index
    %get3A_7 = arith.constant 0 : index
    %get3A_8 = vector.load %arg4[%get3A_6, %get3A_7] : memref<2x128xf32, #tpu.memory_space<vmem>>, vector<1x128xf32>
    %get3A_9 = vector.shape_cast %get3A_8 : vector<1x128xf32> to vector<128xf32>
    %broadcast_in_dim3A_10 = vector.shape_cast %get3A_9 : vector<128xf32> to vector<1x1x128xf32>
    %get3A_11 = arith.constant 1 : index
    %get3A_12 = arith.constant 0 : index
    %get3A_13 = vector.load %arg4[%get3A_11, %get3A_12] : memref<2x128xf32, #tpu.memory_space<vmem>>, vector<1x128xf32>
    %get3A_14 = vector.shape_cast %get3A_13 : vector<1x128xf32> to vector<128xf32>
    %broadcast_in_dim3A_15 = vector.shape_cast %get3A_14 : vector<128xf32> to vector<1x1x128xf32>
    %get3A_16 = arith.constant 0 : index
    %get3A_17 = arith.constant 0 : index
    %get3A_18 = arith.constant 0 : index
    %get3A_19 = vector.load %arg2[%get3A_16, %get3A_17, %get3A_18] : memref<1x200x128xf32, #tpu.memory_space<vmem>>, vector<1x200x128xf32>
    %add3A = vector.broadcast %get3A_19 : vector<1x200x128xf32> to vector<32x200x128xf32>
    %add3A_20 = arith.addf %get3A_2, %add3A : vector<32x200x128xf32>
    %add3A_21 = vector.broadcast %broadcast_in_dim3A_10 : vector<1x1x128xf32> to vector<32x200x128xf32>
    %add3A_22 = arith.addf %add3A_20, %add3A_21 : vector<32x200x128xf32>
    %sub3A = arith.subf %broadcast_in_dim3A_15, %broadcast_in_dim3A_10 : vector<1x1x128xf32>
    %mul3A = vector.broadcast %broadcast_in_dim3A : vector<32x200x1xf32> to vector<32x200x128xf32>
    %mul3A_23 = vector.broadcast %sub3A : vector<1x1x128xf32> to vector<32x200x128xf32>
    %mul3A_24 = arith.mulf %mul3A, %mul3A_23 : vector<32x200x128xf32>
    %add3A_25 = arith.addf %add3A_22, %mul3A_24 : vector<32x200x128xf32>
    %reduce_sum3A = arith.constant dense<0.000000e+00> : vector<32x200xf32>
    %reduce_sum3A_26 = vector.multi_reduction <add>, %add3A_25, %reduce_sum3A [2] : vector<32x200x128xf32> to vector<32x200xf32>
    %broadcast_in_dim3A_27 = vector.shape_cast %reduce_sum3A_26 : vector<32x200xf32> to vector<32x200x1xf32>
    %div3A = arith.constant 1.280000e+02 : f32
    %div3A_28 = vector.broadcast %div3A : f32 to vector<32x200x1xf32>
    %div3A_29 = arith.divf %broadcast_in_dim3A_27, %div3A_28 : vector<32x200x1xf32>
    %sub3A_30 = vector.broadcast %div3A_29 : vector<32x200x1xf32> to vector<32x200x128xf32>
    %sub3A_31 = arith.subf %add3A_25, %sub3A_30 : vector<32x200x128xf32>
    %mul3A_32 = arith.mulf %sub3A_31, %sub3A_31 : vector<32x200x128xf32>
    %reduce_sum3A_33 = arith.constant dense<0.000000e+00> : vector<32x200xf32>
    %reduce_sum3A_34 = vector.multi_reduction <add>, %mul3A_32, %reduce_sum3A_33 [2] : vector<32x200x128xf32> to vector<32x200xf32>
    %broadcast_in_dim3A_35 = vector.shape_cast %reduce_sum3A_34 : vector<32x200xf32> to vector<32x200x1xf32>
    %div3A_36 = arith.constant 1.280000e+02 : f32
    %div3A_37 = vector.broadcast %div3A_36 : f32 to vector<32x200x1xf32>
    %div3A_38 = arith.divf %broadcast_in_dim3A_35, %div3A_37 : vector<32x200x1xf32>
    %add3A_39 = arith.constant 9.99999996E-13 : f32
    %add3A_40 = vector.broadcast %add3A_39 : f32 to vector<32x200x1xf32>
    %add3A_41 = arith.addf %div3A_38, %add3A_40 : vector<32x200x1xf32>
    %rsqrt3A = math.rsqrt %add3A_41 : vector<32x200x1xf32>
    %mul3A_42 = vector.broadcast %rsqrt3A : vector<32x200x1xf32> to vector<32x200x128xf32>
    %mul3A_43 = arith.mulf %sub3A_31, %mul3A_42 : vector<32x200x128xf32>
    %get3A_44 = arith.constant 0 : index
    %get3A_45 = arith.constant 0 : index
    %get3A_46 = vector.load %arg5[%get3A_44, %get3A_45] : memref<1x128xf32, #tpu.memory_space<vmem>>, vector<1x128xf32>
    %broadcast_in_dim3A_47 = vector.shape_cast %get3A_46 : vector<1x128xf32> to vector<1x1x128xf32>
    %mul3A_48 = vector.broadcast %broadcast_in_dim3A_47 : vector<1x1x128xf32> to vector<32x200x128xf32>
    %mul3A_49 = arith.mulf %mul3A_43, %mul3A_48 : vector<32x200x128xf32>
    %get3A_50 = arith.constant 0 : index
    %get3A_51 = arith.constant 0 : index
    %get3A_52 = vector.load %arg6[%get3A_50, %get3A_51] : memref<1x128xf32, #tpu.memory_space<vmem>>, vector<1x128xf32>
    %broadcast_in_dim3A_53 = vector.shape_cast %get3A_52 : vector<1x128xf32> to vector<1x1x128xf32>
    %add3A_54 = vector.broadcast %broadcast_in_dim3A_53 : vector<1x1x128xf32> to vector<32x200x128xf32>
    %add3A_55 = arith.addf %mul3A_49, %add3A_54 : vector<32x200x128xf32>
    %swap3A = arith.constant 0 : index
    %swap3A_56 = arith.constant 0 : index
    %swap3A_57 = arith.constant 0 : index
    %swap3A_58 = vector.load %arg7[%swap3A, %swap3A_56, %swap3A_57] : memref<32x200x128xf32, #tpu.memory_space<vmem>>, vector<32x200x128xf32>
    tpu.vector_store %arg7[%swap3A, %swap3A_56, %swap3A_57], %add3A_55 {strides = array<i32>} : memref<32x200x128xf32, #tpu.memory_space<vmem>>, vector<32x200x128xf32>,
    return
  }
  func.func @transform_0(%arg0: i32) -> (i32, i32, i32) {
    %c0_i32 = arith.constant 0 : i32
    %c0_i32_0 = arith.constant 0 : i32
    %c0_i32_1 = arith.constant 0 : i32
    return %arg0, %c0_i32, %c0_i32_0 : i32, i32, i32
  }
  func.func @transform_1(%arg0: i32) -> (i32, i32, i32) {
    %c0_i32 = arith.constant 0 : i32
    %c0_i32_0 = arith.constant 0 : i32
    %c0_i32_1 = arith.constant 0 : i32
    %c0_i32_2 = arith.constant 0 : i32
    return %c0_i32, %c0_i32_0, %c0_i32_1 : i32, i32, i32
  }
  func.func @transform_2(%arg0: i32) -> (i32, i32) {
    %c0_i32 = arith.constant 0 : i32
    %c0_i32_0 = arith.constant 0 : i32
    return %arg0, %c0_i32 : i32, i32
  }
  func.func @transform_3(%arg0: i32) -> (i32, i32) {
    %c0_i32 = arith.constant 0 : i32
    %c0_i32_0 = arith.constant 0 : i32
    %c0_i32_1 = arith.constant 0 : i32
    return %c0_i32, %c0_i32_0 : i32, i32
  }
  func.func @transform_4(%arg0: i32) -> (i32, i32) {
    %c0_i32 = arith.constant 0 : i32
    %c0_i32_0 = arith.constant 0 : i32
    %c0_i32_1 = arith.constant 0 : i32
    return %c0_i32, %c0_i32_0 : i32, i32
  }
  func.func @transform_5(%arg0: i32) -> (i32, i32) {
    %c0_i32 = arith.constant 0 : i32
    %c0_i32_0 = arith.constant 0 : i32
    %c0_i32_1 = arith.constant 0 : i32
    return %c0_i32, %c0_i32_0 : i32, i32
  }
  func.func @transform_6(%arg0: i32) -> (i32, i32, i32) {
    %c0_i32 = arith.constant 0 : i32
    %c0_i32_0 = arith.constant 0 : i32
    %c0_i32_1 = arith.constant 0 : i32
    return %arg0, %c0_i32, %c0_i32_0 : i32, i32, i32
  }
}

</mosaic_0001>

<sc_bundles>
// kernel: kernel.4.cloned.1.call-start
scs
__scs_entry_jumppad:
0x0: {  	(pc) =	sbr.rel $0x88, $3  }
0x1: {  	(tag) =	ssettag $0x0;
	lr =	simm.s32 $0x1  }
0x2: {  	[smem:$0x3F9A] =	sst lr;
	_ =	strace $0xD0000000  }
0x3: {  	_ = 	snop  }
0x4: {  	_ = 	snop  }
0x5: {  	_ = 	snop  }
0x6: {  	_ = 	snop  }
0x7: {  	_ = 	snop  }
__scs_overlays_trampoline_lowered:
0x8: {  	[smem:$0x3FA9] =	sst s0  }
0x9: {  	[smem:$0x3FAA] =	sst s1  }
0xa: {  	[smem:$0x3FAB] =	sst s2  }
0xb: {  	[smem:$0x3FAC] =	sst s3  }
0xc: {  	[smem:$0x3FAD] =	sst s4  }
0xd: {  	[smem:$0x3FAE] =	sst s5  }
0xe: {  	[smem:$0x3FAF] =	sst s6  }
0xf: {  	[smem:$0x3FB0] =	sst s7  }
0x10: {  	[smem:$0x3FB1] =	sst s8  }
0x11: {  	[smem:$0x3FB2] =	sst s9;
	s0 =	simm.s32 @!p0 $0x0  }
0x12: {  	s1 =	sld [smem:$0x3F98];
	s0 =	simm.s32 @p0 $0x1  }
0x13: {  	[smem:$0x3FB3] =	sst s0;
	s0 =	simm.s32 @!p1 $0x0  }
0x14: {  	s2 =	sld [smem:$0x3F97];
	s0 =	simm.s32 @p1 $0x1  }
0x15: {  	[smem:$0x3FB4] =	sst s0;
	s0 =	simm.s32 @!p2 $0x0  }
0x16: {  	s3 =	sld [smem:$0x3FDB];
	s0 =	simm.s32 @p2 $0x1  }
0x17: {  	s4 =	simm.s32 $0x1BF5;
	[smem:$0x3FB6] =	sst s0  }
0x18: {  	s0 =	sld [smem:$0x3F99];
	_ =	swait.ge [sflag:s4], $0x0  }
0x19: {  	s7 =	sld [smem:$0x3F9A]  }
0x1a: {  	s8 =	sadd.s32 $0xFFFFE003, lr  }
0x1b: {  	s9 =	sadd.s32 $0xFFFFFEF7, lr;
	s5 =	simm.s32 $0xFFFFFFFF;
	p2 =	slt.u32 s8, $0xFFFFF086  }
0x1c: {  	p1 =	slt.u32 s9, $0xF7A;
	s5 =	simm.s32 @!p2 $0x0  }
0x1d: {  	s5 =	simm.s32 @p1 $0x1;
	p0 =	seq.s32 s7, s2  }
0x1e: {  	s7 =	smul.u32 @!p0 $0xF7A, s2;
	p2 =	seq.s32 @!p0 s5, $0x0  }
0x1f: {  	s9 =	smul.u32 $0xF7A, s1;
	s8 =	simm.s32 @!p0 $0x1BF5;
	p2 =	por !p2, p0  }
0x20: {  	[sflag:s8] =	ssyncset.s32 @!p0 $0xFFFFF086;
	s6 =	sadd.s32 @!p0 s3, s7;
	s7 =	simm.s32 @!p0 $0x108  }
0x21: {  	s3 =	sadd.s32 s3, s9;
	s6 =	sadd.s32 @!p0 $0x88, s6;
	s7 =	simm.s32 @p2 $0x1082  }
0x22: {  	[simem:s7], [sflag:s8] =	dma.local @!p0 [hbm:s6], $0xF7A  }
0x23: {  	s9 =	sor.u32 $0xD0000000, s2;
	s6 =	simm.s32 $0x108;
	_ =	swait.ge @!p0 [sflag:s8], $0x0  }
0x24: {  	s3 =	sadd.s32 $0x88, s3;
	s6 =	simm.s32 @!p1 $0x1082;
	[sflag:s4] =	ssyncset.s32 $0xFFFFF086  }
0x25: {  	[simem:s6], [sflag:s4] =	dma.local [hbm:s3], $0xF7A  }
0x26: {  	[smem:$0x3F9A] =	sst s1;
	(tag) =	ssettag s2;
	_ =	strace s9  }
0x27: {  	s1 =	sld [smem:$0x3FAA]  }
0x28: {  	s2 =	sld [smem:$0x3FAB]  }
0x29: {  	s4 =	sld [smem:$0x3FAD]  }
0x2a: {  	p0 =	seq.s32 s5, $0x0;
	s5 =	sld [smem:$0x3FAE]  }
0x2b: {  	s6 =	sld [smem:$0x3FAF]  }
0x2c: {  	s7 =	sld [smem:$0x3FB0]  }
0x2d: {  	s3 =	simm.s32 $0x108;
	s8 =	sld [smem:$0x3FB1]  }
0x2e: {  	s3 =	simm.s32 @!p0 $0x1082;
	s9 =	sld [smem:$0x3FB2]  }
0x2f: {  	lr =	sadd.s32 s0, s3;
	s0 =	sld [smem:$0x3FA9]  }
0x30: {  	s3 =	sld [smem:$0x3FAC]  }
0x31: {  	[smem:$0x3FB5] =	sst s10  }
0x32: {  	s10 =	sld [smem:$0x3FB3];
	_ =	sdelay $0x3  }
0x33: {  	p0 =	seq.s32 s10, $0x1;
	s10 =	sld [smem:$0x3FB5];
	_ =	sdelay $0x3  }
0x34: {  	[smem:$0x3FB5] =	sst s10  }
0x35: {  	s10 =	sld [smem:$0x3FB4];
	_ =	sdelay $0x3  }
0x36: {  	p1 =	seq.s32 s10, $0x1;
	s10 =	sld [smem:$0x3FB5];
	_ =	sdelay $0x3  }
0x37: {  	[smem:$0x3FB5] =	sst s10  }
0x38: {  	s10 =	sld [smem:$0x3FB6]  }
0x39: {  	_ = 	snop;
	(pc) =	sbr.ind lr, $3  }
0x3a: {  	_ = 	snop  }
0x3b: {  	_ = 	snop  }
0x3c: {  	p2 =	seq.s32 s10, $0x1;
	s10 =	sld [smem:$0x3FB5]  }
0x3d: {  	_ =	shalt  }
0x3e: {  	_ =	shalt  }
0x3f: {  	_ =	shalt  }
0x40: {  	_ =	shalt  }
0x41: {  	_ =	shalt  }
0x42: {  	_ =	shalt  }
0x43: {  	_ =	shalt  }
0x44: {  	_ =	shalt  }
0x45: {  	_ =	shalt  }
0x46: {  	_ =	shalt  }
0x47: {  	_ =	shalt  }
0x48: {  	_ =	shalt  }
0x49: {  	_ =	shalt  }
0x4a: {  	_ =	shalt  }
0x4b: {  	_ =	shalt  }
0x4c: {  	_ =	shalt  }
0x4d: {  	_ =	shalt  }
0x4e: {  	_ =	shalt  }
0x4f: {  	_ =	shalt  }
0x50: {  	_ =	shalt  }
0x51: {  	_ =	shalt  }
0x52: {  	_ =	shalt  }
0x53: {  	_ =	shalt  }
0x54: {  	_ =	shalt  }
0x55: {  	_ =	shalt  }
0x56: {  	_ =	shalt  }
0x57: {  	_ =	shalt  }
0x58: {  	_ =	shalt  }
0x59: {  	_ =	shalt  }
0x5a: {  	_ =	shalt  }
0x5b: {  	_ =	shalt  }
0x5c: {  	_ =	shalt  }
0x5d: {  	_ =	shalt  }
0x5e: {  	_ =	shalt  }
0x5f: {  	_ =	shalt  }
0x60: {  	_ =	shalt  }
0x61: {  	_ =	shalt  }
0x62: {  	_ =	shalt  }
0x63: {  	_ =	shalt  }
0x64: {  	_ =	shalt  }
0x65: {  	_ =	shalt  }
0x66: {  	_ =	shalt  }
0x67: {  	_ =	shalt  }
0x68: {  	_ =	shalt  }
0x69: {  	_ =	shalt  }
0x6a: {  	_ =	shalt  }
0x6b: {  	_ =	shalt  }
0x6c: {  	_ =	shalt  }
0x6d: {  	_ =	shalt  }
0x6e: {  	_ =	shalt  }
0x6f: {  	_ =	shalt  }
0x70: {  	_ =	shalt  }
0x71: {  	_ =	shalt  }
0x72: {  	_ =	shalt  }
0x73: {  	_ =	shalt  }
0x74: {  	_ =	shalt  }
0x75: {  	_ =	shalt  }
0x76: {  	_ =	shalt  }
0x77: {  	_ =	shalt  }
0x78: {  	_ =	shalt  }
0x79: {  	_ =	shalt  }
0x7a: {  	_ =	shalt  }
0x7b: {  	_ =	shalt  }
0x7c: {  	_ =	shalt  }
0x7d: {  	_ =	shalt  }
0x7e: {  	_ =	shalt  }
0x7f: {  	_ =	shalt  }
0x80: {  	_ =	shalt  }
0x81: {  	_ =	shalt  }
0x82: {  	_ =	shalt  }
0x83: {  	_ =	shalt  }
0x84: {  	_ =	shalt  }
0x85: {  	_ =	shalt  }
0x86: {  	_ =	shalt  }
0x87: {  	_ =	shalt  }
.Lfunc_end0:
.L_simem_size_0:
called_computation_lowered:
.L_overlay_start_0:
0x88: {  	s2 =	sld [smem:$0x3FD9]  }
0x89: {  	s3 =	sld [smem:$0x3FFE];
	_ =	sdelay $0x1  }
0x8a: {  	s1 =	srdreg.scid  }
0x8b: {  	s0 =	sand.u32 $0x1, s1  }
0x8c: {  	s17 =	sshll.u32 s0, $0xA;
	s2 =	sadd.s32 s3, s2  }
0x8d: {  	s2 =	sadd.s32 s2, s17  }
0x8e: {  	[smem:$0x3FC1] =	sst s2  }
0x8f: {  	_ = 	snop  }
0x90: {  	s2 =	sld [smem:$0x3FC7]  }
0x91: {  	s18 =	sld [smem:$0x3FD0];
	(tm) =	ssettm $0x1  }
0x92: {  	s4 =	sld [smem:$0x3FFB];
	_ =	sdelay $0x3  }
0x93: {  	_ =	strace s4  }
0x94: {  	s4 =	sld [smem:$0x3FFC];
	_ =	sdelay $0x3  }
0x95: {  	_ =	strace s4  }
0x96: {  	s4 =	sld [smem:$0x3FFD];
	_ =	sdelay $0x3  }
0x97: {  	_ =	strace s4  }
0x98: {  	_ =	strace $0x8FFFFFFF  }
0x99: {  	s19 =	sld [smem:$0x3FDB];
	_ =	sdelay $0x1  }
0x9a: {  	s5 =	simm.s32 $_scs_section_size  }
0x9b: {  	s6 =	simm.s32 $_size__tile_overlayer_lowered;
	s7 =	simm.s32 $_tile_overlayer_lowered  }
0x9c: {  	s22 =	simm.s32 $0x1BFF;
	s21 =	sshll.u32 s7, $0x1;
	s4 =	sadd.s32 s5, s19  }
0x9d: {  	s8 =	simm.s32 $0x0;
	s20 =	sshll.u32 s6, $0x1;
	s6 =	sadd.s32 s21, s4  }
0x9e: {  	[timem:s8], [sflag:s22] =	dma.local [hbm:s6], s20  }
0x9f: {  	_ =	swait.ge [sflag:s22], s20  }
0xa0: {  	s5 =	ssub.s32 $0x0, s20;
	[sflag:s22] =	ssyncset.done $0x0  }
0xa1: {  	[sflag:s22] =	ssyncadd.s32 s5;
	_ =	sdelay $0x1  }
0xa2: {  	s23 =	simm.s32 $0x1B8B  }
0xa3: {  	_ =	swait.ge [sflag:s23], $0x1  }
0xa4: {  	[sflag:s23] =	ssyncset.done $0x0  }
0xa5: {  	s25 =	simm.s32 $0x1B8E;
	s24 =	sld [smem:$0x3FFE];
	[sflag:s23] =	ssyncadd.s32 $0xFFFFFFFF  }
0xa6: {  	s26 =	simm.s32 $execute0_lowered;
	[smem:$0x3FD2] =	sst s25  }
0xa7: {  	s6 =	sshll.u32 s26, $0x1;
	_ =	strace $0x80000046;
	[dreg:$0x1] =	wrdreg $0xFFFFFFFF  }
0xa8: {  	s28 =	simm.s32 $_size_execute0_lowered;
	s4 =	sadd.s32 s4, s6;
	[dreg:$0x0] =	wrdreg $0x0  }
0xa9: {  	s6 =	sshll.u32 s28, $0x1;
	[dreg:$0x2] =	wrdreg s4  }
0xaa: {  	[dreg:$0x3] =	wrdreg s6  }
0xab: {  	[dreg:$0x4] =	wrdreg $0xC0  }
0xac: {  	_ =	task [dreg:s8], $0x5FFFF  }
0xad: {  	[dreg:$0x1] =	wrdreg $0xFFFFFFFF  }
0xae: {  	[dreg:$0x0] =	wrdreg $0x60  }
0xaf: {  	[dreg:$0x2] =	wrdreg s18  }
0xb0: {  	[dreg:$0x3] =	wrdreg s2  }
0xb1: {  	[dreg:$0x4] =	wrdreg s24  }
0xb2: {  	[dreg:$0x5] =	wrdreg $0x9  }
0xb3: {  	_ =	task.clear_ibuf [dreg:s8], $0x6FFFF;
	_ =	strace $0x90000046  }
0xb4: {  	s29 =	simm.s32 $0x9;
	_ =	strace $0x80000048  }
0xb5: {  	_ =	swait.ge [sflag:s29], $0x1  }
0xb6: {  	[sflag:s29] =	ssyncadd.s32 $0xFFFFFFFF  }
0xb7: {  	_ =	strace $0x90000048  }
0xb8: {  	_ =	sfence  }
0xb9: {  	s30 =	sld [smem:$0x0];
	_ =	sdelay $0x2  }
0xba: {  	s31 =	sshll.u32 s1, $0xD;
	s1 =	sshrl.u32 s1, $0x2  }
0xbb: {  	s3 =	sand.u32 $0x4000, s31;
	s1 =	sadd.s32 s1, s30  }
0xbc: {  	s0 =	sor.u32 s3, s0;
	s1 =	sshll.u32 s1, $0x11  }
0xbd: {  	s0 =	sor.u32 s1, s0  }
0xbe: {  	s0 =	sadd.s32 $0x8F2B, s0  }
0xbf: {  	[sflag:s0] =	ssyncadd.remote.s32 $0x1  }
0xc0: {  	_ =	sfence.sel $0xFFFF  }
0xc1: {  	[dreg:$0x0] =	wrdreg $0xFFFFFFFF;
	(pc) =	sbr.abs _section_cstart, $3  }
0xc2: {  	[dreg:$0x1] =	wrdreg $0xFFFFFFFF  }
0xc3: {  	_ =	task.clear_ibuf [dreg:s8], $0x2FFFF;
	_ =	strace $0x9FFFFFFF  }
0xc4: {  	(tm) =	ssettm $0x7FFFFFFF  }
0xc5: {  	_ =	shalt  }
tec
execute0_lowered:
.L_overlay_start_1:
0x0: {  	(tag) =	ssettag $0x1  }
0x1: {  	s0 =	srdreg.scid;
	s23 =	stileid.u32  }
0x2: {  	s1 =	sand.u32 $0x1, s0;
	s6 =	sshll.u32 s23, $0x1  }
0x3: {  	s0 =	sor.u32 s1, s6  }
0x4: {  	s4 =	rddreg [dreg:$0x0];
	s6 =	smul.u32 $0x320, s0  }
0x5: {  	s5 =	rddreg [dreg:$0x2];
	s2 =	simm.s32 $0x0;
	s7 =	smul.u32 $0x19000, s0  }
0x6: {  	[smem:$0x7FF] =	sst s2;
	s0 =	smul.u32 $0xC8000, s0  }
0x7: {  	s3 =	rddreg [dreg:$0x1];
	s5 =	sadd.s32 $0xC00, s5;
	_ =	strace $0x80000047  }
0x8: {  	s4 =	sadd.s32 s4, s6;
	s30 =	sadd.s32 s5, s7;
	s0 =	sshrl.u32 s0, $0x3  }
0x9: {  	[dreg:$0x4] =	wrdreg s4;
	s7 =	sadd.s32 $0x800, s30;
	s4 =	sadd.s32 s5, s0  }
0xa: {  	[dreg:$0x5] =	wrdreg s7;
	s0 =	sadd.s32 $0x1000, s4  }
0xb: {  	s8 =	sadd.s32 $0x1800, s4;
	[dreg:$0x6] =	wrdreg s0  }
0xc: {  	s9 =	sadd.s32 $0x2000, s4;
	[dreg:$0x7] =	wrdreg s8  }
0xd: {  	s10 =	sadd.s32 $0x2800, s4;
	[dreg:$0x8] =	wrdreg s9  }
0xe: {  	s11 =	sadd.s32 $0x3000, s4;
	[dreg:$0x9] =	wrdreg s10  }
0xf: {  	s12 =	sadd.s32 $0x3800, s4;
	[dreg:$0xa] =	wrdreg s11  }
0x10: {  	s13 =	sadd.s32 $0x4000, s4;
	[dreg:$0xb] =	wrdreg s12  }
0x11: {  	s14 =	sadd.s32 $0x4800, s4;
	[dreg:$0xc] =	wrdreg s13  }
0x12: {  	s15 =	sadd.s32 $0x5000, s4;
	[dreg:$0xd] =	wrdreg s14  }
0x13: {  	s16 =	sadd.s32 $0x5800, s4;
	[dreg:$0xe] =	wrdreg s15  }
0x14: {  	s17 =	sadd.s32 $0x6000, s4;
	[dreg:$0xf] =	wrdreg s16  }
0x15: {  	s18 =	sadd.s32 $0x6800, s4;
	[dreg:$0x10] =	wrdreg s17  }
0x16: {  	s19 =	sadd.s32 $0x7000, s4;
	[dreg:$0x11] =	wrdreg s18  }
0x17: {  	s20 =	sadd.s32 $0x7800, s4;
	[dreg:$0x12] =	wrdreg s19  }
0x18: {  	s21 =	sadd.s32 $0x8000, s4;
	[dreg:$0x13] =	wrdreg s20  }
0x19: {  	s22 =	sadd.s32 $0x8800, s4;
	[dreg:$0x14] =	wrdreg s21  }
0x1a: {  	s24 =	sadd.s32 $0x9000, s4;
	[dreg:$0x15] =	wrdreg s22  }
0x1b: {  	s25 =	sadd.s32 $0x9800, s4;
	[dreg:$0x16] =	wrdreg s24  }
0x1c: {  	s26 =	sadd.s32 $0xA000, s4;
	[dreg:$0x17] =	wrdreg s25  }
0x1d: {  	s5 =	sadd.s32 $0xA800, s4;
	[dreg:$0x18] =	wrdreg s26  }
0x1e: {  	s6 =	sadd.s32 $0xB000, s4;
	[dreg:$0x19] =	wrdreg s5  }
0x1f: {  	s7 =	sadd.s32 $0xB800, s4;
	[dreg:$0x1a] =	wrdreg s6  }
0x20: {  	[dreg:$0x1b] =	wrdreg s7  }
0x21: {  	s8 =	sadd.s32 $0xC000, s4;
	s0 =	rddreg [dreg:$0x4]  }
0x22: {  	s9 =	sadd.s32 $0xC800, s4;
	[dreg:$0x1c] =	wrdreg s8  }
0x23: {  	s10 =	sadd.s32 $0xD000, s4;
	[dreg:$0x1d] =	wrdreg s9  }
0x24: {  	s11 =	sadd.s32 $0xD800, s4;
	[dreg:$0x1e] =	wrdreg s10  }
0x25: {  	s12 =	sadd.s32 $0xE000, s4;
	[dreg:$0x1f] =	wrdreg s11  }
0x26: {  	s13 =	sadd.s32 $0xE800, s4;
	[smem:$0x7BE] =	sst s12  }
0x27: {  	s14 =	sadd.s32 $0xF000, s4;
	[smem:$0x7BF] =	sst s13  }
0x28: {  	s15 =	sadd.s32 $0xF800, s4;
	[smem:$0x7C0] =	sst s14  }
0x29: {  	s16 =	sadd.s32 $0x10000, s4;
	[smem:$0x7C1] =	sst s15  }
0x2a: {  	s17 =	sadd.s32 $0x10800, s4;
	[smem:$0x7C2] =	sst s16  }
0x2b: {  	s18 =	sadd.s32 $0x11000, s4;
	[smem:$0x7C3] =	sst s17  }
0x2c: {  	s19 =	sadd.s32 $0x11800, s4;
	[smem:$0x7C4] =	sst s18  }
0x2d: {  	s20 =	sadd.s32 $0x12000, s4;
	[smem:$0x7C5] =	sst s19  }
0x2e: {  	s21 =	sadd.s32 $0x12800, s4;
	[smem:$0x7C6] =	sst s20  }
0x2f: {  	s22 =	sadd.s32 $0x13000, s4;
	[smem:$0x7C7] =	sst s21  }
0x30: {  	s24 =	sadd.s32 $0x13800, s4;
	[smem:$0x7C8] =	sst s22  }
0x31: {  	s25 =	sadd.s32 $0x14000, s4;
	[smem:$0x7C9] =	sst s24  }
0x32: {  	s26 =	sadd.s32 $0x14800, s4;
	[smem:$0x7CA] =	sst s25  }
0x33: {  	s5 =	sadd.s32 $0x15000, s4;
	[smem:$0x7CB] =	sst s26  }
0x34: {  	s6 =	sadd.s32 $0x15800, s4;
	[smem:$0x7CC] =	sst s5  }
0x35: {  	s7 =	sadd.s32 $0x16000, s4;
	[smem:$0x7CD] =	sst s6  }
0x36: {  	[smem:$0x7CE] =	sst s7;
	s8 =	sadd.s32 $0x16800, s4  }
0x37: {  	s9 =	sadd.s32 $0x17000, s4;
	[smem:$0x7CF] =	sst s8  }
0x38: {  	s10 =	sadd.s32 $0x17800, s4;
	[smem:$0x7D0] =	sst s9  }
0x39: {  	s11 =	sadd.s32 $0x18000, s4;
	[smem:$0x7D1] =	sst s10  }
0x3a: {  	s12 =	sadd.s32 $0x18800, s4;
	[smem:$0x7D2] =	sst s11  }
0x3b: {  	s13 =	simm.s32 $0x100;
	[smem:$0x7D3] =	sst s12  }
0x3c: {  	s14 =	simm.s32 $0x180;
	[smem:$0x7D4] =	sst s13  }
0x3d: {  	s15 =	simm.s32 $0x200;
	[smem:$0x7D5] =	sst s14  }
0x3e: {  	s16 =	simm.s32 $0x280;
	[smem:$0x7D6] =	sst s15  }
0x3f: {  	s17 =	simm.s32 $0x300;
	[smem:$0x7D7] =	sst s16  }
0x40: {  	s18 =	simm.s32 $0x380;
	[smem:$0x7D8] =	sst s17  }
0x41: {  	s19 =	simm.s32 $0x400;
	[smem:$0x7D9] =	sst s18  }
0x42: {  	s20 =	simm.s32 $0x480;
	[smem:$0x7DA] =	sst s19  }
0x43: {  	s21 =	simm.s32 $0x500;
	[smem:$0x7DB] =	sst s20  }
0x44: {  	s22 =	simm.s32 $0x580;
	[smem:$0x7DC] =	sst s21  }
0x45: {  	s24 =	simm.s32 $0x600;
	[smem:$0x7DD] =	sst s22  }
0x46: {  	s25 =	simm.s32 $0x680;
	[smem:$0x7DE] =	sst s24  }
0x47: {  	s26 =	simm.s32 $0x700;
	[smem:$0x7DF] =	sst s25  }
0x48: {  	s4 =	simm.s32 $0x780;
	[smem:$0x7E0] =	sst s26  }
0x49: {  	s5 =	simm.s32 $0x800;
	[smem:$0x7E1] =	sst s4  }
0x4a: {  	s6 =	simm.s32 $0x880;
	[smem:$0x7E2] =	sst s5  }
0x4b: {  	s7 =	simm.s32 $0x900;
	[smem:$0x7E3] =	sst s6  }
0x4c: {  	s31 =	simm.s32 $0xD;
	[smem:$0x7E4] =	sst s7;
	s8 =	simm.s32 $0x980  }
0x4d: {  	p0 =	por $0x0, $0x0;
	s9 =	simm.s32 $0xA00;
	[smem:$0x7E5] =	sst s8  }
0x4e: {  	s29 =	simm.s32 $0x1680;
	s10 =	simm.s32 $0xA80;
	[smem:$0x7E6] =	sst s9  }
0x4f: {  	s28 =	simm.s32 $0x1700;
	s12 =	simm.s32 $0xB00;
	[smem:$0x7E7] =	sst s10  }
0x50: {  	s1 =	ssub.s32 $0x2, s1;
	s13 =	simm.s32 $0xB80;
	[smem:$0x7E8] =	sst s12  }
0x51: {  	s11 =	sshrl.u32 s1, $0x1;
	s14 =	simm.s32 $0xC00;
	[smem:$0x7E9] =	sst s13  }
0x52: {  	s15 =	simm.s32 $0xC80;
	s16 =	simm.s32 $0xD00;
	[smem:$0x7EA] =	sst s14  }
0x53: {  	s5 =	simm.s32 $0x1900;
	s17 =	simm.s32 $0xD80;
	[smem:$0x7EB] =	sst s15  }
0x54: {  	s4 =	simm.s32 $0x5900;
	s18 =	simm.s32 $0xE00;
	[smem:$0x7EC] =	sst s16  }
0x55: {  	s19 =	simm.s32 $0xE80;
	s20 =	simm.s32 $0xF00;
	[smem:$0x7ED] =	sst s17  }
0x56: {  	s21 =	simm.s32 $0xF80;
	s22 =	simm.s32 $0x1000;
	[smem:$0x7EE] =	sst s18  }
0x57: {  	s24 =	simm.s32 $0x1080;
	s25 =	simm.s32 $0x1100;
	[smem:$0x7EF] =	sst s19  }
0x58: {  	s26 =	simm.s32 $0x1180;
	s6 =	simm.s32 $0x7;
	[smem:$0x7F0] =	sst s20  }
0x59: {  	s7 =	simm.s32 $0x1200;
	s1 =	ssub.s32 s1, s11;
	[smem:$0x7F1] =	sst s21  }
0x5a: {  	s8 =	simm.s32 $0x80;
	s15 =	simm.s32 $0x9900;
	[smem:$0x7F2] =	sst s22  }
0x5b: {  	s13 =	simm.s32 $0xD900;
	s9 =	simm.s32 $0x1;
	[smem:$0x7F3] =	sst s24  }
0x5c: {  	s11 =	simm.s32 $0x11900;
	s10 =	simm.s32 $0x2;
	[smem:$0x7F4] =	sst s25  }
0x5d: {  	s12 =	simm.s32 $0x15900;
	s22 =	simm.s32 $0x3;
	[smem:$0x7F5] =	sst s26  }
0x5e: {  	s21 =	simm.s32 $0x4;
	[smem:$0x7F6] =	sst s7;
	s14 =	simm.s32 $0x1280  }
0x5f: {  	s7 =	simm.s32 $0x8;
	s16 =	simm.s32 $0x1300;
	s19 =	simm.s32 $0x5  }
0x60: {  	s17 =	simm.s32 $0x1380;
	s18 =	simm.s32 $0x1400;
	[smem:$0x7F7] =	sst s14  }
0x61: {  	s20 =	simm.s32 $0x6;
	s1 =	smax.u32 s1, $0x1;
	[smem:$0x7F8] =	sst s16  }
0x62: {  	s24 =	simm.s32 $0x1480;
	[smem:$0x7F9] =	sst s17;
	p1 =	sne.s32 s1, $0x1  }
.Ltmp0:
0x63: {  	s25 =	simm.s32 $0x1500;
	[smem:$0x7FA] =	sst s18;
	(pc) =	sbr.rel @!p1 .LBB2_1-.Ltmp0, $4  }
0x64: {  	s26 =	simm.s32 $0x1580;
	s14 =	simm.s32 $0x9;
	[smem:$0x7FB] =	sst s24  }
0x65: {  	s16 =	simm.s32 $0xA;
	s17 =	simm.s32 $0xB;
	[smem:$0x7FC] =	sst s25  }
0x66: {  	[smem:$0x7FD] =	sst s26;
	s18 =	simm.s32 $0xC;
	s26 =	simm.s32 $0x1780  }
0x67: {  	s25 =	simm.s32 $0x1800;
	s24 =	simm.s32 $0x1880;
	s1 =	sadd.s32 $0xFFFFFFFF, s1  }
0x68: {  	[tilespmem:s2], [sflag:$0xD] =	stream.linear.gather [hbm4b:s0+s2], $0x1900, $0x38;
	[tilespmem:$0x19900] =	vst v63  }
0x69: {  	_ =	swait.ge [sflag:s31], $0x1900  }
0x6a: {  	[sflag:s31] =	ssyncset.done $0x0  }
0x6b: {  	[sflag:s31] =	ssyncadd.s32 $0xFFFFE700  }
0x6c: {  	[tilespmem:s5], [sflag:$0x1] =	stream.indirect.gather [hbm4b:s3+s8], $0x80, s2, s8, $0xb8;
	[tilespmem:$0x19900] =	vst v63  }
0x6d: {  	s0 =	sld [smem:$0x7D4]  }
0x6e: {  	[tilespmem:s4], [sflag:$0x2] =	stream.indirect.gather [hbm4b:s3+s8], $0x80, s8, s8, $0xb8;
	[tilespmem:$0x19900] =	vst v63  }
0x6f: {  	s23 =	smov.u32 s1;
	s1 =	sld [smem:$0x7D5]  }
0x70: {  	[tilespmem:s15], [sflag:$0x3] =	stream.indirect.gather [hbm4b:s3+s8], $0x80, s0, s8, $0xb8;
	[tilespmem:$0x19900] =	vst v63  }
0x71: {  	_ = 	snop  }
0x72: {  	[tilespmem:s13], [sflag:$0x4] =	stream.indirect.gather [hbm4b:s3+s8], $0x80, s1, s8, $0xb8;
	[tilespmem:$0x19900] =	vst v63  }
0x73: {  	_ =	swait.ge [sflag:s9], $0x4000  }
0x74: {  	[sflag:s9] =	ssyncset.done $0x0  }
0x75: {  	s1 =	sld [smem:$0x7D6];
	[sflag:s9] =	ssyncadd.s32 $0xFFFFC000  }
0x76: {  	[hbm4b:s30+s2] =	stream.linear.scatter [tilespmem:s5], [sflag:$0x7], $0x4000, $0x38;
	[tilespmem:$0x19900] =	vst v63  }
0x77: {  	_ = 	snop  }
0x78: {  	[tilespmem:s11], [sflag:$0x5] =	stream.indirect.gather [hbm4b:s3+s8], $0x80, s1, s8, $0xb8;
	[tilespmem:$0x19900] =	vst v63  }
0x79: {  	_ =	swait.ge [sflag:s10], $0x4000  }
0x7a: {  	s0 =	rddreg [dreg:$0x5];
	[sflag:s10] =	ssyncset.done $0x0  }
0x7b: {  	s1 =	sld [smem:$0x7D7];
	[sflag:s10] =	ssyncadd.s32 $0xFFFFC000  }
0x7c: {  	[hbm4b:s0+s2] =	stream.linear.scatter [tilespmem:s4], [sflag:$0x8], $0x4000, $0x38;
	[tilespmem:$0x19900] =	vst v63  }
0x7d: {  	_ = 	snop  }
0x7e: {  	[tilespmem:s12], [sflag:$0x6] =	stream.indirect.gather [hbm4b:s3+s8], $0x80, s1, s8, $0xb8;
	[tilespmem:$0x19900] =	vst v63  }
0x7f: {  	_ =	swait.ge [sflag:s22], $0x4000  }
0x80: {  	[sflag:s22] =	ssyncset.done $0x0  }
0x81: {  	s1 =	rddreg [dreg:$0x6];
	[sflag:s22] =	ssyncadd.s32 $0xFFFFC000  }
0x82: {  	[hbm4b:s1+s2] =	stream.linear.scatter [tilespmem:s15], [sflag:$0x9], $0x4000, $0x38;
	[tilespmem:$0x19900] =	vst v63  }
0x83: {  	_ =	swait.ge [sflag:s6], $0x4000  }
0x84: {  	s1 =	sld [smem:$0x7D8]  }
0x85: {  	[sflag:s6] =	ssyncset.done $0x0  }
0x86: {  	[sflag:s6] =	ssyncadd.s32 $0xFFFFC000  }
0x87: {  	[tilespmem:s5], [sflag:$0x1] =	stream.indirect.gather [hbm4b:s3+s8], $0x80, s1, s8, $0xb8;
	[tilespmem:$0x19900] =	vst v63  }
0x88: {  	_ =	swait.ge [sflag:s21], $0x4000  }
0x89: {  	[sflag:s21] =	ssyncset.done $0x0  }
0x8a: {  	s1 =	rddreg [dreg:$0x7];
	[sflag:s21] =	ssyncadd.s32 $0xFFFFC000  }
0x8b: {  	[hbm4b:s1+s2] =	stream.linear.scatter [tilespmem:s13], [sflag:$0xA], $0x4000, $0x38;
	[tilespmem:$0x19900] =	vst v63  }
0x8c: {  	_ =	swait.ge [sflag:s7], $0x4000  }
0x8d: {  	s1 =	sld [smem:$0x7D9]  }
0x8e: {  	[sflag:s7] =	ssyncset.done $0x0  }
0x8f: {  	[sflag:s7] =	ssyncadd.s32 $0xFFFFC000  }
0x90: {  	[tilespmem:s4], [sflag:$0x2] =	stream.indirect.gather [hbm4b:s3+s8], $0x80, s1, s8, $0xb8;
	[tilespmem:$0x19900] =	vst v63  }
0x91: {  	_ =	swait.ge [sflag:s19], $0x4000  }
0x92: {  	[sflag:s19] =	ssyncset.done $0x0  }
0x93: {  	s1 =	rddreg [dreg:$0x8];
	[sflag:s19] =	ssyncadd.s32 $0xFFFFC000  }
0x94: {  	[hbm4b:s1+s2] =	stream.linear.scatter [tilespmem:s11], [sflag:$0xB], $0x4000, $0x38;
	[tilespmem:$0x19900] =	vst v63  }
0x95: {  	_ =	swait.ge [sflag:s14], $0x4000  }
0x96: {  	s1 =	sld [smem:$0x7DA]  }
0x97: {  	[sflag:s14] =	ssyncset.done $0x0  }
0x98: {  	[sflag:s14] =	ssyncadd.s32 $0xFFFFC000  }
0x99: {  	[tilespmem:s15], [sflag:$0x3] =	stream.indirect.gather [hbm4b:s3+s8], $0x80, s1, s8, $0xb8;
	[tilespmem:$0x19900] =	vst v63  }
0x9a: {  	_ =	swait.ge [sflag:s20], $0x4000  }
0x9b: {  	[sflag:s20] =	ssyncset.done $0x0  }
0x9c: {  	s1 =	rddreg [dreg:$0x9];
	[sflag:s20] =	ssyncadd.s32 $0xFFFFC000  }
0x9d: {  	[hbm4b:s1+s2] =	stream.linear.scatter [tilespmem:s12], [sflag:$0xC], $0x4000, $0x38;
	[tilespmem:$0x19900] =	vst v63  }
0x9e: {  	_ =	swait.ge [sflag:s16], $0x4000  }
0x9f: {  	s1 =	sld [smem:$0x7DB]  }
0xa0: {  	[sflag:s16] =	ssyncset.done $0x0  }
0xa1: {  	[sflag:s16] =	ssyncadd.s32 $0xFFFFC000  }
0xa2: {  	[tilespmem:s13], [sflag:$0x4] =	stream.indirect.gather [hbm4b:s3+s8], $0x80, s1, s8, $0xb8;
	[tilespmem:$0x19900] =	vst v63  }
0xa3: {  	_ =	swait.ge [sflag:s9], $0x4000  }
0xa4: {  	[sflag:s9] =	ssyncset.done $0x0  }
0xa5: {  	s1 =	rddreg [dreg:$0xa];
	[sflag:s9] =	ssyncadd.s32 $0xFFFFC000  }
0xa6: {  	[hbm4b:s1+s2] =	stream.linear.scatter [tilespmem:s5], [sflag:$0x7], $0x4000, $0x38;
	[tilespmem:$0x19900] =	vst v63  }
0xa7: {  	_ =	swait.ge [sflag:s17], $0x4000  }
0xa8: {  	s1 =	sld [smem:$0x7DC]  }
0xa9: {  	[sflag:s17] =	ssyncset.done $0x0  }
0xaa: {  	[sflag:s17] =	ssyncadd.s32 $0xFFFFC000  }
0xab: {  	[tilespmem:s11], [sflag:$0x5] =	stream.indirect.gather [hbm4b:s3+s8], $0x80, s1, s8, $0xb8;
	[tilespmem:$0x19900] =	vst v63  }
0xac: {  	_ =	swait.ge [sflag:s10], $0x4000  }
0xad: {  	[sflag:s10] =	ssyncset.done $0x0  }
0xae: {  	s1 =	rddreg [dreg:$0xb];
	[sflag:s10] =	ssyncadd.s32 $0xFFFFC000  }
0xaf: {  	[hbm4b:s1+s2] =	stream.linear.scatter [tilespmem:s4], [sflag:$0x8], $0x4000, $0x38;
	[tilespmem:$0x19900] =	vst v63  }
0xb0: {  	_ =	swait.ge [sflag:s18], $0x4000  }
0xb1: {  	s1 =	sld [smem:$0x7DD]  }
0xb2: {  	[sflag:s18] =	ssyncset.done $0x0  }
0xb3: {  	[sflag:s18] =	ssyncadd.s32 $0xFFFFC000  }
0xb4: {  	[tilespmem:s12], [sflag:$0x6] =	stream.indirect.gather [hbm4b:s3+s8], $0x80, s1, s8, $0xb8;
	[tilespmem:$0x19900] =	vst v63  }
0xb5: {  	_ =	swait.ge [sflag:s22], $0x4000  }
0xb6: {  	[sflag:s22] =	ssyncset.done $0x0  }
0xb7: {  	s1 =	rddreg [dreg:$0xc];
	[sflag:s22] =	ssyncadd.s32 $0xFFFFC000  }
0xb8: {  	[hbm4b:s1+s2] =	stream.linear.scatter [tilespmem:s15], [sflag:$0x9], $0x4000, $0x38;
	[tilespmem:$0x19900] =	vst v63  }
0xb9: {  	_ =	swait.ge [sflag:s6], $0x4000  }
0xba: {  	s1 =	sld [smem:$0x7DE]  }
0xbb: {  	[sflag:s6] =	ssyncset.done $0x0  }
0xbc: {  	[sflag:s6] =	ssyncadd.s32 $0xFFFFC000  }
0xbd: {  	[tilespmem:s5], [sflag:$0x1] =	stream.indirect.gather [hbm4b:s3+s8], $0x80, s1, s8, $0xb8;
	[tilespmem:$0x19900] =	vst v63  }
0xbe: {  	_ =	swait.ge [sflag:s21], $0x4000  }
0xbf: {  	[sflag:s21] =	ssyncset.done $0x0  }
0xc0: {  	s1 =	rddreg [dreg:$0xd];
	[sflag:s21] =	ssyncadd.s32 $0xFFFFC000  }
0xc1: {  	[hbm4b:s1+s2] =	stream.linear.scatter [tilespmem:s13], [sflag:$0xA], $0x4000, $0x38;
	[tilespmem:$0x19900] =	vst v63  }
0xc2: {  	_ =	swait.ge [sflag:s7], $0x4000  }
0xc3: {  	s1 =	sld [smem:$0x7DF]  }
0xc4: {  	[sflag:s7] =	ssyncset.done $0x0  }
0xc5: {  	[sflag:s7] =	ssyncadd.s32 $0xFFFFC000  }
0xc6: {  	[tilespmem:s4], [sflag:$0x2] =	stream.indirect.gather [hbm4b:s3+s8], $0x80, s1, s8, $0xb8;
	[tilespmem:$0x19900] =	vst v63  }
0xc7: {  	_ =	swait.ge [sflag:s19], $0x4000  }
0xc8: {  	[sflag:s19] =	ssyncset.done $0x0  }
0xc9: {  	s1 =	rddreg [dreg:$0xe];
	[sflag:s19] =	ssyncadd.s32 $0xFFFFC000  }
0xca: {  	[hbm4b:s1+s2] =	stream.linear.scatter [tilespmem:s11], [sflag:$0xB], $0x4000, $0x38;
	[tilespmem:$0x19900] =	vst v63  }
0xcb: {  	_ =	swait.ge [sflag:s14], $0x4000  }
0xcc: {  	s1 =	sld [smem:$0x7E0]  }
0xcd: {  	[sflag:s14] =	ssyncset.done $0x0  }
0xce: {  	[sflag:s14] =	ssyncadd.s32 $0xFFFFC000  }
0xcf: {  	[tilespmem:s15], [sflag:$0x3] =	stream.indirect.gather [hbm4b:s3+s8], $0x80, s1, s8, $0xb8;
	[tilespmem:$0x19900] =	vst v63  }
0xd0: {  	_ =	swait.ge [sflag:s20], $0x4000  }
0xd1: {  	[sflag:s20] =	ssyncset.done $0x0  }
0xd2: {  	s1 =	rddreg [dreg:$0xf];
	[sflag:s20] =	ssyncadd.s32 $0xFFFFC000  }
0xd3: {  	[hbm4b:s1+s2] =	stream.linear.scatter [tilespmem:s12], [sflag:$0xC], $0x4000, $0x38;
	[tilespmem:$0x19900] =	vst v63  }
0xd4: {  	_ =	swait.ge [sflag:s16], $0x4000  }
0xd5: {  	s1 =	sld [smem:$0x7E1]  }
0xd6: {  	[sflag:s16] =	ssyncset.done $0x0  }
0xd7: {  	[sflag:s16] =	ssyncadd.s32 $0xFFFFC000  }
0xd8: {  	[tilespmem:s13], [sflag:$0x4] =	stream.indirect.gather [hbm4b:s3+s8], $0x80, s1, s8, $0xb8;
	[tilespmem:$0x19900] =	vst v63  }
0xd9: {  	_ =	swait.ge [sflag:s9], $0x4000  }
0xda: {  	[sflag:s9] =	ssyncset.done $0x0  }
0xdb: {  	s1 =	rddreg [dreg:$0x10];
	[sflag:s9] =	ssyncadd.s32 $0xFFFFC000  }
0xdc: {  	[hbm4b:s1+s2] =	stream.linear.scatter [tilespmem:s5], [sflag:$0x7], $0x4000, $0x38;
	[tilespmem:$0x19900] =	vst v63  }
0xdd: {  	_ =	swait.ge [sflag:s17], $0x4000  }
0xde: {  	s1 =	sld [smem:$0x7E2]  }
0xdf: {  	[sflag:s17] =	ssyncset.done $0x0  }
0xe0: {  	[sflag:s17] =	ssyncadd.s32 $0xFFFFC000  }
0xe1: {  	[tilespmem:s11], [sflag:$0x5] =	stream.indirect.gather [hbm4b:s3+s8], $0x80, s1, s8, $0xb8;
	[tilespmem:$0x19900] =	vst v63  }
0xe2: {  	_ =	swait.ge [sflag:s10], $0x4000  }
0xe3: {  	[sflag:s10] =	ssyncset.done $0x0  }
0xe4: {  	s1 =	rddreg [dreg:$0x11];
	[sflag:s10] =	ssyncadd.s32 $0xFFFFC000  }
0xe5: {  	[hbm4b:s1+s2] =	stream.linear.scatter [tilespmem:s4], [sflag:$0x8], $0x4000, $0x38;
	[tilespmem:$0x19900] =	vst v63  }
0xe6: {  	_ =	swait.ge [sflag:s18], $0x4000  }
0xe7: {  	s1 =	sld [smem:$0x7E3]  }
0xe8: {  	[sflag:s18] =	ssyncset.done $0x0  }
0xe9: {  	[sflag:s18] =	ssyncadd.s32 $0xFFFFC000  }
0xea: {  	[tilespmem:s12], [sflag:$0x6] =	stream.indirect.gather [hbm4b:s3+s8], $0x80, s1, s8, $0xb8;
	[tilespmem:$0x19900] =	vst v63  }
0xeb: {  	_ =	swait.ge [sflag:s22], $0x4000  }
0xec: {  	[sflag:s22] =	ssyncset.done $0x0  }
0xed: {  	s1 =	rddreg [dreg:$0x12];
	[sflag:s22] =	ssyncadd.s32 $0xFFFFC000  }
0xee: {  	[hbm4b:s1+s2] =	stream.linear.scatter [tilespmem:s15], [sflag:$0x9], $0x4000, $0x38;
	[tilespmem:$0x19900] =	vst v63  }
0xef: {  	_ =	swait.ge [sflag:s6], $0x4000  }
0xf0: {  	s1 =	sld [smem:$0x7E4]  }
0xf1: {  	[sflag:s6] =	ssyncset.done $0x0  }
0xf2: {  	[sflag:s6] =	ssyncadd.s32 $0xFFFFC000  }
0xf3: {  	[tilespmem:s5], [sflag:$0x1] =	stream.indirect.gather [hbm4b:s3+s8], $0x80, s1, s8, $0xb8;
	[tilespmem:$0x19900] =	vst v63  }
0xf4: {  	_ =	swait.ge [sflag:s21], $0x4000  }
0xf5: {  	[sflag:s21] =	ssyncset.done $0x0  }
0xf6: {  	s1 =	rddreg [dreg:$0x13];
	[sflag:s21] =	ssyncadd.s32 $0xFFFFC000  }
0xf7: {  	[hbm4b:s1+s2] =	stream.linear.scatter [tilespmem:s13], [sflag:$0xA], $0x4000, $0x38;
	[tilespmem:$0x19900] =	vst v63  }
0xf8: {  	_ =	swait.ge [sflag:s7], $0x4000  }
0xf9: {  	s1 =	sld [smem:$0x7E5]  }
0xfa: {  	[sflag:s7] =	ssyncset.done $0x0  }
0xfb: {  	[sflag:s7] =	ssyncadd.s32 $0xFFFFC000  }
0xfc: {  	[tilespmem:s4], [sflag:$0x2] =	stream.indirect.gather [hbm4b:s3+s8], $0x80, s1, s8, $0xb8;
	[tilespmem:$0x19900] =	vst v63  }
0xfd: {  	_ =	swait.ge [sflag:s19], $0x4000  }
0xfe: {  	[sflag:s19] =	ssyncset.done $0x0  }
0xff: {  	s1 =	rddreg [dreg:$0x14];
	[sflag:s19] =	ssyncadd.s32 $0xFFFFC000  }
0x100: {  	[hbm4b:s1+s2] =	stream.linear.scatter [tilespmem:s11], [sflag:$0xB], $0x4000, $0x38;
	[tilespmem:$0x19900] =	vst v63  }
0x101: {  	_ =	swait.ge [sflag:s14], $0x4000  }
0x102: {  	s1 =	sld [smem:$0x7E6]  }
0x103: {  	[sflag:s14] =	ssyncset.done $0x0  }
0x104: {  	[sflag:s14] =	ssyncadd.s32 $0xFFFFC000  }
0x105: {  	[tilespmem:s15], [sflag:$0x3] =	stream.indirect.gather [hbm4b:s3+s8], $0x80, s1, s8, $0xb8;
	[tilespmem:$0x19900] =	vst v63  }
0x106: {  	_ =	swait.ge [sflag:s20], $0x4000  }
0x107: {  	[sflag:s20] =	ssyncset.done $0x0  }
0x108: {  	s1 =	rddreg [dreg:$0x15];
	[sflag:s20] =	ssyncadd.s32 $0xFFFFC000  }
0x109: {  	[hbm4b:s1+s2] =	stream.linear.scatter [tilespmem:s12], [sflag:$0xC], $0x4000, $0x38;
	[tilespmem:$0x19900] =	vst v63  }
0x10a: {  	_ =	swait.ge [sflag:s16], $0x4000  }
0x10b: {  	s1 =	sld [smem:$0x7E7]  }
0x10c: {  	[sflag:s16] =	ssyncset.done $0x0  }
0x10d: {  	[sflag:s16] =	ssyncadd.s32 $0xFFFFC000  }
0x10e: {  	[tilespmem:s13], [sflag:$0x4] =	stream.indirect.gather [hbm4b:s3+s8], $0x80, s1, s8, $0xb8;
	[tilespmem:$0x19900] =	vst v63  }
0x10f: {  	_ =	swait.ge [sflag:s9], $0x4000  }
0x110: {  	[sflag:s9] =	ssyncset.done $0x0  }
0x111: {  	s1 =	rddreg [dreg:$0x16];
	[sflag:s9] =	ssyncadd.s32 $0xFFFFC000  }
0x112: {  	[hbm4b:s1+s2] =	stream.linear.scatter [tilespmem:s5], [sflag:$0x7], $0x4000, $0x38;
	[tilespmem:$0x19900] =	vst v63  }
0x113: {  	_ =	swait.ge [sflag:s17], $0x4000  }
0x114: {  	s1 =	sld [smem:$0x7E8]  }
0x115: {  	[sflag:s17] =	ssyncset.done $0x0  }
0x116: {  	[sflag:s17] =	ssyncadd.s32 $0xFFFFC000  }
0x117: {  	[tilespmem:s11], [sflag:$0x5] =	stream.indirect.gather [hbm4b:s3+s8], $0x80, s1, s8, $0xb8;
	[tilespmem:$0x19900] =	vst v63  }
0x118: {  	_ =	swait.ge [sflag:s10], $0x4000  }
0x119: {  	[sflag:s10] =	ssyncset.done $0x0  }
0x11a: {  	s1 =	rddreg [dreg:$0x17];
	[sflag:s10] =	ssyncadd.s32 $0xFFFFC000  }
0x11b: {  	[hbm4b:s1+s2] =	stream.linear.scatter [tilespmem:s4], [sflag:$0x8], $0x4000, $0x38;
	[tilespmem:$0x19900] =	vst v63  }
0x11c: {  	_ =	swait.ge [sflag:s18], $0x4000  }
0x11d: {  	s1 =	sld [smem:$0x7E9]  }
0x11e: {  	[sflag:s18] =	ssyncset.done $0x0  }
0x11f: {  	[sflag:s18] =	ssyncadd.s32 $0xFFFFC000  }
0x120: {  	[tilespmem:s12], [sflag:$0x6] =	stream.indirect.gather [hbm4b:s3+s8], $0x80, s1, s8, $0xb8;
	[tilespmem:$0x19900] =	vst v63  }
0x121: {  	_ =	swait.ge [sflag:s22], $0x4000  }
0x122: {  	[sflag:s22] =	ssyncset.done $0x0  }
0x123: {  	s1 =	rddreg [dreg:$0x18];
	[sflag:s22] =	ssyncadd.s32 $0xFFFFC000  }
0x124: {  	[hbm4b:s1+s2] =	stream.linear.scatter [tilespmem:s15], [sflag:$0x9], $0x4000, $0x38;
	[tilespmem:$0x19900] =	vst v63  }
0x125: {  	_ =	swait.ge [sflag:s6], $0x4000  }
0x126: {  	s1 =	sld [smem:$0x7EA]  }
0x127: {  	[sflag:s6] =	ssyncset.done $0x0  }
0x128: {  	[sflag:s6] =	ssyncadd.s32 $0xFFFFC000  }
0x129: {  	[tilespmem:s5], [sflag:$0x1] =	stream.indirect.gather [hbm4b:s3+s8], $0x80, s1, s8, $0xb8;
	[tilespmem:$0x19900] =	vst v63  }
0x12a: {  	_ =	swait.ge [sflag:s21], $0x4000  }
0x12b: {  	[sflag:s21] =	ssyncset.done $0x0  }
0x12c: {  	s1 =	rddreg [dreg:$0x19];
	[sflag:s21] =	ssyncadd.s32 $0xFFFFC000  }
0x12d: {  	[hbm4b:s1+s2] =	stream.linear.scatter [tilespmem:s13], [sflag:$0xA], $0x4000, $0x38;
	[tilespmem:$0x19900] =	vst v63  }
0x12e: {  	_ =	swait.ge [sflag:s7], $0x4000  }
0x12f: {  	s1 =	sld [smem:$0x7EB]  }
0x130: {  	[sflag:s7] =	ssyncset.done $0x0  }
0x131: {  	[sflag:s7] =	ssyncadd.s32 $0xFFFFC000  }
0x132: {  	[tilespmem:s4], [sflag:$0x2] =	stream.indirect.gather [hbm4b:s3+s8], $0x80, s1, s8, $0xb8;
	[tilespmem:$0x19900] =	vst v63  }
0x133: {  	_ =	swait.ge [sflag:s19], $0x4000  }
0x134: {  	[sflag:s19] =	ssyncset.done $0x0  }
0x135: {  	s1 =	rddreg [dreg:$0x1a];
	[sflag:s19] =	ssyncadd.s32 $0xFFFFC000  }
0x136: {  	[hbm4b:s1+s2] =	stream.linear.scatter [tilespmem:s11], [sflag:$0xB], $0x4000, $0x38;
	[tilespmem:$0x19900] =	vst v63  }
0x137: {  	_ =	swait.ge [sflag:s14], $0x4000  }
0x138: {  	s1 =	sld [smem:$0x7EC]  }
0x139: {  	[sflag:s14] =	ssyncset.done $0x0  }
0x13a: {  	[sflag:s14] =	ssyncadd.s32 $0xFFFFC000  }
0x13b: {  	[tilespmem:s15], [sflag:$0x3] =	stream.indirect.gather [hbm4b:s3+s8], $0x80, s1, s8, $0xb8;
	[tilespmem:$0x19900] =	vst v63  }
0x13c: {  	_ =	swait.ge [sflag:s20], $0x4000  }
0x13d: {  	[sflag:s20] =	ssyncset.done $0x0  }
0x13e: {  	s1 =	rddreg [dreg:$0x1b];
	[sflag:s20] =	ssyncadd.s32 $0xFFFFC000  }
0x13f: {  	[hbm4b:s1+s2] =	stream.linear.scatter [tilespmem:s12], [sflag:$0xC], $0x4000, $0x38;
	[tilespmem:$0x19900] =	vst v63  }
0x140: {  	_ =	swait.ge [sflag:s16], $0x4000  }
0x141: {  	s1 =	sld [smem:$0x7ED]  }
0x142: {  	[sflag:s16] =	ssyncset.done $0x0  }
0x143: {  	[sflag:s16] =	ssyncadd.s32 $0xFFFFC000  }
0x144: {  	[tilespmem:s13], [sflag:$0x4] =	stream.indirect.gather [hbm4b:s3+s8], $0x80, s1, s8, $0xb8;
	[tilespmem:$0x19900] =	vst v63  }
0x145: {  	_ =	swait.ge [sflag:s9], $0x4000  }
0x146: {  	[sflag:s9] =	ssyncset.done $0x0  }
0x147: {  	s1 =	rddreg [dreg:$0x1c];
	[sflag:s9] =	ssyncadd.s32 $0xFFFFC000  }
0x148: {  	[hbm4b:s1+s2] =	stream.linear.scatter [tilespmem:s5], [sflag:$0x7], $0x4000, $0x38;
	[tilespmem:$0x19900] =	vst v63  }
0x149: {  	_ =	swait.ge [sflag:s17], $0x4000  }
0x14a: {  	s1 =	sld [smem:$0x7EE]  }
0x14b: {  	[sflag:s17] =	ssyncset.done $0x0  }
0x14c: {  	[sflag:s17] =	ssyncadd.s32 $0xFFFFC000  }
0x14d: {  	[tilespmem:s11], [sflag:$0x5] =	stream.indirect.gather [hbm4b:s3+s8], $0x80, s1, s8, $0xb8;
	[tilespmem:$0x19900] =	vst v63  }
0x14e: {  	_ =	swait.ge [sflag:s10], $0x4000  }
0x14f: {  	[sflag:s10] =	ssyncset.done $0x0  }
0x150: {  	s1 =	rddreg [dreg:$0x1d];
	[sflag:s10] =	ssyncadd.s32 $0xFFFFC000  }
0x151: {  	[hbm4b:s1+s2] =	stream.linear.scatter [tilespmem:s4], [sflag:$0x8], $0x4000, $0x38;
	[tilespmem:$0x19900] =	vst v63  }
0x152: {  	_ =	swait.ge [sflag:s18], $0x4000  }
0x153: {  	s1 =	sld [smem:$0x7EF]  }
0x154: {  	[sflag:s18] =	ssyncset.done $0x0  }
0x155: {  	[sflag:s18] =	ssyncadd.s32 $0xFFFFC000  }
0x156: {  	[tilespmem:s12], [sflag:$0x6] =	stream.indirect.gather [hbm4b:s3+s8], $0x80, s1, s8, $0xb8;
	[tilespmem:$0x19900] =	vst v63  }
0x157: {  	_ =	swait.ge [sflag:s22], $0x4000  }
0x158: {  	[sflag:s22] =	ssyncset.done $0x0  }
0x159: {  	s1 =	rddreg [dreg:$0x1e];
	[sflag:s22] =	ssyncadd.s32 $0xFFFFC000  }
0x15a: {  	[hbm4b:s1+s2] =	stream.linear.scatter [tilespmem:s15], [sflag:$0x9], $0x4000, $0x38;
	[tilespmem:$0x19900] =	vst v63  }
0x15b: {  	_ =	swait.ge [sflag:s6], $0x4000  }
0x15c: {  	s1 =	sld [smem:$0x7F0]  }
0x15d: {  	[sflag:s6] =	ssyncset.done $0x0  }
0x15e: {  	[sflag:s6] =	ssyncadd.s32 $0xFFFFC000  }
0x15f: {  	[tilespmem:s5], [sflag:$0x1] =	stream.indirect.gather [hbm4b:s3+s8], $0x80, s1, s8, $0xb8;
	[tilespmem:$0x19900] =	vst v63  }
0x160: {  	_ =	swait.ge [sflag:s21], $0x4000  }
0x161: {  	[sflag:s21] =	ssyncset.done $0x0  }
0x162: {  	s1 =	rddreg [dreg:$0x1f];
	[sflag:s21] =	ssyncadd.s32 $0xFFFFC000  }
0x163: {  	[hbm4b:s1+s2] =	stream.linear.scatter [tilespmem:s13], [sflag:$0xA], $0x4000, $0x38;
	[tilespmem:$0x19900] =	vst v63  }
0x164: {  	_ =	swait.ge [sflag:s7], $0x4000  }
0x165: {  	s1 =	sld [smem:$0x7F1]  }
0x166: {  	[sflag:s7] =	ssyncset.done $0x0  }
0x167: {  	[sflag:s7] =	ssyncadd.s32 $0xFFFFC000  }
0x168: {  	[tilespmem:s4], [sflag:$0x2] =	stream.indirect.gather [hbm4b:s3+s8], $0x80, s1, s8, $0xb8;
	[tilespmem:$0x19900] =	vst v63  }
0x169: {  	_ =	swait.ge [sflag:s19], $0x4000  }
0x16a: {  	s1 =	sld [smem:$0x7BE]  }
0x16b: {  	[sflag:s19] =	ssyncset.done $0x0  }
0x16c: {  	[sflag:s19] =	ssyncadd.s32 $0xFFFFC000  }
0x16d: {  	[hbm4b:s1+s2] =	stream.linear.scatter [tilespmem:s11], [sflag:$0xB], $0x4000, $0x38;
	[tilespmem:$0x19900] =	vst v63  }
0x16e: {  	_ =	swait.ge [sflag:s14], $0x4000  }
0x16f: {  	s1 =	sld [smem:$0x7F2]  }
0x170: {  	[sflag:s14] =	ssyncset.done $0x0  }
0x171: {  	[sflag:s14] =	ssyncadd.s32 $0xFFFFC000  }
0x172: {  	[tilespmem:s15], [sflag:$0x3] =	stream.indirect.gather [hbm4b:s3+s8], $0x80, s1, s8, $0xb8;
	[tilespmem:$0x19900] =	vst v63  }
0x173: {  	_ =	swait.ge [sflag:s20], $0x4000  }
0x174: {  	s1 =	sld [smem:$0x7BF]  }
0x175: {  	[sflag:s20] =	ssyncset.done $0x0  }
0x176: {  	[sflag:s20] =	ssyncadd.s32 $0xFFFFC000  }
0x177: {  	[hbm4b:s1+s2] =	stream.linear.scatter [tilespmem:s12], [sflag:$0xC], $0x4000, $0x38;
	[tilespmem:$0x19900] =	vst v63  }
0x178: {  	_ =	swait.ge [sflag:s16], $0x4000  }
0x179: {  	s1 =	sld [smem:$0x7F3]  }
0x17a: {  	[sflag:s16] =	ssyncset.done $0x0  }
0x17b: {  	[sflag:s16] =	ssyncadd.s32 $0xFFFFC000  }
0x17c: {  	[tilespmem:s13], [sflag:$0x4] =	stream.indirect.gather [hbm4b:s3+s8], $0x80, s1, s8, $0xb8;
	[tilespmem:$0x19900] =	vst v63  }
0x17d: {  	_ =	swait.ge [sflag:s9], $0x4000  }
0x17e: {  	s1 =	sld [smem:$0x7C0]  }
0x17f: {  	[sflag:s9] =	ssyncset.done $0x0  }
0x180: {  	[sflag:s9] =	ssyncadd.s32 $0xFFFFC000  }
0x181: {  	[hbm4b:s1+s2] =	stream.linear.scatter [tilespmem:s5], [sflag:$0x7], $0x4000, $0x38;
	[tilespmem:$0x19900] =	vst v63  }
0x182: {  	_ =	swait.ge [sflag:s17], $0x4000  }
0x183: {  	s1 =	sld [smem:$0x7F4]  }
0x184: {  	[sflag:s17] =	ssyncset.done $0x0  }
0x185: {  	[sflag:s17] =	ssyncadd.s32 $0xFFFFC000  }
0x186: {  	[tilespmem:s11], [sflag:$0x5] =	stream.indirect.gather [hbm4b:s3+s8], $0x80, s1, s8, $0xb8;
	[tilespmem:$0x19900] =	vst v63  }
0x187: {  	_ =	swait.ge [sflag:s10], $0x4000  }
0x188: {  	s1 =	sld [smem:$0x7C1]  }
0x189: {  	[sflag:s10] =	ssyncset.done $0x0  }
0x18a: {  	[sflag:s10] =	ssyncadd.s32 $0xFFFFC000  }
0x18b: {  	[hbm4b:s1+s2] =	stream.linear.scatter [tilespmem:s4], [sflag:$0x8], $0x4000, $0x38;
	[tilespmem:$0x19900] =	vst v63  }
0x18c: {  	_ =	swait.ge [sflag:s18], $0x4000  }
0x18d: {  	s1 =	sld [smem:$0x7F5]  }
0x18e: {  	[sflag:s18] =	ssyncset.done $0x0  }
0x18f: {  	[sflag:s18] =	ssyncadd.s32 $0xFFFFC000  }
0x190: {  	[tilespmem:s12], [sflag:$0x6] =	stream.indirect.gather [hbm4b:s3+s8], $0x80, s1, s8, $0xb8;
	[tilespmem:$0x19900] =	vst v63  }
0x191: {  	_ =	swait.ge [sflag:s22], $0x4000  }
0x192: {  	s1 =	sld [smem:$0x7C2]  }
0x193: {  	[sflag:s22] =	ssyncset.done $0x0  }
0x194: {  	[sflag:s22] =	ssyncadd.s32 $0xFFFFC000  }
0x195: {  	[hbm4b:s1+s2] =	stream.linear.scatter [tilespmem:s15], [sflag:$0x9], $0x4000, $0x38;
	[tilespmem:$0x19900] =	vst v63  }
0x196: {  	_ =	swait.ge [sflag:s6], $0x4000  }
0x197: {  	s1 =	sld [smem:$0x7F6]  }
0x198: {  	[sflag:s6] =	ssyncset.done $0x0  }
0x199: {  	[sflag:s6] =	ssyncadd.s32 $0xFFFFC000  }
0x19a: {  	[tilespmem:s5], [sflag:$0x1] =	stream.indirect.gather [hbm4b:s3+s8], $0x80, s1, s8, $0xb8;
	[tilespmem:$0x19900] =	vst v63  }
0x19b: {  	_ =	swait.ge [sflag:s21], $0x4000  }
0x19c: {  	s1 =	sld [smem:$0x7C3]  }
0x19d: {  	[sflag:s21] =	ssyncset.done $0x0  }
0x19e: {  	[sflag:s21] =	ssyncadd.s32 $0xFFFFC000  }
0x19f: {  	[hbm4b:s1+s2] =	stream.linear.scatter [tilespmem:s13], [sflag:$0xA], $0x4000, $0x38;
	[tilespmem:$0x19900] =	vst v63  }
0x1a0: {  	_ =	swait.ge [sflag:s7], $0x4000  }
0x1a1: {  	s1 =	sld [smem:$0x7F7]  }
0x1a2: {  	[sflag:s7] =	ssyncset.done $0x0  }
0x1a3: {  	[sflag:s7] =	ssyncadd.s32 $0xFFFFC000  }
0x1a4: {  	[tilespmem:s4], [sflag:$0x2] =	stream.indirect.gather [hbm4b:s3+s8], $0x80, s1, s8, $0xb8;
	[tilespmem:$0x19900] =	vst v63  }
0x1a5: {  	_ =	swait.ge [sflag:s19], $0x4000  }
0x1a6: {  	s1 =	sld [smem:$0x7C4]  }
0x1a7: {  	[sflag:s19] =	ssyncset.done $0x0  }
0x1a8: {  	[sflag:s19] =	ssyncadd.s32 $0xFFFFC000  }
0x1a9: {  	[hbm4b:s1+s2] =	stream.linear.scatter [tilespmem:s11], [sflag:$0xB], $0x4000, $0x38;
	[tilespmem:$0x19900] =	vst v63  }
0x1aa: {  	_ =	swait.ge [sflag:s14], $0x4000  }
0x1ab: {  	s1 =	sld [smem:$0x7F8]  }
0x1ac: {  	[sflag:s14] =	ssyncset.done $0x0  }
0x1ad: {  	[sflag:s14] =	ssyncadd.s32 $0xFFFFC000  }
0x1ae: {  	[tilespmem:s15], [sflag:$0x3] =	stream.indirect.gather [hbm4b:s3+s8], $0x80, s1, s8, $0xb8;
	[tilespmem:$0x19900] =	vst v63  }
0x1af: {  	_ =	swait.ge [sflag:s20], $0x4000  }
0x1b0: {  	s1 =	sld [smem:$0x7C5]  }
0x1b1: {  	[sflag:s20] =	ssyncset.done $0x0  }
0x1b2: {  	[sflag:s20] =	ssyncadd.s32 $0xFFFFC000  }
0x1b3: {  	[hbm4b:s1+s2] =	stream.linear.scatter [tilespmem:s12], [sflag:$0xC], $0x4000, $0x38;
	[tilespmem:$0x19900] =	vst v63  }
0x1b4: {  	_ =	swait.ge [sflag:s16], $0x4000  }
0x1b5: {  	s1 =	sld [smem:$0x7F9]  }
0x1b6: {  	[sflag:s16] =	ssyncset.done $0x0  }
0x1b7: {  	[sflag:s16] =	ssyncadd.s32 $0xFFFFC000  }
0x1b8: {  	[tilespmem:s13], [sflag:$0x4] =	stream.indirect.gather [hbm4b:s3+s8], $0x80, s1, s8, $0xb8;
	[tilespmem:$0x19900] =	vst v63  }
0x1b9: {  	_ =	swait.ge [sflag:s9], $0x4000  }
0x1ba: {  	s1 =	sld [smem:$0x7C6]  }
0x1bb: {  	[sflag:s9] =	ssyncset.done $0x0  }
0x1bc: {  	[sflag:s9] =	ssyncadd.s32 $0xFFFFC000  }
0x1bd: {  	[hbm4b:s1+s2] =	stream.linear.scatter [tilespmem:s5], [sflag:$0x7], $0x4000, $0x38;
	[tilespmem:$0x19900] =	vst v63  }
0x1be: {  	_ =	swait.ge [sflag:s17], $0x4000  }
0x1bf: {  	s1 =	sld [smem:$0x7FA]  }
0x1c0: {  	[sflag:s17] =	ssyncset.done $0x0  }
0x1c1: {  	[sflag:s17] =	ssyncadd.s32 $0xFFFFC000  }
0x1c2: {  	[tilespmem:s11], [sflag:$0x5] =	stream.indirect.gather [hbm4b:s3+s8], $0x80, s1, s8, $0xb8;
	[tilespmem:$0x19900] =	vst v63  }
0x1c3: {  	_ =	swait.ge [sflag:s10], $0x4000  }
0x1c4: {  	s1 =	sld [smem:$0x7C7]  }
0x1c5: {  	[sflag:s10] =	ssyncset.done $0x0  }
0x1c6: {  	[sflag:s10] =	ssyncadd.s32 $0xFFFFC000  }
0x1c7: {  	[hbm4b:s1+s2] =	stream.linear.scatter [tilespmem:s4], [sflag:$0x8], $0x4000, $0x38;
	[tilespmem:$0x19900] =	vst v63  }
0x1c8: {  	_ =	swait.ge [sflag:s18], $0x4000  }
0x1c9: {  	s1 =	sld [smem:$0x7FB]  }
0x1ca: {  	[sflag:s18] =	ssyncset.done $0x0  }
0x1cb: {  	[sflag:s18] =	ssyncadd.s32 $0xFFFFC000  }
0x1cc: {  	[tilespmem:s12], [sflag:$0x6] =	stream.indirect.gather [hbm4b:s3+s8], $0x80, s1, s8, $0xb8;
	[tilespmem:$0x19900] =	vst v63  }
0x1cd: {  	_ =	swait.ge [sflag:s22], $0x4000  }
0x1ce: {  	s1 =	sld [smem:$0x7C8]  }
0x1cf: {  	[sflag:s22] =	ssyncset.done $0x0  }
0x1d0: {  	[sflag:s22] =	ssyncadd.s32 $0xFFFFC000  }
0x1d1: {  	[hbm4b:s1+s2] =	stream.linear.scatter [tilespmem:s15], [sflag:$0x9], $0x4000, $0x38;
	[tilespmem:$0x19900] =	vst v63  }
0x1d2: {  	_ =	swait.ge [sflag:s6], $0x4000  }
0x1d3: {  	s1 =	sld [smem:$0x7FC]  }
0x1d4: {  	[sflag:s6] =	ssyncset.done $0x0  }
0x1d5: {  	[sflag:s6] =	ssyncadd.s32 $0xFFFFC000  }
0x1d6: {  	[tilespmem:s5], [sflag:$0x1] =	stream.indirect.gather [hbm4b:s3+s8], $0x80, s1, s8, $0xb8;
	[tilespmem:$0x19900] =	vst v63  }
0x1d7: {  	_ =	swait.ge [sflag:s21], $0x4000  }
0x1d8: {  	s1 =	sld [smem:$0x7C9]  }
0x1d9: {  	[sflag:s21] =	ssyncset.done $0x0  }
0x1da: {  	[sflag:s21] =	ssyncadd.s32 $0xFFFFC000  }
0x1db: {  	[hbm4b:s1+s2] =	stream.linear.scatter [tilespmem:s13], [sflag:$0xA], $0x4000, $0x38;
	[tilespmem:$0x19900] =	vst v63  }
0x1dc: {  	_ =	swait.ge [sflag:s7], $0x4000  }
0x1dd: {  	s1 =	sld [smem:$0x7FD]  }
0x1de: {  	[sflag:s7] =	ssyncset.done $0x0  }
0x1df: {  	[sflag:s7] =	ssyncadd.s32 $0xFFFFC000  }
0x1e0: {  	[tilespmem:s4], [sflag:$0x2] =	stream.indirect.gather [hbm4b:s3+s8], $0x80, s1, s8, $0xb8;
	[tilespmem:$0x19900] =	vst v63  }
0x1e1: {  	_ =	swait.ge [sflag:s19], $0x4000  }
0x1e2: {  	s1 =	sld [smem:$0x7CA]  }
0x1e3: {  	[sflag:s19] =	ssyncset.done $0x0  }
0x1e4: {  	[sflag:s19] =	ssyncadd.s32 $0xFFFFC000  }
0x1e5: {  	[hbm4b:s1+s2] =	stream.linear.scatter [tilespmem:s11], [sflag:$0xB], $0x4000, $0x38;
	[tilespmem:$0x19900] =	vst v63  }
0x1e6: {  	_ =	swait.ge [sflag:s14], $0x4000  }
0x1e7: {  	[sflag:s14] =	ssyncset.done $0x0  }
0x1e8: {  	s1 =	simm.s32 $0x1600;
	[sflag:s14] =	ssyncadd.s32 $0xFFFFC000  }
0x1e9: {  	[tilespmem:s15], [sflag:$0x3] =	stream.indirect.gather [hbm4b:s3+s8], $0x80, s1, s8, $0xb8;
	[tilespmem:$0x19900] =	vst v63  }
0x1ea: {  	_ =	swait.ge [sflag:s20], $0x4000  }
0x1eb: {  	s1 =	sld [smem:$0x7CB]  }
0x1ec: {  	[sflag:s20] =	ssyncset.done $0x0  }
0x1ed: {  	[sflag:s20] =	ssyncadd.s32 $0xFFFFC000  }
0x1ee: {  	[hbm4b:s1+s2] =	stream.linear.scatter [tilespmem:s12], [sflag:$0xC], $0x4000, $0x38;
	[tilespmem:$0x19900] =	vst v63  }
0x1ef: {  	_ =	swait.ge [sflag:s16], $0x4000  }
0x1f0: {  	[sflag:s16] =	ssyncset.done $0x0  }
0x1f1: {  	[sflag:s16] =	ssyncadd.s32 $0xFFFFC000  }
0x1f2: {  	[tilespmem:s13], [sflag:$0x4] =	stream.indirect.gather [hbm4b:s3+s8], $0x80, s29, s8, $0xb8;
	[tilespmem:$0x19900] =	vst v63  }
0x1f3: {  	_ =	swait.ge [sflag:s9], $0x4000  }
0x1f4: {  	s1 =	sld [smem:$0x7CC]  }
0x1f5: {  	[sflag:s9] =	ssyncset.done $0x0  }
0x1f6: {  	[sflag:s9] =	ssyncadd.s32 $0xFFFFC000  }
0x1f7: {  	[hbm4b:s1+s2] =	stream.linear.scatter [tilespmem:s5], [sflag:$0x7], $0x4000, $0x38;
	[tilespmem:$0x19900] =	vst v63  }
0x1f8: {  	_ =	swait.ge [sflag:s17], $0x4000  }
0x1f9: {  	[sflag:s17] =	ssyncset.done $0x0  }
0x1fa: {  	[sflag:s17] =	ssyncadd.s32 $0xFFFFC000  }
0x1fb: {  	[tilespmem:s11], [sflag:$0x5] =	stream.indirect.gather [hbm4b:s3+s8], $0x80, s28, s8, $0xb8;
	[tilespmem:$0x19900] =	vst v63  }
0x1fc: {  	_ =	swait.ge [sflag:s10], $0x4000  }
0x1fd: {  	s1 =	sld [smem:$0x7CD]  }
0x1fe: {  	[sflag:s10] =	ssyncset.done $0x0  }
0x1ff: {  	[sflag:s10] =	ssyncadd.s32 $0xFFFFC000  }
0x200: {  	[hbm4b:s1+s2] =	stream.linear.scatter [tilespmem:s4], [sflag:$0x8], $0x4000, $0x38;
	[tilespmem:$0x19900] =	vst v63  }
0x201: {  	_ =	swait.ge [sflag:s18], $0x4000  }
0x202: {  	[sflag:s18] =	ssyncset.done $0x0  }
0x203: {  	[sflag:s18] =	ssyncadd.s32 $0xFFFFC000  }
0x204: {  	[tilespmem:s12], [sflag:$0x6] =	stream.indirect.gather [hbm4b:s3+s8], $0x80, s26, s8, $0xb8;
	[tilespmem:$0x19900] =	vst v63  }
0x205: {  	_ =	swait.ge [sflag:s22], $0x4000  }
0x206: {  	s1 =	sld [smem:$0x7CE]  }
0x207: {  	[sflag:s22] =	ssyncset.done $0x0  }
0x208: {  	[sflag:s22] =	ssyncadd.s32 $0xFFFFC000  }
0x209: {  	[hbm4b:s1+s2] =	stream.linear.scatter [tilespmem:s15], [sflag:$0x9], $0x4000, $0x38;
	[tilespmem:$0x19900] =	vst v63  }
0x20a: {  	_ =	swait.ge [sflag:s6], $0x4000  }
0x20b: {  	[sflag:s6] =	ssyncset.done $0x0  }
0x20c: {  	[sflag:s6] =	ssyncadd.s32 $0xFFFFC000  }
0x20d: {  	[tilespmem:s5], [sflag:$0x1] =	stream.indirect.gather [hbm4b:s3+s8], $0x80, s25, s8, $0xb8;
	[tilespmem:$0x19900] =	vst v63  }
0x20e: {  	_ =	swait.ge [sflag:s21], $0x4000  }
0x20f: {  	s1 =	sld [smem:$0x7CF]  }
0x210: {  	[sflag:s21] =	ssyncset.done $0x0  }
0x211: {  	[sflag:s21] =	ssyncadd.s32 $0xFFFFC000  }
0x212: {  	[hbm4b:s1+s2] =	stream.linear.scatter [tilespmem:s13], [sflag:$0xA], $0x4000, $0x38;
	[tilespmem:$0x19900] =	vst v63  }
0x213: {  	_ =	swait.ge [sflag:s7], $0x4000  }
0x214: {  	[sflag:s7] =	ssyncset.done $0x0  }
0x215: {  	[sflag:s7] =	ssyncadd.s32 $0xFFFFC000  }
0x216: {  	[tilespmem:s4], [sflag:$0x2] =	stream.indirect.gather [hbm4b:s3+s8], $0x80, s24, s8, $0xb8;
	[tilespmem:$0x19900] =	vst v63  }
0x217: {  	_ =	swait.ge [sflag:s19], $0x4000  }
0x218: {  	s1 =	sld [smem:$0x7D0]  }
0x219: {  	[sflag:s19] =	ssyncset.done $0x0  }
0x21a: {  	[sflag:s19] =	ssyncadd.s32 $0xFFFFC000  }
0x21b: {  	[hbm4b:s1+s2] =	stream.linear.scatter [tilespmem:s11], [sflag:$0xB], $0x4000, $0x38;
	[tilespmem:$0x19900] =	vst v63  }
0x21c: {  	_ =	swait.ge [sflag:s20], $0x4000  }
0x21d: {  	s1 =	sld [smem:$0x7D1]  }
0x21e: {  	[sflag:s20] =	ssyncset.done $0x0  }
0x21f: {  	[sflag:s20] =	ssyncadd.s32 $0xFFFFC000  }
0x220: {  	[hbm4b:s1+s2] =	stream.linear.scatter [tilespmem:s12], [sflag:$0xC], $0x4000, $0x38;
	[tilespmem:$0x19900] =	vst v63  }
0x221: {  	_ =	swait.ge [sflag:s9], $0x4000  }
0x222: {  	s1 =	sld [smem:$0x7D2]  }
0x223: {  	[sflag:s9] =	ssyncset.done $0x0  }
0x224: {  	[sflag:s9] =	ssyncadd.s32 $0xFFFFC000  }
0x225: {  	[hbm4b:s1+s2] =	stream.linear.scatter [tilespmem:s5], [sflag:$0x7], $0x4000, $0x38;
	[tilespmem:$0x19900] =	vst v63  }
0x226: {  	_ =	swait.ge [sflag:s10], $0x4000  }
0x227: {  	s1 =	sld [smem:$0x7D3]  }
0x228: {  	[sflag:s10] =	ssyncset.done $0x0  }
0x229: {  	[sflag:s10] =	ssyncadd.s32 $0xFFFFC000  }
0x22a: {  	[hbm4b:s1+s2] =	stream.linear.scatter [tilespmem:s4], [sflag:$0x8], $0x4000, $0x38;
	[tilespmem:$0x19900] =	vst v63  }
0x22b: {  	_ =	swait.ge [sflag:s14], $0x4000  }
0x22c: {  	[sflag:s14] =	ssyncset.done $0x0  }
0x22d: {  	[sflag:s14] =	ssyncadd.s32 $0xFFFFC000  }
0x22e: {  	_ =	swait.ge [sflag:s16], $0x4000  }
0x22f: {  	[sflag:s16] =	ssyncset.done $0x0  }
0x230: {  	[sflag:s16] =	ssyncadd.s32 $0xFFFFC000  }
0x231: {  	_ =	swait.ge [sflag:s17], $0x4000  }
0x232: {  	[sflag:s17] =	ssyncset.done $0x0  }
0x233: {  	[sflag:s17] =	ssyncadd.s32 $0xFFFFC000  }
0x234: {  	_ =	swait.ge [sflag:s18], $0x4000  }
0x235: {  	[sflag:s18] =	ssyncset.done $0x0  }
0x236: {  	p1 =	sne.s32 s23, $0x1;
	[sflag:s18] =	ssyncadd.s32 $0xFFFFC000  }
.Ltmp1:
0x237: {  	_ =	swait.ge [sflag:s6], $0x4000;
	(pc) =	sbr.rel @!p1 .LBB2_3-.Ltmp1, $4  }
0x238: {  	[sflag:s6] =	ssyncset.done $0x0  }
0x239: {  	[sflag:s6] =	ssyncadd.s32 $0xFFFFC000  }
0x23a: {  	p0 =	por $0x1, $0x1;
	_ =	swait.ge [sflag:s7], $0x4000  }
0x23b: {  	s1 =	sadd.s32 $0xFFFFFFFF, s23;
	s0 =	rddreg [dreg:$0x4];
	[sflag:s7] =	ssyncset.done $0x0  }
.LBB2_4:
0x23c: {  	[sflag:s7] =	ssyncadd.s32 $0xFFFFC000  }
0x23d: {  	[tilespmem:s2], [sflag:$0xD] =	stream.linear.gather [hbm4b:s0+s2], $0x1900, $0x38;
	[tilespmem:$0x19900] =	vst v63  }
0x23e: {  	_ =	swait.ge [sflag:s31], $0x1900  }
0x23f: {  	[sflag:s31] =	ssyncset.done $0x0  }
0x240: {  	[sflag:s31] =	ssyncadd.s32 $0xFFFFE700  }
0x241: {  	[tilespmem:s5], [sflag:$0x1] =	stream.indirect.gather [hbm4b:s3+s8], $0x80, s2, s8, $0xb8;
	[tilespmem:$0x19900] =	vst v63  }
0x242: {  	s0 =	sld [smem:$0x7D4]  }
0x243: {  	[tilespmem:s4], [sflag:$0x2] =	stream.indirect.gather [hbm4b:s3+s8], $0x80, s8, s8, $0xb8;
	[tilespmem:$0x19900] =	vst v63  }
0x244: {  	s23 =	sld [smem:$0x7D5]  }
0x245: {  	[tilespmem:s15], [sflag:$0x3] =	stream.indirect.gather [hbm4b:s3+s8], $0x80, s0, s8, $0xb8;
	[tilespmem:$0x19900] =	vst v63  }
0x246: {  	_ = 	snop  }
0x247: {  	[tilespmem:s13], [sflag:$0x4] =	stream.indirect.gather [hbm4b:s3+s8], $0x80, s23, s8, $0xb8;
	[tilespmem:$0x19900] =	vst v63  }
0x248: {  	_ =	swait.ge [sflag:s9], $0x4000  }
0x249: {  	[sflag:s9] =	ssyncset.done $0x0  }
0x24a: {  	s23 =	sld [smem:$0x7D6];
	[sflag:s9] =	ssyncadd.s32 $0xFFFFC000  }
0x24b: {  	[hbm4b:s30+s2] =	stream.linear.scatter [tilespmem:s5], [sflag:$0x7], $0x4000, $0x38;
	[tilespmem:$0x19900] =	vst v63  }
0x24c: {  	_ = 	snop  }
0x24d: {  	[tilespmem:s11], [sflag:$0x5] =	stream.indirect.gather [hbm4b:s3+s8], $0x80, s23, s8, $0xb8;
	[tilespmem:$0x19900] =	vst v63  }
0x24e: {  	_ =	swait.ge [sflag:s10], $0x4000  }
0x24f: {  	s0 =	rddreg [dreg:$0x5];
	[sflag:s10] =	ssyncset.done $0x0  }
0x250: {  	s23 =	sld [smem:$0x7D7];
	[sflag:s10] =	ssyncadd.s32 $0xFFFFC000  }
0x251: {  	[hbm4b:s0+s2] =	stream.linear.scatter [tilespmem:s4], [sflag:$0x8], $0x4000, $0x38;
	[tilespmem:$0x19900] =	vst v63  }
0x252: {  	_ = 	snop  }
0x253: {  	[tilespmem:s12], [sflag:$0x6] =	stream.indirect.gather [hbm4b:s3+s8], $0x80, s23, s8, $0xb8;
	[tilespmem:$0x19900] =	vst v63  }
0x254: {  	_ =	swait.ge [sflag:s22], $0x4000  }
0x255: {  	[sflag:s22] =	ssyncset.done $0x0  }
0x256: {  	s23 =	rddreg [dreg:$0x6];
	[sflag:s22] =	ssyncadd.s32 $0xFFFFC000  }
0x257: {  	[hbm4b:s23+s2] =	stream.linear.scatter [tilespmem:s15], [sflag:$0x9], $0x4000, $0x38;
	[tilespmem:$0x19900] =	vst v63  }
0x258: {  	_ =	swait.ge [sflag:s6], $0x4000  }
0x259: {  	s23 =	sld [smem:$0x7D8]  }
0x25a: {  	[sflag:s6] =	ssyncset.done $0x0  }
0x25b: {  	[sflag:s6] =	ssyncadd.s32 $0xFFFFC000  }
0x25c: {  	[tilespmem:s5], [sflag:$0x1] =	stream.indirect.gather [hbm4b:s3+s8], $0x80, s23, s8, $0xb8;
	[tilespmem:$0x19900] =	vst v63  }
0x25d: {  	_ =	swait.ge [sflag:s21], $0x4000  }
0x25e: {  	[sflag:s21] =	ssyncset.done $0x0  }
0x25f: {  	s23 =	rddreg [dreg:$0x7];
	[sflag:s21] =	ssyncadd.s32 $0xFFFFC000  }
0x260: {  	[hbm4b:s23+s2] =	stream.linear.scatter [tilespmem:s13], [sflag:$0xA], $0x4000, $0x38;
	[tilespmem:$0x19900] =	vst v63  }
0x261: {  	_ =	swait.ge [sflag:s7], $0x4000  }
0x262: {  	s23 =	sld [smem:$0x7D9]  }
0x263: {  	[sflag:s7] =	ssyncset.done $0x0  }
0x264: {  	[sflag:s7] =	ssyncadd.s32 $0xFFFFC000  }
0x265: {  	[tilespmem:s4], [sflag:$0x2] =	stream.indirect.gather [hbm4b:s3+s8], $0x80, s23, s8, $0xb8;
	[tilespmem:$0x19900] =	vst v63  }
0x266: {  	_ =	swait.ge [sflag:s19], $0x4000  }
0x267: {  	[sflag:s19] =	ssyncset.done $0x0  }
0x268: {  	s23 =	rddreg [dreg:$0x8];
	[sflag:s19] =	ssyncadd.s32 $0xFFFFC000  }
0x269: {  	[hbm4b:s23+s2] =	stream.linear.scatter [tilespmem:s11], [sflag:$0xB], $0x4000, $0x38;
	[tilespmem:$0x19900] =	vst v63  }
0x26a: {  	_ =	swait.ge [sflag:s14], $0x4000  }
0x26b: {  	s23 =	sld [smem:$0x7DA]  }
0x26c: {  	[sflag:s14] =	ssyncset.done $0x0  }
0x26d: {  	[sflag:s14] =	ssyncadd.s32 $0xFFFFC000  }
0x26e: {  	[tilespmem:s15], [sflag:$0x3] =	stream.indirect.gather [hbm4b:s3+s8], $0x80, s23, s8, $0xb8;
	[tilespmem:$0x19900] =	vst v63  }
0x26f: {  	_ =	swait.ge [sflag:s20], $0x4000  }
0x270: {  	[sflag:s20] =	ssyncset.done $0x0  }
0x271: {  	s23 =	rddreg [dreg:$0x9];
	[sflag:s20] =	ssyncadd.s32 $0xFFFFC000  }
0x272: {  	[hbm4b:s23+s2] =	stream.linear.scatter [tilespmem:s12], [sflag:$0xC], $0x4000, $0x38;
	[tilespmem:$0x19900] =	vst v63  }
0x273: {  	_ =	swait.ge [sflag:s16], $0x4000  }
0x274: {  	s23 =	sld [smem:$0x7DB]  }
0x275: {  	[sflag:s16] =	ssyncset.done $0x0  }
0x276: {  	[sflag:s16] =	ssyncadd.s32 $0xFFFFC000  }
0x277: {  	[tilespmem:s13], [sflag:$0x4] =	stream.indirect.gather [hbm4b:s3+s8], $0x80, s23, s8, $0xb8;
	[tilespmem:$0x19900] =	vst v63  }
0x278: {  	_ =	swait.ge [sflag:s9], $0x4000  }
0x279: {  	[sflag:s9] =	ssyncset.done $0x0  }
0x27a: {  	s23 =	rddreg [dreg:$0xa];
	[sflag:s9] =	ssyncadd.s32 $0xFFFFC000  }
0x27b: {  	[hbm4b:s23+s2] =	stream.linear.scatter [tilespmem:s5], [sflag:$0x7], $0x4000, $0x38;
	[tilespmem:$0x19900] =	vst v63  }
0x27c: {  	_ =	swait.ge [sflag:s17], $0x4000  }
0x27d: {  	s23 =	sld [smem:$0x7DC]  }
0x27e: {  	[sflag:s17] =	ssyncset.done $0x0  }
0x27f: {  	[sflag:s17] =	ssyncadd.s32 $0xFFFFC000  }
0x280: {  	[tilespmem:s11], [sflag:$0x5] =	stream.indirect.gather [hbm4b:s3+s8], $0x80, s23, s8, $0xb8;
	[tilespmem:$0x19900] =	vst v63  }
0x281: {  	_ =	swait.ge [sflag:s10], $0x4000  }
0x282: {  	[sflag:s10] =	ssyncset.done $0x0  }
0x283: {  	s23 =	rddreg [dreg:$0xb];
	[sflag:s10] =	ssyncadd.s32 $0xFFFFC000  }
0x284: {  	[hbm4b:s23+s2] =	stream.linear.scatter [tilespmem:s4], [sflag:$0x8], $0x4000, $0x38;
	[tilespmem:$0x19900] =	vst v63  }
0x285: {  	_ =	swait.ge [sflag:s18], $0x4000  }
0x286: {  	s23 =	sld [smem:$0x7DD]  }
0x287: {  	[sflag:s18] =	ssyncset.done $0x0  }
0x288: {  	[sflag:s18] =	ssyncadd.s32 $0xFFFFC000  }
0x289: {  	[tilespmem:s12], [sflag:$0x6] =	stream.indirect.gather [hbm4b:s3+s8], $0x80, s23, s8, $0xb8;
	[tilespmem:$0x19900] =	vst v63  }
0x28a: {  	_ =	swait.ge [sflag:s22], $0x4000  }
0x28b: {  	[sflag:s22] =	ssyncset.done $0x0  }
0x28c: {  	s23 =	rddreg [dreg:$0xc];
	[sflag:s22] =	ssyncadd.s32 $0xFFFFC000  }
0x28d: {  	[hbm4b:s23+s2] =	stream.linear.scatter [tilespmem:s15], [sflag:$0x9], $0x4000, $0x38;
	[tilespmem:$0x19900] =	vst v63  }
0x28e: {  	_ =	swait.ge [sflag:s6], $0x4000  }
0x28f: {  	s23 =	sld [smem:$0x7DE]  }
0x290: {  	[sflag:s6] =	ssyncset.done $0x0  }
0x291: {  	[sflag:s6] =	ssyncadd.s32 $0xFFFFC000  }
0x292: {  	[tilespmem:s5], [sflag:$0x1] =	stream.indirect.gather [hbm4b:s3+s8], $0x80, s23, s8, $0xb8;
	[tilespmem:$0x19900] =	vst v63  }
0x293: {  	_ =	swait.ge [sflag:s21], $0x4000  }
0x294: {  	[sflag:s21] =	ssyncset.done $0x0  }
0x295: {  	s23 =	rddreg [dreg:$0xd];
	[sflag:s21] =	ssyncadd.s32 $0xFFFFC000  }
0x296: {  	[hbm4b:s23+s2] =	stream.linear.scatter [tilespmem:s13], [sflag:$0xA], $0x4000, $0x38;
	[tilespmem:$0x19900] =	vst v63  }
0x297: {  	_ =	swait.ge [sflag:s7], $0x4000  }
0x298: {  	s23 =	sld [smem:$0x7DF]  }
0x299: {  	[sflag:s7] =	ssyncset.done $0x0  }
0x29a: {  	[sflag:s7] =	ssyncadd.s32 $0xFFFFC000  }
0x29b: {  	[tilespmem:s4], [sflag:$0x2] =	stream.indirect.gather [hbm4b:s3+s8], $0x80, s23, s8, $0xb8;
	[tilespmem:$0x19900] =	vst v63  }
0x29c: {  	_ =	swait.ge [sflag:s19], $0x4000  }
0x29d: {  	[sflag:s19] =	ssyncset.done $0x0  }
0x29e: {  	s23 =	rddreg [dreg:$0xe];
	[sflag:s19] =	ssyncadd.s32 $0xFFFFC000  }
0x29f: {  	[hbm4b:s23+s2] =	stream.linear.scatter [tilespmem:s11], [sflag:$0xB], $0x4000, $0x38;
	[tilespmem:$0x19900] =	vst v63  }
0x2a0: {  	_ =	swait.ge [sflag:s14], $0x4000  }
0x2a1: {  	s23 =	sld [smem:$0x7E0]  }
0x2a2: {  	[sflag:s14] =	ssyncset.done $0x0  }
0x2a3: {  	[sflag:s14] =	ssyncadd.s32 $0xFFFFC000  }
0x2a4: {  	[tilespmem:s15], [sflag:$0x3] =	stream.indirect.gather [hbm4b:s3+s8], $0x80, s23, s8, $0xb8;
	[tilespmem:$0x19900] =	vst v63  }
0x2a5: {  	_ =	swait.ge [sflag:s20], $0x4000  }
0x2a6: {  	[sflag:s20] =	ssyncset.done $0x0  }
0x2a7: {  	s23 =	rddreg [dreg:$0xf];
	[sflag:s20] =	ssyncadd.s32 $0xFFFFC000  }
0x2a8: {  	[hbm4b:s23+s2] =	stream.linear.scatter [tilespmem:s12], [sflag:$0xC], $0x4000, $0x38;
	[tilespmem:$0x19900] =	vst v63  }
0x2a9: {  	_ =	swait.ge [sflag:s16], $0x4000  }
0x2aa: {  	s23 =	sld [smem:$0x7E1]  }
0x2ab: {  	[sflag:s16] =	ssyncset.done $0x0  }
0x2ac: {  	[sflag:s16] =	ssyncadd.s32 $0xFFFFC000  }
0x2ad: {  	[tilespmem:s13], [sflag:$0x4] =	stream.indirect.gather [hbm4b:s3+s8], $0x80, s23, s8, $0xb8;
	[tilespmem:$0x19900] =	vst v63  }
0x2ae: {  	_ =	swait.ge [sflag:s9], $0x4000  }
0x2af: {  	[sflag:s9] =	ssyncset.done $0x0  }
0x2b0: {  	s23 =	rddreg [dreg:$0x10];
	[sflag:s9] =	ssyncadd.s32 $0xFFFFC000  }
0x2b1: {  	[hbm4b:s23+s2] =	stream.linear.scatter [tilespmem:s5], [sflag:$0x7], $0x4000, $0x38;
	[tilespmem:$0x19900] =	vst v63  }
0x2b2: {  	_ =	swait.ge [sflag:s17], $0x4000  }
0x2b3: {  	s23 =	sld [smem:$0x7E2]  }
0x2b4: {  	[sflag:s17] =	ssyncset.done $0x0  }
0x2b5: {  	[sflag:s17] =	ssyncadd.s32 $0xFFFFC000  }
0x2b6: {  	[tilespmem:s11], [sflag:$0x5] =	stream.indirect.gather [hbm4b:s3+s8], $0x80, s23, s8, $0xb8;
	[tilespmem:$0x19900] =	vst v63  }
0x2b7: {  	_ =	swait.ge [sflag:s10], $0x4000  }
0x2b8: {  	[sflag:s10] =	ssyncset.done $0x0  }
0x2b9: {  	s23 =	rddreg [dreg:$0x11];
	[sflag:s10] =	ssyncadd.s32 $0xFFFFC000  }
0x2ba: {  	[hbm4b:s23+s2] =	stream.linear.scatter [tilespmem:s4], [sflag:$0x8], $0x4000, $0x38;
	[tilespmem:$0x19900] =	vst v63  }
0x2bb: {  	_ =	swait.ge [sflag:s18], $0x4000  }
0x2bc: {  	s23 =	sld [smem:$0x7E3]  }
0x2bd: {  	[sflag:s18] =	ssyncset.done $0x0  }
0x2be: {  	[sflag:s18] =	ssyncadd.s32 $0xFFFFC000  }
0x2bf: {  	[tilespmem:s12], [sflag:$0x6] =	stream.indirect.gather [hbm4b:s3+s8], $0x80, s23, s8, $0xb8;
	[tilespmem:$0x19900] =	vst v63  }
0x2c0: {  	_ =	swait.ge [sflag:s22], $0x4000  }
0x2c1: {  	[sflag:s22] =	ssyncset.done $0x0  }
0x2c2: {  	s23 =	rddreg [dreg:$0x12];
	[sflag:s22] =	ssyncadd.s32 $0xFFFFC000  }
0x2c3: {  	[hbm4b:s23+s2] =	stream.linear.scatter [tilespmem:s15], [sflag:$0x9], $0x4000, $0x38;
	[tilespmem:$0x19900] =	vst v63  }
0x2c4: {  	_ =	swait.ge [sflag:s6], $0x4000  }
0x2c5: {  	s23 =	sld [smem:$0x7E4]  }
0x2c6: {  	[sflag:s6] =	ssyncset.done $0x0  }
0x2c7: {  	[sflag:s6] =	ssyncadd.s32 $0xFFFFC000  }
0x2c8: {  	[tilespmem:s5], [sflag:$0x1] =	stream.indirect.gather [hbm4b:s3+s8], $0x80, s23, s8, $0xb8;
	[tilespmem:$0x19900] =	vst v63  }
0x2c9: {  	_ =	swait.ge [sflag:s21], $0x4000  }
0x2ca: {  	[sflag:s21] =	ssyncset.done $0x0  }
0x2cb: {  	s23 =	rddreg [dreg:$0x13];
	[sflag:s21] =	ssyncadd.s32 $0xFFFFC000  }
0x2cc: {  	[hbm4b:s23+s2] =	stream.linear.scatter [tilespmem:s13], [sflag:$0xA], $0x4000, $0x38;
	[tilespmem:$0x19900] =	vst v63  }
0x2cd: {  	_ =	swait.ge [sflag:s7], $0x4000  }
0x2ce: {  	s23 =	sld [smem:$0x7E5]  }
0x2cf: {  	[sflag:s7] =	ssyncset.done $0x0  }
0x2d0: {  	[sflag:s7] =	ssyncadd.s32 $0xFFFFC000  }
0x2d1: {  	[tilespmem:s4], [sflag:$0x2] =	stream.indirect.gather [hbm4b:s3+s8], $0x80, s23, s8, $0xb8;
	[tilespmem:$0x19900] =	vst v63  }
0x2d2: {  	_ =	swait.ge [sflag:s19], $0x4000  }
0x2d3: {  	[sflag:s19] =	ssyncset.done $0x0  }
0x2d4: {  	s23 =	rddreg [dreg:$0x14];
	[sflag:s19] =	ssyncadd.s32 $0xFFFFC000  }
0x2d5: {  	[hbm4b:s23+s2] =	stream.linear.scatter [tilespmem:s11], [sflag:$0xB], $0x4000, $0x38;
	[tilespmem:$0x19900] =	vst v63  }
0x2d6: {  	_ =	swait.ge [sflag:s14], $0x4000  }
0x2d7: {  	s23 =	sld [smem:$0x7E6]  }
0x2d8: {  	[sflag:s14] =	ssyncset.done $0x0  }
0x2d9: {  	[sflag:s14] =	ssyncadd.s32 $0xFFFFC000  }
0x2da: {  	[tilespmem:s15], [sflag:$0x3] =	stream.indirect.gather [hbm4b:s3+s8], $0x80, s23, s8, $0xb8;
	[tilespmem:$0x19900] =	vst v63  }
0x2db: {  	_ =	swait.ge [sflag:s20], $0x4000  }
0x2dc: {  	[sflag:s20] =	ssyncset.done $0x0  }
0x2dd: {  	s23 =	rddreg [dreg:$0x15];
	[sflag:s20] =	ssyncadd.s32 $0xFFFFC000  }
0x2de: {  	[hbm4b:s23+s2] =	stream.linear.scatter [tilespmem:s12], [sflag:$0xC], $0x4000, $0x38;
	[tilespmem:$0x19900] =	vst v63  }
0x2df: {  	_ =	swait.ge [sflag:s16], $0x4000  }
0x2e0: {  	s23 =	sld [smem:$0x7E7]  }
0x2e1: {  	[sflag:s16] =	ssyncset.done $0x0  }
0x2e2: {  	[sflag:s16] =	ssyncadd.s32 $0xFFFFC000  }
0x2e3: {  	[tilespmem:s13], [sflag:$0x4] =	stream.indirect.gather [hbm4b:s3+s8], $0x80, s23, s8, $0xb8;
	[tilespmem:$0x19900] =	vst v63  }
0x2e4: {  	_ =	swait.ge [sflag:s9], $0x4000  }
0x2e5: {  	[sflag:s9] =	ssyncset.done $0x0  }
0x2e6: {  	s23 =	rddreg [dreg:$0x16];
	[sflag:s9] =	ssyncadd.s32 $0xFFFFC000  }
0x2e7: {  	[hbm4b:s23+s2] =	stream.linear.scatter [tilespmem:s5], [sflag:$0x7], $0x4000, $0x38;
	[tilespmem:$0x19900] =	vst v63  }
0x2e8: {  	_ =	swait.ge [sflag:s17], $0x4000  }
0x2e9: {  	s23 =	sld [smem:$0x7E8]  }
0x2ea: {  	[sflag:s17] =	ssyncset.done $0x0  }
0x2eb: {  	[sflag:s17] =	ssyncadd.s32 $0xFFFFC000  }
0x2ec: {  	[tilespmem:s11], [sflag:$0x5] =	stream.indirect.gather [hbm4b:s3+s8], $0x80, s23, s8, $0xb8;
	[tilespmem:$0x19900] =	vst v63  }
0x2ed: {  	_ =	swait.ge [sflag:s10], $0x4000  }
0x2ee: {  	[sflag:s10] =	ssyncset.done $0x0  }
0x2ef: {  	s23 =	rddreg [dreg:$0x17];
	[sflag:s10] =	ssyncadd.s32 $0xFFFFC000  }
0x2f0: {  	[hbm4b:s23+s2] =	stream.linear.scatter [tilespmem:s4], [sflag:$0x8], $0x4000, $0x38;
	[tilespmem:$0x19900] =	vst v63  }
0x2f1: {  	_ =	swait.ge [sflag:s18], $0x4000  }
0x2f2: {  	s23 =	sld [smem:$0x7E9]  }
0x2f3: {  	[sflag:s18] =	ssyncset.done $0x0  }
0x2f4: {  	[sflag:s18] =	ssyncadd.s32 $0xFFFFC000  }
0x2f5: {  	[tilespmem:s12], [sflag:$0x6] =	stream.indirect.gather [hbm4b:s3+s8], $0x80, s23, s8, $0xb8;
	[tilespmem:$0x19900] =	vst v63  }
0x2f6: {  	_ =	swait.ge [sflag:s22], $0x4000  }
0x2f7: {  	[sflag:s22] =	ssyncset.done $0x0  }
0x2f8: {  	s23 =	rddreg [dreg:$0x18];
	[sflag:s22] =	ssyncadd.s32 $0xFFFFC000  }
0x2f9: {  	[hbm4b:s23+s2] =	stream.linear.scatter [tilespmem:s15], [sflag:$0x9], $0x4000, $0x38;
	[tilespmem:$0x19900] =	vst v63  }
0x2fa: {  	_ =	swait.ge [sflag:s6], $0x4000  }
0x2fb: {  	s23 =	sld [smem:$0x7EA]  }
0x2fc: {  	[sflag:s6] =	ssyncset.done $0x0  }
0x2fd: {  	[sflag:s6] =	ssyncadd.s32 $0xFFFFC000  }
0x2fe: {  	[tilespmem:s5], [sflag:$0x1] =	stream.indirect.gather [hbm4b:s3+s8], $0x80, s23, s8, $0xb8;
	[tilespmem:$0x19900] =	vst v63  }
0x2ff: {  	_ =	swait.ge [sflag:s21], $0x4000  }
0x300: {  	[sflag:s21] =	ssyncset.done $0x0  }
0x301: {  	s23 =	rddreg [dreg:$0x19];
	[sflag:s21] =	ssyncadd.s32 $0xFFFFC000  }
0x302: {  	[hbm4b:s23+s2] =	stream.linear.scatter [tilespmem:s13], [sflag:$0xA], $0x4000, $0x38;
	[tilespmem:$0x19900] =	vst v63  }
0x303: {  	_ =	swait.ge [sflag:s7], $0x4000  }
0x304: {  	s23 =	sld [smem:$0x7EB]  }
0x305: {  	[sflag:s7] =	ssyncset.done $0x0  }
0x306: {  	[sflag:s7] =	ssyncadd.s32 $0xFFFFC000  }
0x307: {  	[tilespmem:s4], [sflag:$0x2] =	stream.indirect.gather [hbm4b:s3+s8], $0x80, s23, s8, $0xb8;
	[tilespmem:$0x19900] =	vst v63  }
0x308: {  	_ =	swait.ge [sflag:s19], $0x4000  }
0x309: {  	[sflag:s19] =	ssyncset.done $0x0  }
0x30a: {  	s23 =	rddreg [dreg:$0x1a];
	[sflag:s19] =	ssyncadd.s32 $0xFFFFC000  }
0x30b: {  	[hbm4b:s23+s2] =	stream.linear.scatter [tilespmem:s11], [sflag:$0xB], $0x4000, $0x38;
	[tilespmem:$0x19900] =	vst v63  }
0x30c: {  	_ =	swait.ge [sflag:s14], $0x4000  }
0x30d: {  	s23 =	sld [smem:$0x7EC]  }
0x30e: {  	[sflag:s14] =	ssyncset.done $0x0  }
0x30f: {  	[sflag:s14] =	ssyncadd.s32 $0xFFFFC000  }
0x310: {  	[tilespmem:s15], [sflag:$0x3] =	stream.indirect.gather [hbm4b:s3+s8], $0x80, s23, s8, $0xb8;
	[tilespmem:$0x19900] =	vst v63  }
0x311: {  	_ =	swait.ge [sflag:s20], $0x4000  }
0x312: {  	[sflag:s20] =	ssyncset.done $0x0  }
0x313: {  	s23 =	rddreg [dreg:$0x1b];
	[sflag:s20] =	ssyncadd.s32 $0xFFFFC000  }
0x314: {  	[hbm4b:s23+s2] =	stream.linear.scatter [tilespmem:s12], [sflag:$0xC], $0x4000, $0x38;
	[tilespmem:$0x19900] =	vst v63  }
0x315: {  	_ =	swait.ge [sflag:s16], $0x4000  }
0x316: {  	s23 =	sld [smem:$0x7ED]  }
0x317: {  	[sflag:s16] =	ssyncset.done $0x0  }
0x318: {  	[sflag:s16] =	ssyncadd.s32 $0xFFFFC000  }
0x319: {  	[tilespmem:s13], [sflag:$0x4] =	stream.indirect.gather [hbm4b:s3+s8], $0x80, s23, s8, $0xb8;
	[tilespmem:$0x19900] =	vst v63  }
0x31a: {  	_ =	swait.ge [sflag:s9], $0x4000  }
0x31b: {  	[sflag:s9] =	ssyncset.done $0x0  }
0x31c: {  	s23 =	rddreg [dreg:$0x1c];
	[sflag:s9] =	ssyncadd.s32 $0xFFFFC000  }
0x31d: {  	[hbm4b:s23+s2] =	stream.linear.scatter [tilespmem:s5], [sflag:$0x7], $0x4000, $0x38;
	[tilespmem:$0x19900] =	vst v63  }
0x31e: {  	_ =	swait.ge [sflag:s17], $0x4000  }
0x31f: {  	s23 =	sld [smem:$0x7EE]  }
0x320: {  	[sflag:s17] =	ssyncset.done $0x0  }
0x321: {  	[sflag:s17] =	ssyncadd.s32 $0xFFFFC000  }
0x322: {  	[tilespmem:s11], [sflag:$0x5] =	stream.indirect.gather [hbm4b:s3+s8], $0x80, s23, s8, $0xb8;
	[tilespmem:$0x19900] =	vst v63  }
0x323: {  	_ =	swait.ge [sflag:s10], $0x4000  }
0x324: {  	[sflag:s10] =	ssyncset.done $0x0  }
0x325: {  	s23 =	rddreg [dreg:$0x1d];
	[sflag:s10] =	ssyncadd.s32 $0xFFFFC000  }
0x326: {  	[hbm4b:s23+s2] =	stream.linear.scatter [tilespmem:s4], [sflag:$0x8], $0x4000, $0x38;
	[tilespmem:$0x19900] =	vst v63  }
0x327: {  	_ =	swait.ge [sflag:s18], $0x4000  }
0x328: {  	s23 =	sld [smem:$0x7EF]  }
0x329: {  	[sflag:s18] =	ssyncset.done $0x0  }
0x32a: {  	[sflag:s18] =	ssyncadd.s32 $0xFFFFC000  }
0x32b: {  	[tilespmem:s12], [sflag:$0x6] =	stream.indirect.gather [hbm4b:s3+s8], $0x80, s23, s8, $0xb8;
	[tilespmem:$0x19900] =	vst v63  }
0x32c: {  	_ =	swait.ge [sflag:s22], $0x4000  }
0x32d: {  	[sflag:s22] =	ssyncset.done $0x0  }
0x32e: {  	s23 =	rddreg [dreg:$0x1e];
	[sflag:s22] =	ssyncadd.s32 $0xFFFFC000  }
0x32f: {  	[hbm4b:s23+s2] =	stream.linear.scatter [tilespmem:s15], [sflag:$0x9], $0x4000, $0x38;
	[tilespmem:$0x19900] =	vst v63  }
0x330: {  	_ =	swait.ge [sflag:s6], $0x4000  }
0x331: {  	s23 =	sld [smem:$0x7F0]  }
0x332: {  	[sflag:s6] =	ssyncset.done $0x0  }
0x333: {  	[sflag:s6] =	ssyncadd.s32 $0xFFFFC000  }
0x334: {  	[tilespmem:s5], [sflag:$0x1] =	stream.indirect.gather [hbm4b:s3+s8], $0x80, s23, s8, $0xb8;
	[tilespmem:$0x19900] =	vst v63  }
0x335: {  	_ =	swait.ge [sflag:s21], $0x4000  }
0x336: {  	[sflag:s21] =	ssyncset.done $0x0  }
0x337: {  	s23 =	rddreg [dreg:$0x1f];
	[sflag:s21] =	ssyncadd.s32 $0xFFFFC000  }
0x338: {  	[hbm4b:s23+s2] =	stream.linear.scatter [tilespmem:s13], [sflag:$0xA], $0x4000, $0x38;
	[tilespmem:$0x19900] =	vst v63  }
0x339: {  	_ =	swait.ge [sflag:s7], $0x4000  }
0x33a: {  	s23 =	sld [smem:$0x7F1]  }
0x33b: {  	[sflag:s7] =	ssyncset.done $0x0  }
0x33c: {  	[sflag:s7] =	ssyncadd.s32 $0xFFFFC000  }
0x33d: {  	[tilespmem:s4], [sflag:$0x2] =	stream.indirect.gather [hbm4b:s3+s8], $0x80, s23, s8, $0xb8;
	[tilespmem:$0x19900] =	vst v63  }
0x33e: {  	_ =	swait.ge [sflag:s19], $0x4000  }
0x33f: {  	s23 =	sld [smem:$0x7BE]  }
0x340: {  	[sflag:s19] =	ssyncset.done $0x0  }
0x341: {  	[sflag:s19] =	ssyncadd.s32 $0xFFFFC000  }
0x342: {  	[hbm4b:s23+s2] =	stream.linear.scatter [tilespmem:s11], [sflag:$0xB], $0x4000, $0x38;
	[tilespmem:$0x19900] =	vst v63  }
0x343: {  	_ =	swait.ge [sflag:s14], $0x4000  }
0x344: {  	s23 =	sld [smem:$0x7F2]  }
0x345: {  	[sflag:s14] =	ssyncset.done $0x0  }
0x346: {  	[sflag:s14] =	ssyncadd.s32 $0xFFFFC000  }
0x347: {  	[tilespmem:s15], [sflag:$0x3] =	stream.indirect.gather [hbm4b:s3+s8], $0x80, s23, s8, $0xb8;
	[tilespmem:$0x19900] =	vst v63  }
0x348: {  	_ =	swait.ge [sflag:s20], $0x4000  }
0x349: {  	s23 =	sld [smem:$0x7BF]  }
0x34a: {  	[sflag:s20] =	ssyncset.done $0x0  }
0x34b: {  	[sflag:s20] =	ssyncadd.s32 $0xFFFFC000  }
0x34c: {  	[hbm4b:s23+s2] =	stream.linear.scatter [tilespmem:s12], [sflag:$0xC], $0x4000, $0x38;
	[tilespmem:$0x19900] =	vst v63  }
0x34d: {  	_ =	swait.ge [sflag:s16], $0x4000  }
0x34e: {  	s23 =	sld [smem:$0x7F3]  }
0x34f: {  	[sflag:s16] =	ssyncset.done $0x0  }
0x350: {  	[sflag:s16] =	ssyncadd.s32 $0xFFFFC000  }
0x351: {  	[tilespmem:s13], [sflag:$0x4] =	stream.indirect.gather [hbm4b:s3+s8], $0x80, s23, s8, $0xb8;
	[tilespmem:$0x19900] =	vst v63  }
0x352: {  	_ =	swait.ge [sflag:s9], $0x4000  }
0x353: {  	s23 =	sld [smem:$0x7C0]  }
0x354: {  	[sflag:s9] =	ssyncset.done $0x0  }
0x355: {  	[sflag:s9] =	ssyncadd.s32 $0xFFFFC000  }
0x356: {  	[hbm4b:s23+s2] =	stream.linear.scatter [tilespmem:s5], [sflag:$0x7], $0x4000, $0x38;
	[tilespmem:$0x19900] =	vst v63  }
0x357: {  	_ =	swait.ge [sflag:s17], $0x4000  }
0x358: {  	s23 =	sld [smem:$0x7F4]  }
0x359: {  	[sflag:s17] =	ssyncset.done $0x0  }
0x35a: {  	[sflag:s17] =	ssyncadd.s32 $0xFFFFC000  }
0x35b: {  	[tilespmem:s11], [sflag:$0x5] =	stream.indirect.gather [hbm4b:s3+s8], $0x80, s23, s8, $0xb8;
	[tilespmem:$0x19900] =	vst v63  }
0x35c: {  	_ =	swait.ge [sflag:s10], $0x4000  }
0x35d: {  	s23 =	sld [smem:$0x7C1]  }
0x35e: {  	[sflag:s10] =	ssyncset.done $0x0  }
0x35f: {  	[sflag:s10] =	ssyncadd.s32 $0xFFFFC000  }
0x360: {  	[hbm4b:s23+s2] =	stream.linear.scatter [tilespmem:s4], [sflag:$0x8], $0x4000, $0x38;
	[tilespmem:$0x19900] =	vst v63  }
0x361: {  	_ =	swait.ge [sflag:s18], $0x4000  }
0x362: {  	s23 =	sld [smem:$0x7F5]  }
0x363: {  	[sflag:s18] =	ssyncset.done $0x0  }
0x364: {  	[sflag:s18] =	ssyncadd.s32 $0xFFFFC000  }
0x365: {  	[tilespmem:s12], [sflag:$0x6] =	stream.indirect.gather [hbm4b:s3+s8], $0x80, s23, s8, $0xb8;
	[tilespmem:$0x19900] =	vst v63  }
0x366: {  	_ =	swait.ge [sflag:s22], $0x4000  }
0x367: {  	s23 =	sld [smem:$0x7C2]  }
0x368: {  	[sflag:s22] =	ssyncset.done $0x0  }
0x369: {  	[sflag:s22] =	ssyncadd.s32 $0xFFFFC000  }
0x36a: {  	[hbm4b:s23+s2] =	stream.linear.scatter [tilespmem:s15], [sflag:$0x9], $0x4000, $0x38;
	[tilespmem:$0x19900] =	vst v63  }
0x36b: {  	_ =	swait.ge [sflag:s6], $0x4000  }
0x36c: {  	s23 =	sld [smem:$0x7F6]  }
0x36d: {  	[sflag:s6] =	ssyncset.done $0x0  }
0x36e: {  	[sflag:s6] =	ssyncadd.s32 $0xFFFFC000  }
0x36f: {  	[tilespmem:s5], [sflag:$0x1] =	stream.indirect.gather [hbm4b:s3+s8], $0x80, s23, s8, $0xb8;
	[tilespmem:$0x19900] =	vst v63  }
0x370: {  	_ =	swait.ge [sflag:s21], $0x4000  }
0x371: {  	s23 =	sld [smem:$0x7C3]  }
0x372: {  	[sflag:s21] =	ssyncset.done $0x0  }
0x373: {  	[sflag:s21] =	ssyncadd.s32 $0xFFFFC000  }
0x374: {  	[hbm4b:s23+s2] =	stream.linear.scatter [tilespmem:s13], [sflag:$0xA], $0x4000, $0x38;
	[tilespmem:$0x19900] =	vst v63  }
0x375: {  	_ =	swait.ge [sflag:s7], $0x4000  }
0x376: {  	s23 =	sld [smem:$0x7F7]  }
0x377: {  	[sflag:s7] =	ssyncset.done $0x0  }
0x378: {  	[sflag:s7] =	ssyncadd.s32 $0xFFFFC000  }
0x379: {  	[tilespmem:s4], [sflag:$0x2] =	stream.indirect.gather [hbm4b:s3+s8], $0x80, s23, s8, $0xb8;
	[tilespmem:$0x19900] =	vst v63  }
0x37a: {  	_ =	swait.ge [sflag:s19], $0x4000  }
0x37b: {  	s23 =	sld [smem:$0x7C4]  }
0x37c: {  	[sflag:s19] =	ssyncset.done $0x0  }
0x37d: {  	[sflag:s19] =	ssyncadd.s32 $0xFFFFC000  }
0x37e: {  	[hbm4b:s23+s2] =	stream.linear.scatter [tilespmem:s11], [sflag:$0xB], $0x4000, $0x38;
	[tilespmem:$0x19900] =	vst v63  }
0x37f: {  	_ =	swait.ge [sflag:s14], $0x4000  }
0x380: {  	s23 =	sld [smem:$0x7F8]  }
0x381: {  	[sflag:s14] =	ssyncset.done $0x0  }
0x382: {  	[sflag:s14] =	ssyncadd.s32 $0xFFFFC000  }
0x383: {  	[tilespmem:s15], [sflag:$0x3] =	stream.indirect.gather [hbm4b:s3+s8], $0x80, s23, s8, $0xb8;
	[tilespmem:$0x19900] =	vst v63  }
0x384: {  	_ =	swait.ge [sflag:s20], $0x4000  }
0x385: {  	s23 =	sld [smem:$0x7C5]  }
0x386: {  	[sflag:s20] =	ssyncset.done $0x0  }
0x387: {  	[sflag:s20] =	ssyncadd.s32 $0xFFFFC000  }
0x388: {  	[hbm4b:s23+s2] =	stream.linear.scatter [tilespmem:s12], [sflag:$0xC], $0x4000, $0x38;
	[tilespmem:$0x19900] =	vst v63  }
0x389: {  	_ =	swait.ge [sflag:s16], $0x4000  }
0x38a: {  	s23 =	sld [smem:$0x7F9]  }
0x38b: {  	[sflag:s16] =	ssyncset.done $0x0  }
0x38c: {  	[sflag:s16] =	ssyncadd.s32 $0xFFFFC000  }
0x38d: {  	[tilespmem:s13], [sflag:$0x4] =	stream.indirect.gather [hbm4b:s3+s8], $0x80, s23, s8, $0xb8;
	[tilespmem:$0x19900] =	vst v63  }
0x38e: {  	_ =	swait.ge [sflag:s9], $0x4000  }
0x38f: {  	s23 =	sld [smem:$0x7C6]  }
0x390: {  	[sflag:s9] =	ssyncset.done $0x0  }
0x391: {  	[sflag:s9] =	ssyncadd.s32 $0xFFFFC000  }
0x392: {  	[hbm4b:s23+s2] =	stream.linear.scatter [tilespmem:s5], [sflag:$0x7], $0x4000, $0x38;
	[tilespmem:$0x19900] =	vst v63  }
0x393: {  	_ =	swait.ge [sflag:s17], $0x4000  }
0x394: {  	s23 =	sld [smem:$0x7FA]  }
0x395: {  	[sflag:s17] =	ssyncset.done $0x0  }
0x396: {  	[sflag:s17] =	ssyncadd.s32 $0xFFFFC000  }
0x397: {  	[tilespmem:s11], [sflag:$0x5] =	stream.indirect.gather [hbm4b:s3+s8], $0x80, s23, s8, $0xb8;
	[tilespmem:$0x19900] =	vst v63  }
0x398: {  	_ =	swait.ge [sflag:s10], $0x4000  }
0x399: {  	s23 =	sld [smem:$0x7C7]  }
0x39a: {  	[sflag:s10] =	ssyncset.done $0x0  }
0x39b: {  	[sflag:s10] =	ssyncadd.s32 $0xFFFFC000  }
0x39c: {  	[hbm4b:s23+s2] =	stream.linear.scatter [tilespmem:s4], [sflag:$0x8], $0x4000, $0x38;
	[tilespmem:$0x19900] =	vst v63  }
0x39d: {  	_ =	swait.ge [sflag:s18], $0x4000  }
0x39e: {  	s23 =	sld [smem:$0x7FB]  }
0x39f: {  	[sflag:s18] =	ssyncset.done $0x0  }
0x3a0: {  	[sflag:s18] =	ssyncadd.s32 $0xFFFFC000  }
0x3a1: {  	[tilespmem:s12], [sflag:$0x6] =	stream.indirect.gather [hbm4b:s3+s8], $0x80, s23, s8, $0xb8;
	[tilespmem:$0x19900] =	vst v63  }
0x3a2: {  	_ =	swait.ge [sflag:s22], $0x4000  }
0x3a3: {  	s23 =	sld [smem:$0x7C8]  }
0x3a4: {  	[sflag:s22] =	ssyncset.done $0x0  }
0x3a5: {  	[sflag:s22] =	ssyncadd.s32 $0xFFFFC000  }
0x3a6: {  	[hbm4b:s23+s2] =	stream.linear.scatter [tilespmem:s15], [sflag:$0x9], $0x4000, $0x38;
	[tilespmem:$0x19900] =	vst v63  }
0x3a7: {  	_ =	swait.ge [sflag:s6], $0x4000  }
0x3a8: {  	s23 =	sld [smem:$0x7FC]  }
0x3a9: {  	[sflag:s6] =	ssyncset.done $0x0  }
0x3aa: {  	[sflag:s6] =	ssyncadd.s32 $0xFFFFC000  }
0x3ab: {  	[tilespmem:s5], [sflag:$0x1] =	stream.indirect.gather [hbm4b:s3+s8], $0x80, s23, s8, $0xb8;
	[tilespmem:$0x19900] =	vst v63  }
0x3ac: {  	_ =	swait.ge [sflag:s21], $0x4000  }
0x3ad: {  	s23 =	sld [smem:$0x7C9]  }
0x3ae: {  	[sflag:s21] =	ssyncset.done $0x0  }
0x3af: {  	[sflag:s21] =	ssyncadd.s32 $0xFFFFC000  }
0x3b0: {  	[hbm4b:s23+s2] =	stream.linear.scatter [tilespmem:s13], [sflag:$0xA], $0x4000, $0x38;
	[tilespmem:$0x19900] =	vst v63  }
0x3b1: {  	_ =	swait.ge [sflag:s7], $0x4000  }
0x3b2: {  	s23 =	sld [smem:$0x7FD]  }
0x3b3: {  	[sflag:s7] =	ssyncset.done $0x0  }
0x3b4: {  	[sflag:s7] =	ssyncadd.s32 $0xFFFFC000  }
0x3b5: {  	[tilespmem:s4], [sflag:$0x2] =	stream.indirect.gather [hbm4b:s3+s8], $0x80, s23, s8, $0xb8;
	[tilespmem:$0x19900] =	vst v63  }
0x3b6: {  	_ =	swait.ge [sflag:s19], $0x4000  }
0x3b7: {  	s23 =	sld [smem:$0x7CA]  }
0x3b8: {  	[sflag:s19] =	ssyncset.done $0x0  }
0x3b9: {  	[sflag:s19] =	ssyncadd.s32 $0xFFFFC000  }
0x3ba: {  	[hbm4b:s23+s2] =	stream.linear.scatter [tilespmem:s11], [sflag:$0xB], $0x4000, $0x38;
	[tilespmem:$0x19900] =	vst v63  }
0x3bb: {  	_ =	swait.ge [sflag:s14], $0x4000  }
0x3bc: {  	[sflag:s14] =	ssyncset.done $0x0  }
0x3bd: {  	s23 =	simm.s32 $0x1600;
	[sflag:s14] =	ssyncadd.s32 $0xFFFFC000  }
0x3be: {  	[tilespmem:s15], [sflag:$0x3] =	stream.indirect.gather [hbm4b:s3+s8], $0x80, s23, s8, $0xb8;
	[tilespmem:$0x19900] =	vst v63  }
0x3bf: {  	_ =	swait.ge [sflag:s20], $0x4000  }
0x3c0: {  	s23 =	sld [smem:$0x7CB]  }
0x3c1: {  	[sflag:s20] =	ssyncset.done $0x0  }
0x3c2: {  	[sflag:s20] =	ssyncadd.s32 $0xFFFFC000  }
0x3c3: {  	[hbm4b:s23+s2] =	stream.linear.scatter [tilespmem:s12], [sflag:$0xC], $0x4000, $0x38;
	[tilespmem:$0x19900] =	vst v63  }
0x3c4: {  	_ =	swait.ge [sflag:s16], $0x4000  }
0x3c5: {  	[sflag:s16] =	ssyncset.done $0x0  }
0x3c6: {  	[sflag:s16] =	ssyncadd.s32 $0xFFFFC000  }
0x3c7: {  	[tilespmem:s13], [sflag:$0x4] =	stream.indirect.gather [hbm4b:s3+s8], $0x80, s29, s8, $0xb8;
	[tilespmem:$0x19900] =	vst v63  }
0x3c8: {  	_ =	swait.ge [sflag:s9], $0x4000  }
0x3c9: {  	s23 =	sld [smem:$0x7CC]  }
0x3ca: {  	[sflag:s9] =	ssyncset.done $0x0  }
0x3cb: {  	[sflag:s9] =	ssyncadd.s32 $0xFFFFC000  }
0x3cc: {  	[hbm4b:s23+s2] =	stream.linear.scatter [tilespmem:s5], [sflag:$0x7], $0x4000, $0x38;
	[tilespmem:$0x19900] =	vst v63  }
0x3cd: {  	_ =	swait.ge [sflag:s17], $0x4000  }
0x3ce: {  	[sflag:s17] =	ssyncset.done $0x0  }
0x3cf: {  	[sflag:s17] =	ssyncadd.s32 $0xFFFFC000  }
0x3d0: {  	[tilespmem:s11], [sflag:$0x5] =	stream.indirect.gather [hbm4b:s3+s8], $0x80, s28, s8, $0xb8;
	[tilespmem:$0x19900] =	vst v63  }
0x3d1: {  	_ =	swait.ge [sflag:s10], $0x4000  }
0x3d2: {  	s23 =	sld [smem:$0x7CD]  }
0x3d3: {  	[sflag:s10] =	ssyncset.done $0x0  }
0x3d4: {  	[sflag:s10] =	ssyncadd.s32 $0xFFFFC000  }
0x3d5: {  	[hbm4b:s23+s2] =	stream.linear.scatter [tilespmem:s4], [sflag:$0x8], $0x4000, $0x38;
	[tilespmem:$0x19900] =	vst v63  }
0x3d6: {  	_ =	swait.ge [sflag:s18], $0x4000  }
0x3d7: {  	[sflag:s18] =	ssyncset.done $0x0  }
0x3d8: {  	[sflag:s18] =	ssyncadd.s32 $0xFFFFC000  }
0x3d9: {  	[tilespmem:s12], [sflag:$0x6] =	stream.indirect.gather [hbm4b:s3+s8], $0x80, s26, s8, $0xb8;
	[tilespmem:$0x19900] =	vst v63  }
0x3da: {  	_ =	swait.ge [sflag:s22], $0x4000  }
0x3db: {  	s23 =	sld [smem:$0x7CE]  }
0x3dc: {  	[sflag:s22] =	ssyncset.done $0x0  }
0x3dd: {  	[sflag:s22] =	ssyncadd.s32 $0xFFFFC000  }
0x3de: {  	[hbm4b:s23+s2] =	stream.linear.scatter [tilespmem:s15], [sflag:$0x9], $0x4000, $0x38;
	[tilespmem:$0x19900] =	vst v63  }
0x3df: {  	_ =	swait.ge [sflag:s6], $0x4000  }
0x3e0: {  	[sflag:s6] =	ssyncset.done $0x0  }
0x3e1: {  	[sflag:s6] =	ssyncadd.s32 $0xFFFFC000  }
0x3e2: {  	[tilespmem:s5], [sflag:$0x1] =	stream.indirect.gather [hbm4b:s3+s8], $0x80, s25, s8, $0xb8;
	[tilespmem:$0x19900] =	vst v63  }
0x3e3: {  	_ =	swait.ge [sflag:s21], $0x4000  }
0x3e4: {  	s23 =	sld [smem:$0x7CF]  }
0x3e5: {  	[sflag:s21] =	ssyncset.done $0x0  }
0x3e6: {  	[sflag:s21] =	ssyncadd.s32 $0xFFFFC000  }
0x3e7: {  	[hbm4b:s23+s2] =	stream.linear.scatter [tilespmem:s13], [sflag:$0xA], $0x4000, $0x38;
	[tilespmem:$0x19900] =	vst v63  }
0x3e8: {  	_ =	swait.ge [sflag:s7], $0x4000  }
0x3e9: {  	[sflag:s7] =	ssyncset.done $0x0  }
0x3ea: {  	[sflag:s7] =	ssyncadd.s32 $0xFFFFC000  }
0x3eb: {  	[tilespmem:s4], [sflag:$0x2] =	stream.indirect.gather [hbm4b:s3+s8], $0x80, s24, s8, $0xb8;
	[tilespmem:$0x19900] =	vst v63  }
0x3ec: {  	_ =	swait.ge [sflag:s19], $0x4000  }
0x3ed: {  	s23 =	sld [smem:$0x7D0]  }
0x3ee: {  	[sflag:s19] =	ssyncset.done $0x0  }
0x3ef: {  	[sflag:s19] =	ssyncadd.s32 $0xFFFFC000  }
0x3f0: {  	[hbm4b:s23+s2] =	stream.linear.scatter [tilespmem:s11], [sflag:$0xB], $0x4000, $0x38;
	[tilespmem:$0x19900] =	vst v63  }
0x3f1: {  	_ =	swait.ge [sflag:s20], $0x4000  }
0x3f2: {  	s23 =	sld [smem:$0x7D1]  }
0x3f3: {  	[sflag:s20] =	ssyncset.done $0x0  }
0x3f4: {  	[sflag:s20] =	ssyncadd.s32 $0xFFFFC000  }
0x3f5: {  	[hbm4b:s23+s2] =	stream.linear.scatter [tilespmem:s12], [sflag:$0xC], $0x4000, $0x38;
	[tilespmem:$0x19900] =	vst v63  }
0x3f6: {  	_ =	swait.ge [sflag:s9], $0x4000  }
0x3f7: {  	s23 =	sld [smem:$0x7D2]  }
0x3f8: {  	[sflag:s9] =	ssyncset.done $0x0  }
0x3f9: {  	[sflag:s9] =	ssyncadd.s32 $0xFFFFC000  }
0x3fa: {  	[hbm4b:s23+s2] =	stream.linear.scatter [tilespmem:s5], [sflag:$0x7], $0x4000, $0x38;
	[tilespmem:$0x19900] =	vst v63  }
0x3fb: {  	_ =	swait.ge [sflag:s10], $0x4000  }
0x3fc: {  	s23 =	sld [smem:$0x7D3]  }
0x3fd: {  	[sflag:s10] =	ssyncset.done $0x0  }
0x3fe: {  	[sflag:s10] =	ssyncadd.s32 $0xFFFFC000  }
0x3ff: {  	[hbm4b:s23+s2] =	stream.linear.scatter [tilespmem:s4], [sflag:$0x8], $0x4000, $0x38;
	[tilespmem:$0x19900] =	vst v63  }
0x400: {  	_ =	swait.ge [sflag:s14], $0x4000  }
0x401: {  	[sflag:s14] =	ssyncset.done $0x0  }
0x402: {  	[sflag:s14] =	ssyncadd.s32 $0xFFFFC000  }
0x403: {  	_ =	swait.ge [sflag:s16], $0x4000  }
0x404: {  	[sflag:s16] =	ssyncset.done $0x0  }
0x405: {  	[sflag:s16] =	ssyncadd.s32 $0xFFFFC000  }
0x406: {  	_ =	swait.ge [sflag:s17], $0x4000  }
0x407: {  	[sflag:s17] =	ssyncset.done $0x0  }
0x408: {  	[sflag:s17] =	ssyncadd.s32 $0xFFFFC000  }
0x409: {  	_ =	swait.ge [sflag:s18], $0x4000  }
0x40a: {  	[sflag:s18] =	ssyncset.done $0x0  }
0x40b: {  	p1 =	sne.s32 s1, $0x1;
	[sflag:s18] =	ssyncadd.s32 $0xFFFFC000  }
.Ltmp2:
0x40c: {  	_ =	swait.ge [sflag:s6], $0x4000;
	(pc) =	sbr.rel @p1 .LBB2_4-.Ltmp2, $4  }
0x40d: {  	[sflag:s6] =	ssyncset.done $0x0  }
0x40e: {  	[sflag:s6] =	ssyncadd.s32 $0xFFFFC000  }
0x40f: {  	_ =	swait.ge [sflag:s7], $0x4000  }
0x410: {  	s1 =	sadd.s32 $0xFFFFFFFF, s1;
	s0 =	rddreg [dreg:$0x4];
	[sflag:s7] =	ssyncset.done $0x0  }
0x411: {  	s24 =	simm.s32 $0x1600;
	s29 =	simm.s32 $0x1680;
	s28 =	simm.s32 $0x1700  }
0x412: {  	s26 =	simm.s32 $0x1780;
	s25 =	simm.s32 $0x1800;
	s23 =	stileid.u32  }
.LBB2_6:
0x413: {  	[sflag:s7] =	ssyncadd.s32 @p0 $0xFFFFC000  }
0x414: {  	[tilespmem:s2], [sflag:$0xD] =	stream.linear.gather [hbm4b:s0+s2], $0x1900, $0x38;
	[tilespmem:$0x19900] =	vst v63  }
0x415: {  	_ =	swait.ge [sflag:s31], $0x1900  }
0x416: {  	[sflag:s31] =	ssyncset.done $0x0  }
0x417: {  	[sflag:s31] =	ssyncadd.s32 $0xFFFFE700  }
0x418: {  	[tilespmem:s5], [sflag:$0x1] =	stream.indirect.gather [hbm4b:s3+s8], $0x80, s2, s8, $0xb8;
	[tilespmem:$0x19900] =	vst v63  }
0x419: {  	s31 =	sld [smem:$0x7D4]  }
0x41a: {  	[tilespmem:s4], [sflag:$0x2] =	stream.indirect.gather [hbm4b:s3+s8], $0x80, s8, s8, $0xb8;
	[tilespmem:$0x19900] =	vst v63  }
0x41b: {  	s1 =	sld [smem:$0x7D5]  }
0x41c: {  	[tilespmem:s15], [sflag:$0x3] =	stream.indirect.gather [hbm4b:s3+s8], $0x80, s31, s8, $0xb8;
	[tilespmem:$0x19900] =	vst v63  }
0x41d: {  	_ = 	snop  }
0x41e: {  	[tilespmem:s13], [sflag:$0x4] =	stream.indirect.gather [hbm4b:s3+s8], $0x80, s1, s8, $0xb8;
	[tilespmem:$0x19900] =	vst v63  }
0x41f: {  	_ =	swait.ge [sflag:s9], $0x4000  }
0x420: {  	[sflag:s9] =	ssyncset.done $0x0  }
0x421: {  	s31 =	sld [smem:$0x7D6];
	[sflag:s9] =	ssyncadd.s32 $0xFFFFC000  }
0x422: {  	[hbm4b:s30+s2] =	stream.linear.scatter [tilespmem:s5], [sflag:$0x7], $0x4000, $0x38;
	[tilespmem:$0x19900] =	vst v63  }
0x423: {  	_ = 	snop  }
0x424: {  	[tilespmem:s11], [sflag:$0x5] =	stream.indirect.gather [hbm4b:s3+s8], $0x80, s31, s8, $0xb8;
	[tilespmem:$0x19900] =	vst v63  }
0x425: {  	_ =	swait.ge [sflag:s10], $0x4000  }
0x426: {  	s1 =	rddreg [dreg:$0x5];
	[sflag:s10] =	ssyncset.done $0x0  }
0x427: {  	s30 =	sld [smem:$0x7D7];
	[sflag:s10] =	ssyncadd.s32 $0xFFFFC000  }
0x428: {  	[hbm4b:s1+s2] =	stream.linear.scatter [tilespmem:s4], [sflag:$0x8], $0x4000, $0x38;
	[tilespmem:$0x19900] =	vst v63  }
0x429: {  	_ = 	snop  }
0x42a: {  	[tilespmem:s12], [sflag:$0x6] =	stream.indirect.gather [hbm4b:s3+s8], $0x80, s30, s8, $0xb8;
	[tilespmem:$0x19900] =	vst v63  }
0x42b: {  	_ =	swait.ge [sflag:s22], $0x4000  }
0x42c: {  	[sflag:s22] =	ssyncset.done $0x0  }
0x42d: {  	s31 =	rddreg [dreg:$0x6];
	[sflag:s22] =	ssyncadd.s32 $0xFFFFC000  }
0x42e: {  	[hbm4b:s31+s2] =	stream.linear.scatter [tilespmem:s15], [sflag:$0x9], $0x4000, $0x38;
	[tilespmem:$0x19900] =	vst v63  }
0x42f: {  	_ =	swait.ge [sflag:s6], $0x4000  }
0x430: {  	s1 =	sld [smem:$0x7D8]  }
0x431: {  	[sflag:s6] =	ssyncset.done $0x0  }
0x432: {  	[sflag:s6] =	ssyncadd.s32 $0xFFFFC000  }
0x433: {  	[tilespmem:s5], [sflag:$0x1] =	stream.indirect.gather [hbm4b:s3+s8], $0x80, s1, s8, $0xb8;
	[tilespmem:$0x19900] =	vst v63  }
0x434: {  	_ =	swait.ge [sflag:s21], $0x4000  }
0x435: {  	[sflag:s21] =	ssyncset.done $0x0  }
0x436: {  	s30 =	rddreg [dreg:$0x7];
	[sflag:s21] =	ssyncadd.s32 $0xFFFFC000  }
0x437: {  	[hbm4b:s30+s2] =	stream.linear.scatter [tilespmem:s13], [sflag:$0xA], $0x4000, $0x38;
	[tilespmem:$0x19900] =	vst v63  }
0x438: {  	_ =	swait.ge [sflag:s7], $0x4000  }
0x439: {  	s31 =	sld [smem:$0x7D9]  }
0x43a: {  	[sflag:s7] =	ssyncset.done $0x0  }
0x43b: {  	[sflag:s7] =	ssyncadd.s32 $0xFFFFC000  }
0x43c: {  	[tilespmem:s4], [sflag:$0x2] =	stream.indirect.gather [hbm4b:s3+s8], $0x80, s31, s8, $0xb8;
	[tilespmem:$0x19900] =	vst v63  }
0x43d: {  	_ =	swait.ge [sflag:s19], $0x4000  }
0x43e: {  	[sflag:s19] =	ssyncset.done $0x0  }
0x43f: {  	s1 =	rddreg [dreg:$0x8];
	[sflag:s19] =	ssyncadd.s32 $0xFFFFC000  }
0x440: {  	[hbm4b:s1+s2] =	stream.linear.scatter [tilespmem:s11], [sflag:$0xB], $0x4000, $0x38;
	[tilespmem:$0x19900] =	vst v63  }
0x441: {  	_ =	swait.ge [sflag:s14], $0x4000  }
0x442: {  	s30 =	sld [smem:$0x7DA]  }
0x443: {  	[sflag:s14] =	ssyncset.done $0x0  }
0x444: {  	[sflag:s14] =	ssyncadd.s32 $0xFFFFC000  }
0x445: {  	[tilespmem:s15], [sflag:$0x3] =	stream.indirect.gather [hbm4b:s3+s8], $0x80, s30, s8, $0xb8;
	[tilespmem:$0x19900] =	vst v63  }
0x446: {  	_ =	swait.ge [sflag:s20], $0x4000  }
0x447: {  	[sflag:s20] =	ssyncset.done $0x0  }
0x448: {  	s31 =	rddreg [dreg:$0x9];
	[sflag:s20] =	ssyncadd.s32 $0xFFFFC000  }
0x449: {  	[hbm4b:s31+s2] =	stream.linear.scatter [tilespmem:s12], [sflag:$0xC], $0x4000, $0x38;
	[tilespmem:$0x19900] =	vst v63  }
0x44a: {  	_ =	swait.ge [sflag:s16], $0x4000  }
0x44b: {  	s1 =	sld [smem:$0x7DB]  }
0x44c: {  	[sflag:s16] =	ssyncset.done $0x0  }
0x44d: {  	[sflag:s16] =	ssyncadd.s32 $0xFFFFC000  }
0x44e: {  	[tilespmem:s13], [sflag:$0x4] =	stream.indirect.gather [hbm4b:s3+s8], $0x80, s1, s8, $0xb8;
	[tilespmem:$0x19900] =	vst v63  }
0x44f: {  	_ =	swait.ge [sflag:s9], $0x4000  }
0x450: {  	[sflag:s9] =	ssyncset.done $0x0  }
0x451: {  	s30 =	rddreg [dreg:$0xa];
	[sflag:s9] =	ssyncadd.s32 $0xFFFFC000  }
0x452: {  	[hbm4b:s30+s2] =	stream.linear.scatter [tilespmem:s5], [sflag:$0x7], $0x4000, $0x38;
	[tilespmem:$0x19900] =	vst v63  }
0x453: {  	_ =	swait.ge [sflag:s17], $0x4000  }
0x454: {  	s31 =	sld [smem:$0x7DC]  }
0x455: {  	[sflag:s17] =	ssyncset.done $0x0  }
0x456: {  	[sflag:s17] =	ssyncadd.s32 $0xFFFFC000  }
0x457: {  	[tilespmem:s11], [sflag:$0x5] =	stream.indirect.gather [hbm4b:s3+s8], $0x80, s31, s8, $0xb8;
	[tilespmem:$0x19900] =	vst v63  }
0x458: {  	_ =	swait.ge [sflag:s10], $0x4000  }
0x459: {  	[sflag:s10] =	ssyncset.done $0x0  }
0x45a: {  	s1 =	rddreg [dreg:$0xb];
	[sflag:s10] =	ssyncadd.s32 $0xFFFFC000  }
0x45b: {  	[hbm4b:s1+s2] =	stream.linear.scatter [tilespmem:s4], [sflag:$0x8], $0x4000, $0x38;
	[tilespmem:$0x19900] =	vst v63  }
0x45c: {  	_ =	swait.ge [sflag:s18], $0x4000  }
0x45d: {  	s30 =	sld [smem:$0x7DD]  }
0x45e: {  	[sflag:s18] =	ssyncset.done $0x0  }
0x45f: {  	[sflag:s18] =	ssyncadd.s32 $0xFFFFC000  }
0x460: {  	[tilespmem:s12], [sflag:$0x6] =	stream.indirect.gather [hbm4b:s3+s8], $0x80, s30, s8, $0xb8;
	[tilespmem:$0x19900] =	vst v63  }
0x461: {  	_ =	swait.ge [sflag:s22], $0x4000  }
0x462: {  	[sflag:s22] =	ssyncset.done $0x0  }
0x463: {  	s31 =	rddreg [dreg:$0xc];
	[sflag:s22] =	ssyncadd.s32 $0xFFFFC000  }
0x464: {  	[hbm4b:s31+s2] =	stream.linear.scatter [tilespmem:s15], [sflag:$0x9], $0x4000, $0x38;
	[tilespmem:$0x19900] =	vst v63  }
0x465: {  	_ =	swait.ge [sflag:s6], $0x4000  }
0x466: {  	s1 =	sld [smem:$0x7DE]  }
0x467: {  	[sflag:s6] =	ssyncset.done $0x0  }
0x468: {  	[sflag:s6] =	ssyncadd.s32 $0xFFFFC000  }
0x469: {  	[tilespmem:s5], [sflag:$0x1] =	stream.indirect.gather [hbm4b:s3+s8], $0x80, s1, s8, $0xb8;
	[tilespmem:$0x19900] =	vst v63  }
0x46a: {  	_ =	swait.ge [sflag:s21], $0x4000  }
0x46b: {  	[sflag:s21] =	ssyncset.done $0x0  }
0x46c: {  	s30 =	rddreg [dreg:$0xd];
	[sflag:s21] =	ssyncadd.s32 $0xFFFFC000  }
0x46d: {  	[hbm4b:s30+s2] =	stream.linear.scatter [tilespmem:s13], [sflag:$0xA], $0x4000, $0x38;
	[tilespmem:$0x19900] =	vst v63  }
0x46e: {  	_ =	swait.ge [sflag:s7], $0x4000  }
0x46f: {  	s31 =	sld [smem:$0x7DF]  }
0x470: {  	[sflag:s7] =	ssyncset.done $0x0  }
0x471: {  	[sflag:s7] =	ssyncadd.s32 $0xFFFFC000  }
0x472: {  	[tilespmem:s4], [sflag:$0x2] =	stream.indirect.gather [hbm4b:s3+s8], $0x80, s31, s8, $0xb8;
	[tilespmem:$0x19900] =	vst v63  }
0x473: {  	_ =	swait.ge [sflag:s19], $0x4000  }
0x474: {  	[sflag:s19] =	ssyncset.done $0x0  }
0x475: {  	s1 =	rddreg [dreg:$0xe];
	[sflag:s19] =	ssyncadd.s32 $0xFFFFC000  }
0x476: {  	[hbm4b:s1+s2] =	stream.linear.scatter [tilespmem:s11], [sflag:$0xB], $0x4000, $0x38;
	[tilespmem:$0x19900] =	vst v63  }
0x477: {  	_ =	swait.ge [sflag:s14], $0x4000  }
0x478: {  	s30 =	sld [smem:$0x7E0]  }
0x479: {  	[sflag:s14] =	ssyncset.done $0x0  }
0x47a: {  	[sflag:s14] =	ssyncadd.s32 $0xFFFFC000  }
0x47b: {  	[tilespmem:s15], [sflag:$0x3] =	stream.indirect.gather [hbm4b:s3+s8], $0x80, s30, s8, $0xb8;
	[tilespmem:$0x19900] =	vst v63  }
0x47c: {  	_ =	swait.ge [sflag:s20], $0x4000  }
0x47d: {  	[sflag:s20] =	ssyncset.done $0x0  }
0x47e: {  	s31 =	rddreg [dreg:$0xf];
	[sflag:s20] =	ssyncadd.s32 $0xFFFFC000  }
0x47f: {  	[hbm4b:s31+s2] =	stream.linear.scatter [tilespmem:s12], [sflag:$0xC], $0x4000, $0x38;
	[tilespmem:$0x19900] =	vst v63  }
0x480: {  	_ =	swait.ge [sflag:s16], $0x4000  }
0x481: {  	s1 =	sld [smem:$0x7E1]  }
0x482: {  	[sflag:s16] =	ssyncset.done $0x0  }
0x483: {  	[sflag:s16] =	ssyncadd.s32 $0xFFFFC000  }
0x484: {  	[tilespmem:s13], [sflag:$0x4] =	stream.indirect.gather [hbm4b:s3+s8], $0x80, s1, s8, $0xb8;
	[tilespmem:$0x19900] =	vst v63  }
0x485: {  	_ =	swait.ge [sflag:s9], $0x4000  }
0x486: {  	[sflag:s9] =	ssyncset.done $0x0  }
0x487: {  	s30 =	rddreg [dreg:$0x10];
	[sflag:s9] =	ssyncadd.s32 $0xFFFFC000  }
0x488: {  	[hbm4b:s30+s2] =	stream.linear.scatter [tilespmem:s5], [sflag:$0x7], $0x4000, $0x38;
	[tilespmem:$0x19900] =	vst v63  }
0x489: {  	_ =	swait.ge [sflag:s17], $0x4000  }
0x48a: {  	s31 =	sld [smem:$0x7E2]  }
0x48b: {  	[sflag:s17] =	ssyncset.done $0x0  }
0x48c: {  	[sflag:s17] =	ssyncadd.s32 $0xFFFFC000  }
0x48d: {  	[tilespmem:s11], [sflag:$0x5] =	stream.indirect.gather [hbm4b:s3+s8], $0x80, s31, s8, $0xb8;
	[tilespmem:$0x19900] =	vst v63  }
0x48e: {  	_ =	swait.ge [sflag:s10], $0x4000  }
0x48f: {  	[sflag:s10] =	ssyncset.done $0x0  }
0x490: {  	s1 =	rddreg [dreg:$0x11];
	[sflag:s10] =	ssyncadd.s32 $0xFFFFC000  }
0x491: {  	[hbm4b:s1+s2] =	stream.linear.scatter [tilespmem:s4], [sflag:$0x8], $0x4000, $0x38;
	[tilespmem:$0x19900] =	vst v63  }
0x492: {  	_ =	swait.ge [sflag:s18], $0x4000  }
0x493: {  	s30 =	sld [smem:$0x7E3]  }
0x494: {  	[sflag:s18] =	ssyncset.done $0x0  }
0x495: {  	[sflag:s18] =	ssyncadd.s32 $0xFFFFC000  }
0x496: {  	[tilespmem:s12], [sflag:$0x6] =	stream.indirect.gather [hbm4b:s3+s8], $0x80, s30, s8, $0xb8;
	[tilespmem:$0x19900] =	vst v63  }
0x497: {  	_ =	swait.ge [sflag:s22], $0x4000  }
0x498: {  	[sflag:s22] =	ssyncset.done $0x0  }
0x499: {  	s31 =	rddreg [dreg:$0x12];
	[sflag:s22] =	ssyncadd.s32 $0xFFFFC000  }
0x49a: {  	[hbm4b:s31+s2] =	stream.linear.scatter [tilespmem:s15], [sflag:$0x9], $0x4000, $0x38;
	[tilespmem:$0x19900] =	vst v63  }
0x49b: {  	_ =	swait.ge [sflag:s6], $0x4000  }
0x49c: {  	s1 =	sld [smem:$0x7E4]  }
0x49d: {  	[sflag:s6] =	ssyncset.done $0x0  }
0x49e: {  	[sflag:s6] =	ssyncadd.s32 $0xFFFFC000  }
0x49f: {  	[tilespmem:s5], [sflag:$0x1] =	stream.indirect.gather [hbm4b:s3+s8], $0x80, s1, s8, $0xb8;
	[tilespmem:$0x19900] =	vst v63  }
0x4a0: {  	_ =	swait.ge [sflag:s21], $0x4000  }
0x4a1: {  	[sflag:s21] =	ssyncset.done $0x0  }
0x4a2: {  	s30 =	rddreg [dreg:$0x13];
	[sflag:s21] =	ssyncadd.s32 $0xFFFFC000  }
0x4a3: {  	[hbm4b:s30+s2] =	stream.linear.scatter [tilespmem:s13], [sflag:$0xA], $0x4000, $0x38;
	[tilespmem:$0x19900] =	vst v63  }
0x4a4: {  	_ =	swait.ge [sflag:s7], $0x4000  }
0x4a5: {  	s31 =	sld [smem:$0x7E5]  }
0x4a6: {  	[sflag:s7] =	ssyncset.done $0x0  }
0x4a7: {  	[sflag:s7] =	ssyncadd.s32 $0xFFFFC000  }
0x4a8: {  	[tilespmem:s4], [sflag:$0x2] =	stream.indirect.gather [hbm4b:s3+s8], $0x80, s31, s8, $0xb8;
	[tilespmem:$0x19900] =	vst v63  }
0x4a9: {  	_ =	swait.ge [sflag:s19], $0x4000  }
0x4aa: {  	[sflag:s19] =	ssyncset.done $0x0  }
0x4ab: {  	s1 =	rddreg [dreg:$0x14];
	[sflag:s19] =	ssyncadd.s32 $0xFFFFC000  }
0x4ac: {  	[hbm4b:s1+s2] =	stream.linear.scatter [tilespmem:s11], [sflag:$0xB], $0x4000, $0x38;
	[tilespmem:$0x19900] =	vst v63  }
0x4ad: {  	_ =	swait.ge [sflag:s14], $0x4000  }
0x4ae: {  	s30 =	sld [smem:$0x7E6]  }
0x4af: {  	[sflag:s14] =	ssyncset.done $0x0  }
0x4b0: {  	[sflag:s14] =	ssyncadd.s32 $0xFFFFC000  }
0x4b1: {  	[tilespmem:s15], [sflag:$0x3] =	stream.indirect.gather [hbm4b:s3+s8], $0x80, s30, s8, $0xb8;
	[tilespmem:$0x19900] =	vst v63  }
0x4b2: {  	_ =	swait.ge [sflag:s20], $0x4000  }
0x4b3: {  	[sflag:s20] =	ssyncset.done $0x0  }
0x4b4: {  	s31 =	rddreg [dreg:$0x15];
	[sflag:s20] =	ssyncadd.s32 $0xFFFFC000  }
0x4b5: {  	[hbm4b:s31+s2] =	stream.linear.scatter [tilespmem:s12], [sflag:$0xC], $0x4000, $0x38;
	[tilespmem:$0x19900] =	vst v63  }
0x4b6: {  	_ =	swait.ge [sflag:s16], $0x4000  }
0x4b7: {  	s1 =	sld [smem:$0x7E7]  }
0x4b8: {  	[sflag:s16] =	ssyncset.done $0x0  }
0x4b9: {  	[sflag:s16] =	ssyncadd.s32 $0xFFFFC000  }
0x4ba: {  	[tilespmem:s13], [sflag:$0x4] =	stream.indirect.gather [hbm4b:s3+s8], $0x80, s1, s8, $0xb8;
	[tilespmem:$0x19900] =	vst v63  }
0x4bb: {  	_ =	swait.ge [sflag:s9], $0x4000  }
0x4bc: {  	[sflag:s9] =	ssyncset.done $0x0  }
0x4bd: {  	s30 =	rddreg [dreg:$0x16];
	[sflag:s9] =	ssyncadd.s32 $0xFFFFC000  }
0x4be: {  	[hbm4b:s30+s2] =	stream.linear.scatter [tilespmem:s5], [sflag:$0x7], $0x4000, $0x38;
	[tilespmem:$0x19900] =	vst v63  }
0x4bf: {  	_ =	swait.ge [sflag:s17], $0x4000  }
0x4c0: {  	s31 =	sld [smem:$0x7E8]  }
0x4c1: {  	[sflag:s17] =	ssyncset.done $0x0  }
0x4c2: {  	[sflag:s17] =	ssyncadd.s32 $0xFFFFC000  }
0x4c3: {  	[tilespmem:s11], [sflag:$0x5] =	stream.indirect.gather [hbm4b:s3+s8], $0x80, s31, s8, $0xb8;
	[tilespmem:$0x19900] =	vst v63  }
0x4c4: {  	_ =	swait.ge [sflag:s10], $0x4000  }
0x4c5: {  	[sflag:s10] =	ssyncset.done $0x0  }
0x4c6: {  	s1 =	rddreg [dreg:$0x17];
	[sflag:s10] =	ssyncadd.s32 $0xFFFFC000  }
0x4c7: {  	[hbm4b:s1+s2] =	stream.linear.scatter [tilespmem:s4], [sflag:$0x8], $0x4000, $0x38;
	[tilespmem:$0x19900] =	vst v63  }
0x4c8: {  	_ =	swait.ge [sflag:s18], $0x4000  }
0x4c9: {  	s30 =	sld [smem:$0x7E9]  }
0x4ca: {  	[sflag:s18] =	ssyncset.done $0x0  }
0x4cb: {  	[sflag:s18] =	ssyncadd.s32 $0xFFFFC000  }
0x4cc: {  	[tilespmem:s12], [sflag:$0x6] =	stream.indirect.gather [hbm4b:s3+s8], $0x80, s30, s8, $0xb8;
	[tilespmem:$0x19900] =	vst v63  }
0x4cd: {  	_ =	swait.ge [sflag:s22], $0x4000  }
0x4ce: {  	[sflag:s22] =	ssyncset.done $0x0  }
0x4cf: {  	s31 =	rddreg [dreg:$0x18];
	[sflag:s22] =	ssyncadd.s32 $0xFFFFC000  }
0x4d0: {  	[hbm4b:s31+s2] =	stream.linear.scatter [tilespmem:s15], [sflag:$0x9], $0x4000, $0x38;
	[tilespmem:$0x19900] =	vst v63  }
0x4d1: {  	_ =	swait.ge [sflag:s6], $0x4000  }
0x4d2: {  	s1 =	sld [smem:$0x7EA]  }
0x4d3: {  	[sflag:s6] =	ssyncset.done $0x0  }
0x4d4: {  	[sflag:s6] =	ssyncadd.s32 $0xFFFFC000  }
0x4d5: {  	[tilespmem:s5], [sflag:$0x1] =	stream.indirect.gather [hbm4b:s3+s8], $0x80, s1, s8, $0xb8;
	[tilespmem:$0x19900] =	vst v63  }
0x4d6: {  	_ =	swait.ge [sflag:s21], $0x4000  }
0x4d7: {  	[sflag:s21] =	ssyncset.done $0x0  }
0x4d8: {  	s30 =	rddreg [dreg:$0x19];
	[sflag:s21] =	ssyncadd.s32 $0xFFFFC000  }
0x4d9: {  	[hbm4b:s30+s2] =	stream.linear.scatter [tilespmem:s13], [sflag:$0xA], $0x4000, $0x38;
	[tilespmem:$0x19900] =	vst v63  }
0x4da: {  	_ =	swait.ge [sflag:s7], $0x4000  }
0x4db: {  	s31 =	sld [smem:$0x7EB]  }
0x4dc: {  	[sflag:s7] =	ssyncset.done $0x0  }
0x4dd: {  	[sflag:s7] =	ssyncadd.s32 $0xFFFFC000  }
0x4de: {  	[tilespmem:s4], [sflag:$0x2] =	stream.indirect.gather [hbm4b:s3+s8], $0x80, s31, s8, $0xb8;
	[tilespmem:$0x19900] =	vst v63  }
0x4df: {  	_ =	swait.ge [sflag:s19], $0x4000  }
0x4e0: {  	[sflag:s19] =	ssyncset.done $0x0  }
0x4e1: {  	s1 =	rddreg [dreg:$0x1a];
	[sflag:s19] =	ssyncadd.s32 $0xFFFFC000  }
0x4e2: {  	[hbm4b:s1+s2] =	stream.linear.scatter [tilespmem:s11], [sflag:$0xB], $0x4000, $0x38;
	[tilespmem:$0x19900] =	vst v63  }
0x4e3: {  	_ =	swait.ge [sflag:s14], $0x4000  }
0x4e4: {  	s30 =	sld [smem:$0x7EC]  }
0x4e5: {  	[sflag:s14] =	ssyncset.done $0x0  }
0x4e6: {  	[sflag:s14] =	ssyncadd.s32 $0xFFFFC000  }
0x4e7: {  	[tilespmem:s15], [sflag:$0x3] =	stream.indirect.gather [hbm4b:s3+s8], $0x80, s30, s8, $0xb8;
	[tilespmem:$0x19900] =	vst v63  }
0x4e8: {  	_ =	swait.ge [sflag:s20], $0x4000  }
0x4e9: {  	[sflag:s20] =	ssyncset.done $0x0  }
0x4ea: {  	s31 =	rddreg [dreg:$0x1b];
	[sflag:s20] =	ssyncadd.s32 $0xFFFFC000  }
0x4eb: {  	[hbm4b:s31+s2] =	stream.linear.scatter [tilespmem:s12], [sflag:$0xC], $0x4000, $0x38;
	[tilespmem:$0x19900] =	vst v63  }
0x4ec: {  	_ =	swait.ge [sflag:s16], $0x4000  }
0x4ed: {  	s1 =	sld [smem:$0x7ED]  }
0x4ee: {  	[sflag:s16] =	ssyncset.done $0x0  }
0x4ef: {  	[sflag:s16] =	ssyncadd.s32 $0xFFFFC000  }
0x4f0: {  	[tilespmem:s13], [sflag:$0x4] =	stream.indirect.gather [hbm4b:s3+s8], $0x80, s1, s8, $0xb8;
	[tilespmem:$0x19900] =	vst v63  }
0x4f1: {  	_ =	swait.ge [sflag:s9], $0x4000  }
0x4f2: {  	[sflag:s9] =	ssyncset.done $0x0  }
0x4f3: {  	s30 =	rddreg [dreg:$0x1c];
	[sflag:s9] =	ssyncadd.s32 $0xFFFFC000  }
0x4f4: {  	[hbm4b:s30+s2] =	stream.linear.scatter [tilespmem:s5], [sflag:$0x7], $0x4000, $0x38;
	[tilespmem:$0x19900] =	vst v63  }
0x4f5: {  	_ =	swait.ge [sflag:s17], $0x4000  }
0x4f6: {  	s31 =	sld [smem:$0x7EE]  }
0x4f7: {  	[sflag:s17] =	ssyncset.done $0x0  }
0x4f8: {  	[sflag:s17] =	ssyncadd.s32 $0xFFFFC000  }
0x4f9: {  	[tilespmem:s11], [sflag:$0x5] =	stream.indirect.gather [hbm4b:s3+s8], $0x80, s31, s8, $0xb8;
	[tilespmem:$0x19900] =	vst v63  }
0x4fa: {  	_ =	swait.ge [sflag:s10], $0x4000  }
0x4fb: {  	[sflag:s10] =	ssyncset.done $0x0  }
0x4fc: {  	s1 =	rddreg [dreg:$0x1d];
	[sflag:s10] =	ssyncadd.s32 $0xFFFFC000  }
0x4fd: {  	[hbm4b:s1+s2] =	stream.linear.scatter [tilespmem:s4], [sflag:$0x8], $0x4000, $0x38;
	[tilespmem:$0x19900] =	vst v63  }
0x4fe: {  	_ =	swait.ge [sflag:s18], $0x4000  }
0x4ff: {  	s30 =	sld [smem:$0x7EF]  }
0x500: {  	[sflag:s18] =	ssyncset.done $0x0  }
0x501: {  	[sflag:s18] =	ssyncadd.s32 $0xFFFFC000  }
0x502: {  	[tilespmem:s12], [sflag:$0x6] =	stream.indirect.gather [hbm4b:s3+s8], $0x80, s30, s8, $0xb8;
	[tilespmem:$0x19900] =	vst v63  }
0x503: {  	_ =	swait.ge [sflag:s22], $0x4000  }
0x504: {  	[sflag:s22] =	ssyncset.done $0x0  }
0x505: {  	s31 =	rddreg [dreg:$0x1e];
	[sflag:s22] =	ssyncadd.s32 $0xFFFFC000  }
0x506: {  	[hbm4b:s31+s2] =	stream.linear.scatter [tilespmem:s15], [sflag:$0x9], $0x4000, $0x38;
	[tilespmem:$0x19900] =	vst v63  }
0x507: {  	_ =	swait.ge [sflag:s6], $0x4000  }
0x508: {  	s1 =	sld [smem:$0x7F0]  }
0x509: {  	[sflag:s6] =	ssyncset.done $0x0  }
0x50a: {  	[sflag:s6] =	ssyncadd.s32 $0xFFFFC000  }
0x50b: {  	[tilespmem:s5], [sflag:$0x1] =	stream.indirect.gather [hbm4b:s3+s8], $0x80, s1, s8, $0xb8;
	[tilespmem:$0x19900] =	vst v63  }
0x50c: {  	_ =	swait.ge [sflag:s21], $0x4000  }
0x50d: {  	[sflag:s21] =	ssyncset.done $0x0  }
0x50e: {  	s30 =	rddreg [dreg:$0x1f];
	[sflag:s21] =	ssyncadd.s32 $0xFFFFC000  }
0x50f: {  	[hbm4b:s30+s2] =	stream.linear.scatter [tilespmem:s13], [sflag:$0xA], $0x4000, $0x38;
	[tilespmem:$0x19900] =	vst v63  }
0x510: {  	_ =	swait.ge [sflag:s7], $0x4000  }
0x511: {  	s31 =	sld [smem:$0x7F1]  }
0x512: {  	[sflag:s7] =	ssyncset.done $0x0  }
0x513: {  	[sflag:s7] =	ssyncadd.s32 $0xFFFFC000  }
0x514: {  	[tilespmem:s4], [sflag:$0x2] =	stream.indirect.gather [hbm4b:s3+s8], $0x80, s31, s8, $0xb8;
	[tilespmem:$0x19900] =	vst v63  }
0x515: {  	_ =	swait.ge [sflag:s19], $0x4000  }
0x516: {  	s1 =	sld [smem:$0x7BE]  }
0x517: {  	[sflag:s19] =	ssyncset.done $0x0  }
0x518: {  	[sflag:s19] =	ssyncadd.s32 $0xFFFFC000  }
0x519: {  	[hbm4b:s1+s2] =	stream.linear.scatter [tilespmem:s11], [sflag:$0xB], $0x4000, $0x38;
	[tilespmem:$0x19900] =	vst v63  }
0x51a: {  	_ =	swait.ge [sflag:s14], $0x4000  }
0x51b: {  	s30 =	sld [smem:$0x7F2]  }
0x51c: {  	[sflag:s14] =	ssyncset.done $0x0  }
0x51d: {  	[sflag:s14] =	ssyncadd.s32 $0xFFFFC000  }
0x51e: {  	[tilespmem:s15], [sflag:$0x3] =	stream.indirect.gather [hbm4b:s3+s8], $0x80, s30, s8, $0xb8;
	[tilespmem:$0x19900] =	vst v63  }
0x51f: {  	_ =	swait.ge [sflag:s20], $0x4000  }
0x520: {  	s31 =	sld [smem:$0x7BF]  }
0x521: {  	[sflag:s20] =	ssyncset.done $0x0  }
0x522: {  	[sflag:s20] =	ssyncadd.s32 $0xFFFFC000  }
0x523: {  	[hbm4b:s31+s2] =	stream.linear.scatter [tilespmem:s12], [sflag:$0xC], $0x4000, $0x38;
	[tilespmem:$0x19900] =	vst v63  }
0x524: {  	_ =	swait.ge [sflag:s16], $0x4000  }
0x525: {  	s1 =	sld [smem:$0x7F3]  }
0x526: {  	[sflag:s16] =	ssyncset.done $0x0  }
0x527: {  	[sflag:s16] =	ssyncadd.s32 $0xFFFFC000  }
0x528: {  	[tilespmem:s13], [sflag:$0x4] =	stream.indirect.gather [hbm4b:s3+s8], $0x80, s1, s8, $0xb8;
	[tilespmem:$0x19900] =	vst v63  }
0x529: {  	_ =	swait.ge [sflag:s9], $0x4000  }
0x52a: {  	s30 =	sld [smem:$0x7C0]  }
0x52b: {  	[sflag:s9] =	ssyncset.done $0x0  }
0x52c: {  	[sflag:s9] =	ssyncadd.s32 $0xFFFFC000  }
0x52d: {  	[hbm4b:s30+s2] =	stream.linear.scatter [tilespmem:s5], [sflag:$0x7], $0x4000, $0x38;
	[tilespmem:$0x19900] =	vst v63  }
0x52e: {  	_ =	swait.ge [sflag:s17], $0x4000  }
0x52f: {  	s31 =	sld [smem:$0x7F4]  }
0x530: {  	[sflag:s17] =	ssyncset.done $0x0  }
0x531: {  	[sflag:s17] =	ssyncadd.s32 $0xFFFFC000  }
0x532: {  	[tilespmem:s11], [sflag:$0x5] =	stream.indirect.gather [hbm4b:s3+s8], $0x80, s31, s8, $0xb8;
	[tilespmem:$0x19900] =	vst v63  }
0x533: {  	_ =	swait.ge [sflag:s10], $0x4000  }
0x534: {  	s1 =	sld [smem:$0x7C1]  }
0x535: {  	[sflag:s10] =	ssyncset.done $0x0  }
0x536: {  	[sflag:s10] =	ssyncadd.s32 $0xFFFFC000  }
0x537: {  	[hbm4b:s1+s2] =	stream.linear.scatter [tilespmem:s4], [sflag:$0x8], $0x4000, $0x38;
	[tilespmem:$0x19900] =	vst v63  }
0x538: {  	_ =	swait.ge [sflag:s18], $0x4000  }
0x539: {  	s30 =	sld [smem:$0x7F5]  }
0x53a: {  	[sflag:s18] =	ssyncset.done $0x0  }
0x53b: {  	[sflag:s18] =	ssyncadd.s32 $0xFFFFC000  }
0x53c: {  	[tilespmem:s12], [sflag:$0x6] =	stream.indirect.gather [hbm4b:s3+s8], $0x80, s30, s8, $0xb8;
	[tilespmem:$0x19900] =	vst v63  }
0x53d: {  	_ =	swait.ge [sflag:s22], $0x4000  }
0x53e: {  	s31 =	sld [smem:$0x7C2]  }
0x53f: {  	[sflag:s22] =	ssyncset.done $0x0  }
0x540: {  	[sflag:s22] =	ssyncadd.s32 $0xFFFFC000  }
0x541: {  	[hbm4b:s31+s2] =	stream.linear.scatter [tilespmem:s15], [sflag:$0x9], $0x4000, $0x38;
	[tilespmem:$0x19900] =	vst v63  }
0x542: {  	_ =	swait.ge [sflag:s6], $0x4000  }
0x543: {  	s1 =	sld [smem:$0x7F6]  }
0x544: {  	[sflag:s6] =	ssyncset.done $0x0  }
0x545: {  	[sflag:s6] =	ssyncadd.s32 $0xFFFFC000  }
0x546: {  	[tilespmem:s5], [sflag:$0x1] =	stream.indirect.gather [hbm4b:s3+s8], $0x80, s1, s8, $0xb8;
	[tilespmem:$0x19900] =	vst v63  }
0x547: {  	_ =	swait.ge [sflag:s21], $0x4000  }
0x548: {  	s30 =	sld [smem:$0x7C3]  }
0x549: {  	[sflag:s21] =	ssyncset.done $0x0  }
0x54a: {  	[sflag:s21] =	ssyncadd.s32 $0xFFFFC000  }
0x54b: {  	[hbm4b:s30+s2] =	stream.linear.scatter [tilespmem:s13], [sflag:$0xA], $0x4000, $0x38;
	[tilespmem:$0x19900] =	vst v63  }
0x54c: {  	_ =	swait.ge [sflag:s7], $0x4000  }
0x54d: {  	s31 =	sld [smem:$0x7F7]  }
0x54e: {  	[sflag:s7] =	ssyncset.done $0x0  }
0x54f: {  	[sflag:s7] =	ssyncadd.s32 $0xFFFFC000  }
0x550: {  	[tilespmem:s4], [sflag:$0x2] =	stream.indirect.gather [hbm4b:s3+s8], $0x80, s31, s8, $0xb8;
	[tilespmem:$0x19900] =	vst v63  }
0x551: {  	_ =	swait.ge [sflag:s19], $0x4000  }
0x552: {  	s1 =	sld [smem:$0x7C4]  }
0x553: {  	[sflag:s19] =	ssyncset.done $0x0  }
0x554: {  	[sflag:s19] =	ssyncadd.s32 $0xFFFFC000  }
0x555: {  	[hbm4b:s1+s2] =	stream.linear.scatter [tilespmem:s11], [sflag:$0xB], $0x4000, $0x38;
	[tilespmem:$0x19900] =	vst v63  }
0x556: {  	_ =	swait.ge [sflag:s14], $0x4000  }
0x557: {  	s30 =	sld [smem:$0x7F8]  }
0x558: {  	[sflag:s14] =	ssyncset.done $0x0  }
0x559: {  	[sflag:s14] =	ssyncadd.s32 $0xFFFFC000  }
0x55a: {  	[tilespmem:s15], [sflag:$0x3] =	stream.indirect.gather [hbm4b:s3+s8], $0x80, s30, s8, $0xb8;
	[tilespmem:$0x19900] =	vst v63  }
0x55b: {  	_ =	swait.ge [sflag:s20], $0x4000  }
0x55c: {  	s31 =	sld [smem:$0x7C5]  }
0x55d: {  	[sflag:s20] =	ssyncset.done $0x0  }
0x55e: {  	[sflag:s20] =	ssyncadd.s32 $0xFFFFC000  }
0x55f: {  	[hbm4b:s31+s2] =	stream.linear.scatter [tilespmem:s12], [sflag:$0xC], $0x4000, $0x38;
	[tilespmem:$0x19900] =	vst v63  }
0x560: {  	_ =	swait.ge [sflag:s16], $0x4000  }
0x561: {  	s1 =	sld [smem:$0x7F9]  }
0x562: {  	[sflag:s16] =	ssyncset.done $0x0  }
0x563: {  	[sflag:s16] =	ssyncadd.s32 $0xFFFFC000  }
0x564: {  	[tilespmem:s13], [sflag:$0x4] =	stream.indirect.gather [hbm4b:s3+s8], $0x80, s1, s8, $0xb8;
	[tilespmem:$0x19900] =	vst v63  }
0x565: {  	_ =	swait.ge [sflag:s9], $0x4000  }
0x566: {  	s30 =	sld [smem:$0x7C6]  }
0x567: {  	[sflag:s9] =	ssyncset.done $0x0  }
0x568: {  	[sflag:s9] =	ssyncadd.s32 $0xFFFFC000  }
0x569: {  	[hbm4b:s30+s2] =	stream.linear.scatter [tilespmem:s5], [sflag:$0x7], $0x4000, $0x38;
	[tilespmem:$0x19900] =	vst v63  }
0x56a: {  	_ =	swait.ge [sflag:s17], $0x4000  }
0x56b: {  	s31 =	sld [smem:$0x7FA]  }
0x56c: {  	[sflag:s17] =	ssyncset.done $0x0  }
0x56d: {  	[sflag:s17] =	ssyncadd.s32 $0xFFFFC000  }
0x56e: {  	[tilespmem:s11], [sflag:$0x5] =	stream.indirect.gather [hbm4b:s3+s8], $0x80, s31, s8, $0xb8;
	[tilespmem:$0x19900] =	vst v63  }
0x56f: {  	_ =	swait.ge [sflag:s10], $0x4000  }
0x570: {  	s1 =	sld [smem:$0x7C7]  }
0x571: {  	[sflag:s10] =	ssyncset.done $0x0  }
0x572: {  	[sflag:s10] =	ssyncadd.s32 $0xFFFFC000  }
0x573: {  	[hbm4b:s1+s2] =	stream.linear.scatter [tilespmem:s4], [sflag:$0x8], $0x4000, $0x38;
	[tilespmem:$0x19900] =	vst v63  }
0x574: {  	_ =	swait.ge [sflag:s18], $0x4000  }
0x575: {  	s30 =	sld [smem:$0x7FB]  }
0x576: {  	[sflag:s18] =	ssyncset.done $0x0  }
0x577: {  	[sflag:s18] =	ssyncadd.s32 $0xFFFFC000  }
0x578: {  	[tilespmem:s12], [sflag:$0x6] =	stream.indirect.gather [hbm4b:s3+s8], $0x80, s30, s8, $0xb8;
	[tilespmem:$0x19900] =	vst v63  }
0x579: {  	_ =	swait.ge [sflag:s22], $0x4000  }
0x57a: {  	s31 =	sld [smem:$0x7C8]  }
0x57b: {  	[sflag:s22] =	ssyncset.done $0x0  }
0x57c: {  	[sflag:s22] =	ssyncadd.s32 $0xFFFFC000  }
0x57d: {  	[hbm4b:s31+s2] =	stream.linear.scatter [tilespmem:s15], [sflag:$0x9], $0x4000, $0x38;
	[tilespmem:$0x19900] =	vst v63  }
0x57e: {  	_ =	swait.ge [sflag:s6], $0x4000  }
0x57f: {  	s1 =	sld [smem:$0x7FC]  }
0x580: {  	[sflag:s6] =	ssyncset.done $0x0  }
0x581: {  	[sflag:s6] =	ssyncadd.s32 $0xFFFFC000  }
0x582: {  	[tilespmem:s5], [sflag:$0x1] =	stream.indirect.gather [hbm4b:s3+s8], $0x80, s1, s8, $0xb8;
	[tilespmem:$0x19900] =	vst v63  }
0x583: {  	_ =	swait.ge [sflag:s21], $0x4000  }
0x584: {  	s30 =	sld [smem:$0x7C9]  }
0x585: {  	[sflag:s21] =	ssyncset.done $0x0  }
0x586: {  	[sflag:s21] =	ssyncadd.s32 $0xFFFFC000  }
0x587: {  	[hbm4b:s30+s2] =	stream.linear.scatter [tilespmem:s13], [sflag:$0xA], $0x4000, $0x38;
	[tilespmem:$0x19900] =	vst v63  }
0x588: {  	_ =	swait.ge [sflag:s7], $0x4000  }
0x589: {  	s31 =	sld [smem:$0x7FD]  }
0x58a: {  	[sflag:s7] =	ssyncset.done $0x0  }
0x58b: {  	[sflag:s7] =	ssyncadd.s32 $0xFFFFC000  }
0x58c: {  	[tilespmem:s4], [sflag:$0x2] =	stream.indirect.gather [hbm4b:s3+s8], $0x80, s31, s8, $0xb8;
	[tilespmem:$0x19900] =	vst v63  }
0x58d: {  	_ =	swait.ge [sflag:s19], $0x4000  }
0x58e: {  	s1 =	sld [smem:$0x7CA]  }
0x58f: {  	[sflag:s19] =	ssyncset.done $0x0  }
0x590: {  	[sflag:s19] =	ssyncadd.s32 $0xFFFFC000  }
0x591: {  	[hbm4b:s1+s2] =	stream.linear.scatter [tilespmem:s11], [sflag:$0xB], $0x4000, $0x38;
	[tilespmem:$0x19900] =	vst v63  }
0x592: {  	_ =	swait.ge [sflag:s14], $0x4000  }
0x593: {  	[sflag:s14] =	ssyncset.done $0x0  }
0x594: {  	[sflag:s14] =	ssyncadd.s32 $0xFFFFC000  }
0x595: {  	[tilespmem:s15], [sflag:$0x3] =	stream.indirect.gather [hbm4b:s3+s8], $0x80, s24, s8, $0xb8;
	[tilespmem:$0x19900] =	vst v63  }
0x596: {  	_ =	swait.ge [sflag:s20], $0x4000  }
0x597: {  	s30 =	sld [smem:$0x7CB]  }
0x598: {  	[sflag:s20] =	ssyncset.done $0x0  }
0x599: {  	[sflag:s20] =	ssyncadd.s32 $0xFFFFC000  }
0x59a: {  	[hbm4b:s30+s2] =	stream.linear.scatter [tilespmem:s12], [sflag:$0xC], $0x4000, $0x38;
	[tilespmem:$0x19900] =	vst v63  }
0x59b: {  	_ =	swait.ge [sflag:s16], $0x4000  }
0x59c: {  	[sflag:s16] =	ssyncset.done $0x0  }
0x59d: {  	[sflag:s16] =	ssyncadd.s32 $0xFFFFC000  }
0x59e: {  	[tilespmem:s13], [sflag:$0x4] =	stream.indirect.gather [hbm4b:s3+s8], $0x80, s29, s8, $0xb8;
	[tilespmem:$0x19900] =	vst v63  }
0x59f: {  	_ =	swait.ge [sflag:s9], $0x4000  }
0x5a0: {  	s31 =	sld [smem:$0x7CC]  }
0x5a1: {  	[sflag:s9] =	ssyncset.done $0x0  }
0x5a2: {  	[sflag:s9] =	ssyncadd.s32 $0xFFFFC000  }
0x5a3: {  	[hbm4b:s31+s2] =	stream.linear.scatter [tilespmem:s5], [sflag:$0x7], $0x4000, $0x38;
	[tilespmem:$0x19900] =	vst v63  }
0x5a4: {  	_ =	swait.ge [sflag:s17], $0x4000  }
0x5a5: {  	[sflag:s17] =	ssyncset.done $0x0  }
0x5a6: {  	[sflag:s17] =	ssyncadd.s32 $0xFFFFC000  }
0x5a7: {  	[tilespmem:s11], [sflag:$0x5] =	stream.indirect.gather [hbm4b:s3+s8], $0x80, s28, s8, $0xb8;
	[tilespmem:$0x19900] =	vst v63  }
0x5a8: {  	_ =	swait.ge [sflag:s10], $0x4000  }
0x5a9: {  	s1 =	sld [smem:$0x7CD]  }
0x5aa: {  	[sflag:s10] =	ssyncset.done $0x0  }
0x5ab: {  	[sflag:s10] =	ssyncadd.s32 $0xFFFFC000  }
0x5ac: {  	[hbm4b:s1+s2] =	stream.linear.scatter [tilespmem:s4], [sflag:$0x8], $0x4000, $0x38;
	[tilespmem:$0x19900] =	vst v63  }
0x5ad: {  	_ =	swait.ge [sflag:s18], $0x4000  }
0x5ae: {  	[sflag:s18] =	ssyncset.done $0x0  }
0x5af: {  	[sflag:s18] =	ssyncadd.s32 $0xFFFFC000  }
0x5b0: {  	[tilespmem:s12], [sflag:$0x6] =	stream.indirect.gather [hbm4b:s3+s8], $0x80, s26, s8, $0xb8;
	[tilespmem:$0x19900] =	vst v63  }
0x5b1: {  	_ =	swait.ge [sflag:s22], $0x4000  }
0x5b2: {  	s24 =	sld [smem:$0x7CE]  }
0x5b3: {  	[sflag:s22] =	ssyncset.done $0x0  }
0x5b4: {  	[sflag:s22] =	ssyncadd.s32 $0xFFFFC000  }
0x5b5: {  	[hbm4b:s24+s2] =	stream.linear.scatter [tilespmem:s15], [sflag:$0x9], $0x4000, $0x38;
	[tilespmem:$0x19900] =	vst v63  }
0x5b6: {  	_ =	swait.ge [sflag:s6], $0x4000  }
0x5b7: {  	[sflag:s6] =	ssyncset.done $0x0  }
0x5b8: {  	[sflag:s6] =	ssyncadd.s32 $0xFFFFC000  }
0x5b9: {  	[tilespmem:s5], [sflag:$0x1] =	stream.indirect.gather [hbm4b:s3+s8], $0x80, s25, s8, $0xb8;
	[tilespmem:$0x19900] =	vst v63  }
0x5ba: {  	_ =	swait.ge [sflag:s21], $0x4000  }
0x5bb: {  	s25 =	sld [smem:$0x7CF]  }
0x5bc: {  	[sflag:s21] =	ssyncset.done $0x0  }
0x5bd: {  	[sflag:s21] =	ssyncadd.s32 $0xFFFFC000  }
0x5be: {  	[hbm4b:s25+s2] =	stream.linear.scatter [tilespmem:s13], [sflag:$0xA], $0x4000, $0x38;
	[tilespmem:$0x19900] =	vst v63  }
0x5bf: {  	_ =	swait.ge [sflag:s7], $0x4000  }
0x5c0: {  	[sflag:s7] =	ssyncset.done $0x0  }
0x5c1: {  	s26 =	simm.s32 $0x1880;
	[sflag:s7] =	ssyncadd.s32 $0xFFFFC000  }
0x5c2: {  	[tilespmem:s4], [sflag:$0x2] =	stream.indirect.gather [hbm4b:s3+s8], $0x80, s26, s8, $0xb8;
	[tilespmem:$0x19900] =	vst v63  }
0x5c3: {  	_ =	swait.ge [sflag:s19], $0x4000  }
0x5c4: {  	s28 =	sld [smem:$0x7D0]  }
0x5c5: {  	[sflag:s19] =	ssyncset.done $0x0  }
0x5c6: {  	[sflag:s19] =	ssyncadd.s32 $0xFFFFC000  }
0x5c7: {  	[hbm4b:s28+s2] =	stream.linear.scatter [tilespmem:s11], [sflag:$0xB], $0x4000, $0x38;
	[tilespmem:$0x19900] =	vst v63  }
0x5c8: {  	_ =	swait.ge [sflag:s20], $0x4000  }
0x5c9: {  	s29 =	sld [smem:$0x7D1]  }
0x5ca: {  	[sflag:s20] =	ssyncset.done $0x0  }
0x5cb: {  	[sflag:s20] =	ssyncadd.s32 $0xFFFFC000  }
0x5cc: {  	[hbm4b:s29+s2] =	stream.linear.scatter [tilespmem:s12], [sflag:$0xC], $0x4000, $0x38;
	[tilespmem:$0x19900] =	vst v63  }
0x5cd: {  	_ =	swait.ge [sflag:s9], $0x4000  }
0x5ce: {  	s30 =	sld [smem:$0x7D2]  }
0x5cf: {  	[sflag:s9] =	ssyncset.done $0x0  }
0x5d0: {  	[sflag:s9] =	ssyncadd.s32 $0xFFFFC000  }
0x5d1: {  	[hbm4b:s30+s2] =	stream.linear.scatter [tilespmem:s5], [sflag:$0x7], $0x4000, $0x38;
	[tilespmem:$0x19900] =	vst v63  }
0x5d2: {  	_ =	swait.ge [sflag:s10], $0x4000  }
0x5d3: {  	s31 =	sld [smem:$0x7D3]  }
0x5d4: {  	[sflag:s10] =	ssyncset.done $0x0  }
0x5d5: {  	[sflag:s10] =	ssyncadd.s32 $0xFFFFC000  }
0x5d6: {  	[hbm4b:s31+s2] =	stream.linear.scatter [tilespmem:s4], [sflag:$0x8], $0x4000, $0x38;
	[tilespmem:$0x19900] =	vst v63  }
0x5d7: {  	_ =	swait.ge [sflag:s14], $0x4000  }
0x5d8: {  	[sflag:s14] =	ssyncset.done $0x0  }
0x5d9: {  	[sflag:s14] =	ssyncadd.s32 $0xFFFFC000  }
0x5da: {  	_ =	swait.ge [sflag:s16], $0x4000  }
0x5db: {  	[sflag:s16] =	ssyncset.done $0x0  }
0x5dc: {  	[sflag:s16] =	ssyncadd.s32 $0xFFFFC000  }
0x5dd: {  	_ =	swait.ge [sflag:s17], $0x4000  }
0x5de: {  	[sflag:s17] =	ssyncset.done $0x0  }
0x5df: {  	[sflag:s17] =	ssyncadd.s32 $0xFFFFC000  }
0x5e0: {  	_ =	swait.ge [sflag:s18], $0x4000  }
0x5e1: {  	[sflag:s18] =	ssyncset.done $0x0  }
0x5e2: {  	[sflag:s18] =	ssyncadd.s32 $0xFFFFC000  }
0x5e3: {  	_ =	swait.ge [sflag:s6], $0x4000  }
0x5e4: {  	[sflag:s6] =	ssyncset.done $0x0  }
0x5e5: {  	[sflag:s6] =	ssyncadd.s32 $0xFFFFC000  }
0x5e6: {  	_ =	swait.ge [sflag:s7], $0x4000  }
0x5e7: {  	[sflag:s7] =	ssyncset.done $0x0  }
0x5e8: {  	[sflag:s7] =	ssyncadd.s32 $0xFFFFC000  }
0x5e9: {  	_ =	sfence.sel $0x180000  }
0x5ea: {  	[bflag:$0x0] =	sbarrier.arrive $0xFFFF  }
0x5eb: {  	_ =	strace $0x90000047  }
0x5ec: {  	[bflag:$0x2] =	sbarrier.arrive $0xFFFF  }
0x5ed: {  	p0 =	sne.s32 s23, $0x0;
	s0 =	rddreg [dreg:$0x3]  }
0x5ee: {  	s0 =	sadd.s32 @!p0 $0x100000, s0  }
0x5ef: {  	[sflag:s0] =	ssyncadd.tile.s32 @!p0 $0x1;
	_ =	shalt  }
.LBB2_1:
.Ltmp3:
0x5f0: {  	(pc) =	sbr.rel .LBB2_6-.Ltmp3, $3  }
0x5f1: {  	_ =	sdelay $0x1  }
0x5f2: {  	s24 =	simm.s32 $0x1600;
	s29 =	simm.s32 $0x1680  }
0x5f3: {  	s28 =	simm.s32 $0x1700;
	s26 =	simm.s32 $0x1780;
	s25 =	simm.s32 $0x1800  }
.LBB2_3:
.Ltmp4:
0x5f4: {  	(pc) =	sbr.rel .LBB2_6-.Ltmp4, $3  }
0x5f5: {  	_ =	sdelay $0x1  }
0x5f6: {  	s24 =	simm.s32 $0x1600;
	s29 =	simm.s32 $0x1680;
	s28 =	simm.s32 $0x1700  }
0x5f7: {  	s26 =	simm.s32 $0x1780;
	s25 =	simm.s32 $0x1800;
	s23 =	stileid.u32  }
.Lfunc_end2:
_tile_overlayer_lowered:
.L_overlay_start_2:
0x5f8: {  	(tag) =	ssettag $0x2  }
0x5f9: {  	s0 =	rddreg [dreg:$0x0];
	s2 =	stileid.u32  }
0x5fa: {  	s1 =	rddreg [dreg:$0x1];
	p0 =	sne.s32 s2, $0x0  }
0x5fb: {  	s3 =	rddreg [dreg:$0x2];
	[bflag:$0x3] =	sbarrier.arrive $0xFFFF;
	s2 =	simm.s32 @!p0 $0x1C0D  }
0x5fc: {  	[timem:s3], [sflag:s2] =	dma.local @!p0 [hbm:s0], s1  }
0x5fd: {  	s0 =	simm.s32 @!p0 $0xD  }
0x5fe: {  	_ =	swait.ge @!p0 [sflag:s0], s1  }
0x5ff: {  	s1 =	ssub.s32 @!p0 $0x0, s1;
	[sflag:s0] =	ssyncset.done @!p0 $0x0  }
0x600: {  	[sflag:s0] =	ssyncadd.s32 @!p0 s1  }
0x601: {  	[bflag:$0x3] =	sbarrier.arrive $0xFFFF  }
0x602: {  	_ =	shalt  }

</sc_bundles>
